<compile_context>
chip_gen: v7x
topology: tpu7x:2x2x1
jax: 0.10.2.dev20260603
libtpu: 0.0.44.dev20260713+nightly
codegen_flags: <defaults>
</compile_context>

<pallas_src>
import functools

import jax
import jax.numpy as jnp
from jax import lax
from jax.experimental import pallas as pl
from jax.experimental.pallas import tpu as pltpu
from jax.experimental.pallas import tpu_sc as plsc

N = 10000
E = 320000
D = 128
C = 50
NC = 2
NS = 16
NW = NC * NS
EPW = E // NW
K = 125
CH = EPW // K
CH2 = CH // 2
NP = 10240
RPT = NP // NS
NB = 4
BN = NP // NB

@functools.lru_cache(maxsize=None)
def _mesh():
    return plsc.VectorSubcoreMesh(core_axis_name="c", subcore_axis_name="s")



def _deg_body(src_i, dst_i, outs_h, outd_h, idx_s, idx_d, hist_s, hist_d):
    c = lax.axis_index("c")
    s = lax.axis_index("s")
    wid = c * NS + s
    pltpu.sync_copy(src_i.at[pl.ds(wid * EPW, EPW)], idx_s)
    pltpu.sync_copy(dst_i.at[pl.ds(wid * EPW, EPW)], idx_d)

    zeros16 = jnp.zeros((16,), jnp.float32)

    def z(i, carry):
        hist_s[pl.ds(i * 16, 16)] = zeros16
        hist_d[pl.ds(i * 16, 16)] = zeros16
        return carry

    lax.fori_loop(0, NP // 16, z, 0)

    ones16 = jnp.ones((16,), jnp.float32)

    def acc(i, carry):
        for u in range(4):
            t = i * 4 + u
            plsc.addupdate_scatter(hist_s, [idx_s[pl.ds(t * 16, 16)]], ones16)
            plsc.addupdate_scatter(hist_d, [idx_d[pl.ds(t * 16, 16)]], ones16)
        return carry

    lax.fori_loop(0, EPW // 64, acc, 0)
    pltpu.sync_copy(hist_s, outs_h.at[pl.ds(wid * NP, NP)])
    pltpu.sync_copy(hist_d, outd_h.at[pl.ds(wid * NP, NP)])


@functools.lru_cache(maxsize=None)
def _deg_call():
    return pl.kernel(
        _deg_body,
        out_type=(jax.ShapeDtypeStruct((NW * NP,), jnp.float32),
                  jax.ShapeDtypeStruct((NW * NP,), jnp.float32)),
        mesh=_mesh(),
        scratch_types=[
            pltpu.VMEM((EPW,), jnp.int32),
            pltpu.VMEM((EPW,), jnp.int32),
            pltpu.VMEM((NP,), jnp.float32),
            pltpu.VMEM((NP,), jnp.float32),
        ],
        compiler_params=pltpu.CompilerParams(needs_layout_passes=False),
    )


def _agg_body(h_h, src_i, dst_i, out_h, idx_s, idx_d, rows0, rows1,
              acc, semg0, semg1, sems0, sems1):
    c = lax.axis_index("c")
    s = lax.axis_index("s")
    wid = c * NS + s

    zf = jnp.zeros((16,), jnp.float32)

    def zz(i, carry):
        for cc in range(8):
            rows0[i, pl.ds(cc * 16, 16)] = zf
        return carry

    lax.fori_loop(0, 128, zz, 0)
    for t in range(RPT // 128):
        pltpu.sync_copy(rows0, acc.at[pl.ds(s * RPT + t * 128, 128)])
    plsc.subcore_barrier()

    g0 = rows0.at[pl.ds(0, K)]
    g1 = rows1.at[pl.ds(0, K)]

    def half(hf):
        pltpu.sync_copy(src_i.at[wid, pl.ds(hf * CH2, CH2)], idx_s)
        pltpu.sync_copy(dst_i.at[wid, pl.ds(hf * CH2, CH2)], idx_d)
        pltpu.async_copy(h_h.at[idx_s.at[0]], g0, semg0)

        def pair(i, carry):
            j = 2 * i

            @pl.when(i > 0)
            def _():
                pltpu.make_async_copy(g1, acc.at[idx_d.at[j - 1]], sems1).wait()

            pltpu.async_copy(h_h.at[idx_s.at[j + 1]], g1, semg1)
            pltpu.make_async_copy(h_h.at[idx_s.at[j]], g0, semg0).wait()
            pltpu.sync_copy(g0, acc.at[idx_d.at[j]], add=True)

            @pl.when(j + 2 < CH2)
            def _():
                pltpu.async_copy(h_h.at[idx_s.at[j + 2]], g0, semg0)

            pltpu.make_async_copy(h_h.at[idx_s.at[j + 1]], g1, semg1).wait()
            pltpu.make_async_copy(g1, acc.at[idx_d.at[j + 1]], sems1).start(add=True)
            return carry

        lax.fori_loop(0, CH2 // 2, pair, 0)
        pltpu.make_async_copy(g1, acc.at[idx_d.at[CH2 - 1]], sems1).wait()

    half(0)
    half(1)
    plsc.subcore_barrier()
    pltpu.sync_copy(acc.at[pl.ds(s * RPT, RPT)],
                    out_h.at[c, pl.ds(s * RPT, RPT)])


@functools.lru_cache(maxsize=None)
def _agg_call():
    return pl.kernel(
        _agg_body,
        out_type=jax.ShapeDtypeStruct((NC, NP, D), jnp.float32),
        mesh=_mesh(),
        scratch_types=[
            pltpu.VMEM((CH2, K), jnp.int32),
            pltpu.VMEM((CH2, K), jnp.int32),
            pltpu.VMEM((128, D), jnp.float32),
            pltpu.VMEM((128, D), jnp.float32),
            pltpu.VMEM_SHARED((NP, D), jnp.float32),
            pltpu.SemaphoreType.DMA,
            pltpu.SemaphoreType.DMA,
            pltpu.SemaphoreType.DMA,
            pltpu.SemaphoreType.DMA,
        ],
    )



def _norm_body(dsr, ddr, x, ns_o, nd_o, xs_o):
    ones = jnp.ones((NW, 1), jnp.float32)
    dn = (((0,), (0,)), ((), ()))
    deg_s = lax.dot_general(dsr[...], ones, dn, preferred_element_type=jnp.float32)
    deg_d = lax.dot_general(ddr[...], ones, dn, preferred_element_type=jnp.float32)
    n_s = lax.rsqrt(jnp.maximum(deg_s, 1.0))
    n_d = lax.rsqrt(jnp.maximum(deg_d, 1.0))
    ns_o[...] = n_s
    nd_o[...] = n_d
    xs_o[...] = x[...] * n_s


def _norm_call(degs, degd, x):
    deg_spec = pl.BlockSpec((NW, BN), lambda i: (0, i))
    n_spec = pl.BlockSpec((BN, 1), lambda i: (i, 0))
    return pl.pallas_call(
        _norm_body,
        grid=(NB,),
        in_specs=[deg_spec, deg_spec,
                  pl.BlockSpec((BN, D), lambda i: (i, 0))],
        out_specs=[n_spec, n_spec, pl.BlockSpec((BN, D), lambda i: (i, 0))],
        out_shape=[jax.ShapeDtypeStruct((NP, 1), jnp.float32),
                   jax.ShapeDtypeStruct((NP, 1), jnp.float32),
                   jax.ShapeDtypeStruct((NP, D), jnp.float32)],
    )(degs, degd, x)


_P0_SPEC = pl.BlockSpec((1, BN, D), lambda i: (0, i, 0))
_P1_SPEC = pl.BlockSpec((1, BN, D), lambda i: (1, i, 0))


def _layer_body(p0, p1, nd, ns, w, b, o):
    agg = (p0[0] + p1[0]) * nd[...]
    h = jnp.dot(agg, w[...], preferred_element_type=jnp.float32) + b[...]
    o[...] = jnp.maximum(h, 0.0) * ns[...]


def _layer_call(p, nd, ns, w, b):
    blk = pl.BlockSpec((BN, D), lambda i: (i, 0))
    n_spec = pl.BlockSpec((BN, 1), lambda i: (i, 0))
    return pl.pallas_call(
        _layer_body,
        grid=(NB,),
        in_specs=[_P0_SPEC, _P1_SPEC, n_spec, n_spec,
                  pl.BlockSpec((D, D), lambda i: (0, 0)),
                  pl.BlockSpec((1, D), lambda i: (0, 0))],
        out_specs=blk,
        out_shape=jax.ShapeDtypeStruct((NP, D), jnp.float32),
    )(p, p, nd, ns, w, b)


def _head_body(p0, p1, nd, w, b, wp, bp, o, acc):
    i = pl.program_id(0)
    agg = (p0[0] + p1[0]) * nd[...]
    h = jnp.dot(agg, w[...], preferred_element_type=jnp.float32) + b[...]
    h = jnp.maximum(h, 0.0)
    row = lax.broadcasted_iota(jnp.int32, (BN, 1), 0) + i * BN
    h = jnp.where(row < N, h, 0.0)
    colsum = jnp.sum(h, axis=0, keepdims=True)

    @pl.when(i == 0)
    def _():
        acc[...] = colsum

    @pl.when(i > 0)
    def _():
        acc[...] = acc[...] + colsum

    @pl.when(i == NB - 1)
    def _():
        hg = acc[...] * (1.0 / N)
        o[...] = jnp.dot(hg, wp[...], preferred_element_type=jnp.float32) + bp[...]


def _head_call(p, nd, w, b, wpT, bp):
    return pl.pallas_call(
        _head_body,
        grid=(NB,),
        in_specs=[_P0_SPEC, _P1_SPEC, pl.BlockSpec((BN, 1), lambda i: (i, 0)),
                  pl.BlockSpec((D, D), lambda i: (0, 0)),
                  pl.BlockSpec((1, D), lambda i: (0, 0)),
                  pl.BlockSpec((D, C), lambda i: (0, 0)),
                  pl.BlockSpec((1, C), lambda i: (0, 0))],
        out_specs=pl.BlockSpec((1, C), lambda i: (0, 0)),
        out_shape=jax.ShapeDtypeStruct((1, C), jnp.float32),
        scratch_shapes=[pltpu.VMEM((1, D), jnp.float32)],
    )(p, p, nd, w, b, wpT, bp)



def kernel(features, edge_index, W1, b1, W2, b2, W3, b3, Wp, bp):
    src3 = edge_index[0].reshape(NW, CH, K)
    dst3 = edge_index[1].reshape(NW, CH, K)
    xpad = jnp.pad(features, ((0, NP - N), (0, 0)))

    degs, degd = _deg_call()(edge_index[0], edge_index[1])
    norm_src, norm_dst, h = _norm_call(degs.reshape(NW, NP),
                                       degd.reshape(NW, NP), xpad)
    for w, b in ((W1, b1), (W2, b2)):
        p = _agg_call()(h, src3, dst3)
        h = _layer_call(p, norm_dst, norm_src, w, b.reshape(1, D))
    p = _agg_call()(h, src3, dst3)
    return _head_call(p, norm_dst, W3, b3.reshape(1, D),
                      Wp.T, bp.reshape(1, C))

# --- scband reference (transcript-rebuilt; emitter-appended) ---
"""Pipeline reference for scband-basic-gcnsegmentation-48593259987372 (READ-ONLY COPY).

The authoritative reference and input builder live on the scoring server;
editing this copy changes nothing except your own understanding.
"""

import jax, jax.numpy as jnp
import numpy as np

N = 10000
E = 320000
D = 128
H = 128
C = 50


def setup_inputs(seed: int = 0) -> dict:
    key = jax.random.key(seed)
    ks = jax.random.split(key, 12)
    features = jax.random.normal(ks[0], (N, D), dtype=jnp.float32)
    edge_index = jax.random.randint(ks[1], (2, E), 0, N, dtype=jnp.int32)
    W1 = jax.random.normal(ks[2], (D, H), dtype=jnp.float32) * 0.05
    b1 = jnp.zeros((H,), dtype=jnp.float32)
    W2 = jax.random.normal(ks[3], (H, H), dtype=jnp.float32) * 0.05
    b2 = jnp.zeros((H,), dtype=jnp.float32)
    W3 = jax.random.normal(ks[4], (H, H), dtype=jnp.float32) * 0.05
    b3 = jnp.zeros((H,), dtype=jnp.float32)
    Wp = jax.random.normal(ks[5], (C, H), dtype=jnp.float32) * 0.05
    bp = jnp.zeros((C,), dtype=jnp.float32)
    return {"features": features, "edge_index": edge_index,
            "W1": W1, "b1": b1, "W2": W2, "b2": b2, "W3": W3, "b3": b3,
            "Wp": Wp, "bp": bp}


def _gcn_layer(x, src, dst, W, b, n_nodes):
    # DGL GraphConv with norm='both':
    #   h = D_dst^{-1/2} * A * (D_src^{-1/2} * x) * W + b, then ReLU
    ones = jnp.ones((src.shape[0],), dtype=x.dtype)
    deg_out = jax.ops.segment_sum(ones, src, num_segments=n_nodes)
    deg_in = jax.ops.segment_sum(ones, dst, num_segments=n_nodes)
    norm_src = jax.lax.rsqrt(jnp.clip(deg_out, 1.0, None))
    norm_dst = jax.lax.rsqrt(jnp.clip(deg_in, 1.0, None))
    h = x * norm_src[:, None]
    msgs = jnp.take(h, src, axis=0)            # gather over edges
    agg = jax.ops.segment_sum(msgs, dst, num_segments=n_nodes)  # scatter-add
    agg = agg * norm_dst[:, None]
    out = agg @ W + b
    return jax.nn.relu(out)


def reference(features, edge_index, W1, b1, W2, b2, W3, b3, Wp, bp):
    src = edge_index[0]
    dst = edge_index[1]
    n_nodes = features.shape[0]
    hidden = _gcn_layer(features, src, dst, W1, b1, n_nodes)
    hidden = _gcn_layer(hidden, src, dst, W2, b2, n_nodes)
    hidden = _gcn_layer(hidden, src, dst, W3, b3, n_nodes)
    # gap_output = mean over trailing singleton dim -> identity on [N, H]
    gap_output = jnp.mean(hidden.reshape(hidden.shape[0], hidden.shape[1], -1), axis=2)
    # dgl.mean_nodes over a single graph -> [1, H]
    hg = jnp.mean(gap_output, axis=0, keepdims=True)
    seg_output = hg @ Wp.T + bp  # [1, C]
    return seg_output


if False:  # reference __main__ guard neutralized (emitter)
    out = reference(**setup_inputs())
    print(out.shape)

if __name__ == "__main__":
    import jax
    _d = setup_inputs()
    print(jax.jit(kernel)(*tuple(_d.values())))

</pallas_src>

<mosaic_0001>
#map = affine_map<(d0, d1) -> (0)>
module attributes {stable_mosaic.version = 14 : i64} {
  func.func @_deg_body(%arg0: i32, %arg1: i32, %arg2: memref<320000xi32, #tpu.memory_space<hbm>>, %arg3: memref<320000xi32, #tpu.memory_space<hbm>>, %arg4: memref<327680xf32, #tpu.memory_space<hbm>>, %arg5: memref<327680xf32, #tpu.memory_space<hbm>>, %arg6: memref<10000xi32, #tpu.memory_space<vmem>>, %arg7: memref<10000xi32, #tpu.memory_space<vmem>>, %arg8: memref<10240xf32, #tpu.memory_space<vmem>>, %arg9: memref<10240xf32, #tpu.memory_space<vmem>>) attributes {dimension_semantics = [#tpu.dimension_semantics<core_parallel>, #tpu.dimension_semantics<subcore_parallel>], iteration_bounds = array<i64: 2, 16>, scalar_prefetch = 0 : i64, scratch_operands = 4 : i64, tpu.core_type = #tpu.core_type<sc_vector_subcore>, window_params = [{transform_indices = #map}, {transform_indices = #map}, {transform_indices = #map}, {transform_indices = #map}]} {
    %mul3A = arith.constant 16 : i32
    %mul3A_0 = arith.muli %arg0, %mul3A : i32
    %add3A = arith.addi %mul3A_0, %arg1 : i32
    %mul3A_1 = arith.constant 10000 : i32
    %mul3A_2 = arith.muli %add3A, %mul3A_1 : i32
    "tpu.region"() ({
      %run_scoped3A = tpu.sem_alloc : memref<!tpu.dma_semaphore, #tpu.memory_space<semaphore_mem>>
      %dma_start3A = tpu.memref_slice %arg2[%mul3A_2] : memref<320000xi32, #tpu.memory_space<hbm>> -> memref<10000xi32, #tpu.memory_space<hbm>>
      %dma_start3A_23 = tpu.memref_slice %arg2[%mul3A_2] : memref<320000xi32, #tpu.memory_space<hbm>> -> memref<10000xi32, #tpu.memory_space<hbm>>
      tpu.enqueue_dma source(%dma_start3A_23 : memref<10000xi32, #tpu.memory_space<hbm>>) target(%arg6 : memref<10000xi32, #tpu.memory_space<vmem>>) target_semaphore(%run_scoped3A : memref<!tpu.dma_semaphore, #tpu.memory_space<semaphore_mem>>)
      %dma_wait3A = tpu.memref_slice %arg2[%mul3A_2] : memref<320000xi32, #tpu.memory_space<hbm>> -> memref<10000xi32, #tpu.memory_space<hbm>>
      %dma_wait3A_24 = tpu.memref_slice %arg2[%mul3A_2] : memref<320000xi32, #tpu.memory_space<hbm>> -> memref<10000xi32, #tpu.memory_space<hbm>>
      tpu.wait_dma2 semaphore(%run_scoped3A : memref<!tpu.dma_semaphore, #tpu.memory_space<semaphore_mem>>) src(%dma_wait3A_24 : memref<10000xi32, #tpu.memory_space<hbm>>) dst(%arg6 : memref<10000xi32, #tpu.memory_space<vmem>>)
      tpu.yield
    }) : () -> ()
    %mul3A_3 = arith.constant 10000 : i32
    %mul3A_4 = arith.muli %add3A, %mul3A_3 : i32
    "tpu.region"() ({
      %run_scoped3A = tpu.sem_alloc : memref<!tpu.dma_semaphore, #tpu.memory_space<semaphore_mem>>
      %dma_start3A = tpu.memref_slice %arg3[%mul3A_4] : memref<320000xi32, #tpu.memory_space<hbm>> -> memref<10000xi32, #tpu.memory_space<hbm>>
      %dma_start3A_23 = tpu.memref_slice %arg3[%mul3A_4] : memref<320000xi32, #tpu.memory_space<hbm>> -> memref<10000xi32, #tpu.memory_space<hbm>>
      tpu.enqueue_dma source(%dma_start3A_23 : memref<10000xi32, #tpu.memory_space<hbm>>) target(%arg7 : memref<10000xi32, #tpu.memory_space<vmem>>) target_semaphore(%run_scoped3A : memref<!tpu.dma_semaphore, #tpu.memory_space<semaphore_mem>>)
      %dma_wait3A = tpu.memref_slice %arg3[%mul3A_4] : memref<320000xi32, #tpu.memory_space<hbm>> -> memref<10000xi32, #tpu.memory_space<hbm>>
      %dma_wait3A_24 = tpu.memref_slice %arg3[%mul3A_4] : memref<320000xi32, #tpu.memory_space<hbm>> -> memref<10000xi32, #tpu.memory_space<hbm>>
      tpu.wait_dma2 semaphore(%run_scoped3A : memref<!tpu.dma_semaphore, #tpu.memory_space<semaphore_mem>>) src(%dma_wait3A_24 : memref<10000xi32, #tpu.memory_space<hbm>>) dst(%arg7 : memref<10000xi32, #tpu.memory_space<vmem>>)
      tpu.yield
    }) : () -> ()
    %broadcast_in_dim3A = arith.constant 0.000000e+00 : f32
    %broadcast_in_dim3A_5 = vector.broadcast %broadcast_in_dim3A : f32 to vector<16xf32>
    %scan3A = arith.constant 0 : i32
    %scan3A_6 = arith.constant 0 : i32
    %scan3A_7 = arith.constant 640 : i32
    %scan3A_8 = arith.addi %scan3A_6, %scan3A_7 : i32
    %scan3A_9 = arith.constant 1 : i32
    scf.for %scan3A_23 = %scan3A_6 to %scan3A_8 step %scan3A_9  : i32 {
      %mul3A_24 = arith.constant 16 : i32
      %mul3A_25 = arith.muli %scan3A_23, %mul3A_24 : i32
      %swap3A = arith.index_cast %mul3A_25 : i32 to index
      %swap3A_26 = tpu.vector_load %arg8[%swap3A] {strides = array<i32>} : memref<10240xf32, #tpu.memory_space<vmem>>, vector<16xf32>,
      tpu.vector_store %arg8[%swap3A], %broadcast_in_dim3A_5 {strides = array<i32>} : memref<10240xf32, #tpu.memory_space<vmem>>, vector<16xf32>,
      %mul3A_27 = arith.constant 16 : i32
      %mul3A_28 = arith.muli %scan3A_23, %mul3A_27 : i32
      %swap3A_29 = arith.index_cast %mul3A_28 : i32 to index
      %swap3A_30 = tpu.vector_load %arg9[%swap3A_29] {strides = array<i32>} : memref<10240xf32, #tpu.memory_space<vmem>>, vector<16xf32>,
      tpu.vector_store %arg9[%swap3A_29], %broadcast_in_dim3A_5 {strides = array<i32>} : memref<10240xf32, #tpu.memory_space<vmem>>, vector<16xf32>,
    }
    %scan3A_10 = arith.constant 640 : i32
    %broadcast_in_dim3A_11 = arith.constant 1.000000e+00 : f32
    %broadcast_in_dim3A_12 = vector.broadcast %broadcast_in_dim3A_11 : f32 to vector<16xf32>
    %scan3A_13 = arith.constant 0 : i32
    %scan3A_14 = arith.constant 0 : i32
    %scan3A_15 = arith.constant 156 : i32
    %scan3A_16 = arith.addi %scan3A_14, %scan3A_15 : i32
    %scan3A_17 = arith.constant 1 : i32
    scf.for %scan3A_23 = %scan3A_14 to %scan3A_16 step %scan3A_17  : i32 {
      %mul3A_24 = arith.constant 4 : i32
      %mul3A_25 = arith.muli %scan3A_23, %mul3A_24 : i32
      %add3A_26 = arith.constant 0 : i32
      %add3A_27 = arith.addi %mul3A_25, %add3A_26 : i32
      %mul3A_28 = arith.constant 16 : i32
      %mul3A_29 = arith.muli %add3A_27, %mul3A_28 : i32
      %get3A = arith.index_cast %mul3A_29 : i32 to index
      %get3A_30 = tpu.vector_load %arg6[%get3A] {strides = array<i32>} : memref<10000xi32, #tpu.memory_space<vmem>>, vector<16xi32>,
      tpu.vector_store_idx %arg8[%get3A_30], %broadcast_in_dim3A_12 {add = true} : memref<10240xf32, #tpu.memory_space<vmem>>[vector<16xi32>], vector<16xf32>,
      %mul3A_31 = arith.constant 16 : i32
      %mul3A_32 = arith.muli %add3A_27, %mul3A_31 : i32
      %get3A_33 = arith.index_cast %mul3A_32 : i32 to index
      %get3A_34 = tpu.vector_load %arg7[%get3A_33] {strides = array<i32>} : memref<10000xi32, #tpu.memory_space<vmem>>, vector<16xi32>,
      tpu.vector_store_idx %arg9[%get3A_34], %broadcast_in_dim3A_12 {add = true} : memref<10240xf32, #tpu.memory_space<vmem>>[vector<16xi32>], vector<16xf32>,
      %mul3A_35 = arith.constant 4 : i32
      %mul3A_36 = arith.muli %scan3A_23, %mul3A_35 : i32
      %add3A_37 = arith.constant 1 : i32
      %add3A_38 = arith.addi %mul3A_36, %add3A_37 : i32
      %mul3A_39 = arith.constant 16 : i32
      %mul3A_40 = arith.muli %add3A_38, %mul3A_39 : i32
      %get3A_41 = arith.index_cast %mul3A_40 : i32 to index
      %get3A_42 = tpu.vector_load %arg6[%get3A_41] {strides = array<i32>} : memref<10000xi32, #tpu.memory_space<vmem>>, vector<16xi32>,
      tpu.vector_store_idx %arg8[%get3A_42], %broadcast_in_dim3A_12 {add = true} : memref<10240xf32, #tpu.memory_space<vmem>>[vector<16xi32>], vector<16xf32>,
      %mul3A_43 = arith.constant 16 : i32
      %mul3A_44 = arith.muli %add3A_38, %mul3A_43 : i32
      %get3A_45 = arith.index_cast %mul3A_44 : i32 to index
      %get3A_46 = tpu.vector_load %arg7[%get3A_45] {strides = array<i32>} : memref<10000xi32, #tpu.memory_space<vmem>>, vector<16xi32>,
      tpu.vector_store_idx %arg9[%get3A_46], %broadcast_in_dim3A_12 {add = true} : memref<10240xf32, #tpu.memory_space<vmem>>[vector<16xi32>], vector<16xf32>,
      %mul3A_47 = arith.constant 4 : i32
      %mul3A_48 = arith.muli %scan3A_23, %mul3A_47 : i32
      %add3A_49 = arith.constant 2 : i32
      %add3A_50 = arith.addi %mul3A_48, %add3A_49 : i32
      %mul3A_51 = arith.constant 16 : i32
      %mul3A_52 = arith.muli %add3A_50, %mul3A_51 : i32
      %get3A_53 = arith.index_cast %mul3A_52 : i32 to index
      %get3A_54 = tpu.vector_load %arg6[%get3A_53] {strides = array<i32>} : memref<10000xi32, #tpu.memory_space<vmem>>, vector<16xi32>,
      tpu.vector_store_idx %arg8[%get3A_54], %broadcast_in_dim3A_12 {add = true} : memref<10240xf32, #tpu.memory_space<vmem>>[vector<16xi32>], vector<16xf32>,
      %mul3A_55 = arith.constant 16 : i32
      %mul3A_56 = arith.muli %add3A_50, %mul3A_55 : i32
      %get3A_57 = arith.index_cast %mul3A_56 : i32 to index
      %get3A_58 = tpu.vector_load %arg7[%get3A_57] {strides = array<i32>} : memref<10000xi32, #tpu.memory_space<vmem>>, vector<16xi32>,
      tpu.vector_store_idx %arg9[%get3A_58], %broadcast_in_dim3A_12 {add = true} : memref<10240xf32, #tpu.memory_space<vmem>>[vector<16xi32>], vector<16xf32>,
      %mul3A_59 = arith.constant 4 : i32
      %mul3A_60 = arith.muli %scan3A_23, %mul3A_59 : i32
      %add3A_61 = arith.constant 3 : i32
      %add3A_62 = arith.addi %mul3A_60, %add3A_61 : i32
      %mul3A_63 = arith.constant 16 : i32
      %mul3A_64 = arith.muli %add3A_62, %mul3A_63 : i32
      %get3A_65 = arith.index_cast %mul3A_64 : i32 to index
      %get3A_66 = tpu.vector_load %arg6[%get3A_65] {strides = array<i32>} : memref<10000xi32, #tpu.memory_space<vmem>>, vector<16xi32>,
      tpu.vector_store_idx %arg8[%get3A_66], %broadcast_in_dim3A_12 {add = true} : memref<10240xf32, #tpu.memory_space<vmem>>[vector<16xi32>], vector<16xf32>,
      %mul3A_67 = arith.constant 16 : i32
      %mul3A_68 = arith.muli %add3A_62, %mul3A_67 : i32
      %get3A_69 = arith.index_cast %mul3A_68 : i32 to index
      %get3A_70 = tpu.vector_load %arg7[%get3A_69] {strides = array<i32>} : memref<10000xi32, #tpu.memory_space<vmem>>, vector<16xi32>,
      tpu.vector_store_idx %arg9[%get3A_70], %broadcast_in_dim3A_12 {add = true} : memref<10240xf32, #tpu.memory_space<vmem>>[vector<16xi32>], vector<16xf32>,
    }
    %scan3A_18 = arith.constant 156 : i32
    %mul3A_19 = arith.constant 10240 : i32
    %mul3A_20 = arith.muli %add3A, %mul3A_19 : i32
    "tpu.region"() ({
      %run_scoped3A = tpu.sem_alloc : memref<!tpu.dma_semaphore, #tpu.memory_space<semaphore_mem>>
      %dma_start3A = tpu.memref_slice %arg4[%mul3A_20] : memref<327680xf32, #tpu.memory_space<hbm>> -> memref<10240xf32, #tpu.memory_space<hbm>>
      %dma_start3A_23 = tpu.memref_slice %arg4[%mul3A_20] : memref<327680xf32, #tpu.memory_space<hbm>> -> memref<10240xf32, #tpu.memory_space<hbm>>
      tpu.enqueue_dma source(%arg8 : memref<10240xf32, #tpu.memory_space<vmem>>) target(%dma_start3A_23 : memref<10240xf32, #tpu.memory_space<hbm>>) target_semaphore(%run_scoped3A : memref<!tpu.dma_semaphore, #tpu.memory_space<semaphore_mem>>)
      %dma_wait3A = tpu.memref_slice %arg4[%mul3A_20] : memref<327680xf32, #tpu.memory_space<hbm>> -> memref<10240xf32, #tpu.memory_space<hbm>>
      %dma_wait3A_24 = tpu.memref_slice %arg4[%mul3A_20] : memref<327680xf32, #tpu.memory_space<hbm>> -> memref<10240xf32, #tpu.memory_space<hbm>>
      tpu.wait_dma2 semaphore(%run_scoped3A : memref<!tpu.dma_semaphore, #tpu.memory_space<semaphore_mem>>) src(%arg8 : memref<10240xf32, #tpu.memory_space<vmem>>) dst(%dma_wait3A_24 : memref<10240xf32, #tpu.memory_space<hbm>>)
      tpu.yield
    }) : () -> ()
    %mul3A_21 = arith.constant 10240 : i32
    %mul3A_22 = arith.muli %add3A, %mul3A_21 : i32
    "tpu.region"() ({
      %run_scoped3A = tpu.sem_alloc : memref<!tpu.dma_semaphore, #tpu.memory_space<semaphore_mem>>
      %dma_start3A = tpu.memref_slice %arg5[%mul3A_22] : memref<327680xf32, #tpu.memory_space<hbm>> -> memref<10240xf32, #tpu.memory_space<hbm>>
      %dma_start3A_23 = tpu.memref_slice %arg5[%mul3A_22] : memref<327680xf32, #tpu.memory_space<hbm>> -> memref<10240xf32, #tpu.memory_space<hbm>>
      tpu.enqueue_dma source(%arg9 : memref<10240xf32, #tpu.memory_space<vmem>>) target(%dma_start3A_23 : memref<10240xf32, #tpu.memory_space<hbm>>) target_semaphore(%run_scoped3A : memref<!tpu.dma_semaphore, #tpu.memory_space<semaphore_mem>>)
      %dma_wait3A = tpu.memref_slice %arg5[%mul3A_22] : memref<327680xf32, #tpu.memory_space<hbm>> -> memref<10240xf32, #tpu.memory_space<hbm>>
      %dma_wait3A_24 = tpu.memref_slice %arg5[%mul3A_22] : memref<327680xf32, #tpu.memory_space<hbm>> -> memref<10240xf32, #tpu.memory_space<hbm>>
      tpu.wait_dma2 semaphore(%run_scoped3A : memref<!tpu.dma_semaphore, #tpu.memory_space<semaphore_mem>>) src(%arg9 : memref<10240xf32, #tpu.memory_space<vmem>>) dst(%dma_wait3A_24 : memref<10240xf32, #tpu.memory_space<hbm>>)
      tpu.yield
    }) : () -> ()
    return
  }
}

#map = affine_map<(d0, d1) -> (0, 0)>
#map1 = affine_map<(d0, d1) -> (0, 0, 0)>
module attributes {stable_mosaic.version = 14 : i64} {
  func.func @_agg_body(%arg0: i32, %arg1: i32, %arg2: memref<10240x128xf32, #tpu.memory_space<hbm>>, %arg3: memref<32x80x125xi32, #tpu.memory_space<hbm>>, %arg4: memref<32x80x125xi32, #tpu.memory_space<hbm>>, %arg5: memref<2x10240x128xf32, #tpu.memory_space<hbm>>, %arg6: memref<40x125xi32, #tpu.memory_space<vmem>>, %arg7: memref<40x125xi32, #tpu.memory_space<vmem>>, %arg8: memref<128x128xf32, #tpu.memory_space<vmem>>, %arg9: memref<128x128xf32, #tpu.memory_space<vmem>>, %arg10: memref<10240x128xf32, #tpu.memory_space<vmem_shared>>, %arg11: memref<!tpu.dma_semaphore, #tpu.memory_space<semaphore_mem>>, %arg12: memref<!tpu.dma_semaphore, #tpu.memory_space<semaphore_mem>>, %arg13: memref<!tpu.dma_semaphore, #tpu.memory_space<semaphore_mem>>, %arg14: memref<!tpu.dma_semaphore, #tpu.memory_space<semaphore_mem>>) attributes {dimension_semantics = [#tpu.dimension_semantics<core_parallel>, #tpu.dimension_semantics<subcore_parallel>], iteration_bounds = array<i64: 2, 16>, scalar_prefetch = 0 : i64, scratch_operands = 9 : i64, tpu.core_type = #tpu.core_type<sc_vector_subcore>, window_params = [{transform_indices = #map}, {transform_indices = #map1}, {transform_indices = #map1}, {transform_indices = #map1}]} {
    %mul3A = arith.constant 16 : i32
    %mul3A_0 = arith.muli %arg0, %mul3A : i32
    %add3A = arith.addi %mul3A_0, %arg1 : i32
    %broadcast_in_dim3A = arith.constant 0.000000e+00 : f32
    %broadcast_in_dim3A_1 = vector.broadcast %broadcast_in_dim3A : f32 to vector<16xf32>
    %scan3A = arith.constant 0 : i32
    %scan3A_2 = arith.constant 0 : i32
    %scan3A_3 = arith.constant 128 : i32
    %scan3A_4 = arith.addi %scan3A_2, %scan3A_3 : i32
    %scan3A_5 = arith.constant 1 : i32
    scf.for %scan3A_82 = %scan3A_2 to %scan3A_4 step %scan3A_5  : i32 {
      %swap3A = arith.index_cast %scan3A_82 : i32 to index
      %swap3A_83 = arith.constant 0 : index
      %swap3A_84 = tpu.vector_load %arg8[%swap3A, %swap3A_83] {strides = array<i32>} : memref<128x128xf32, #tpu.memory_space<vmem>>, vector<1x16xf32>,
      %swap3A_85 = vector.shape_cast %swap3A_84 : vector<1x16xf32> to vector<16xf32>
      %swap3A_86 = vector.shape_cast %broadcast_in_dim3A_1 : vector<16xf32> to vector<1x16xf32>
      tpu.vector_store %arg8[%swap3A, %swap3A_83], %swap3A_86 {strides = array<i32>} : memref<128x128xf32, #tpu.memory_space<vmem>>, vector<1x16xf32>,
      %swap3A_87 = arith.index_cast %scan3A_82 : i32 to index
      %swap3A_88 = arith.constant 16 : index
      %swap3A_89 = tpu.vector_load %arg8[%swap3A_87, %swap3A_88] {strides = array<i32>} : memref<128x128xf32, #tpu.memory_space<vmem>>, vector<1x16xf32>,
      %swap3A_90 = vector.shape_cast %swap3A_89 : vector<1x16xf32> to vector<16xf32>
      %swap3A_91 = vector.shape_cast %broadcast_in_dim3A_1 : vector<16xf32> to vector<1x16xf32>
      tpu.vector_store %arg8[%swap3A_87, %swap3A_88], %swap3A_91 {strides = array<i32>} : memref<128x128xf32, #tpu.memory_space<vmem>>, vector<1x16xf32>,
      %swap3A_92 = arith.index_cast %scan3A_82 : i32 to index
      %swap3A_93 = arith.constant 32 : index
      %swap3A_94 = tpu.vector_load %arg8[%swap3A_92, %swap3A_93] {strides = array<i32>} : memref<128x128xf32, #tpu.memory_space<vmem>>, vector<1x16xf32>,
      %swap3A_95 = vector.shape_cast %swap3A_94 : vector<1x16xf32> to vector<16xf32>
      %swap3A_96 = vector.shape_cast %broadcast_in_dim3A_1 : vector<16xf32> to vector<1x16xf32>
      tpu.vector_store %arg8[%swap3A_92, %swap3A_93], %swap3A_96 {strides = array<i32>} : memref<128x128xf32, #tpu.memory_space<vmem>>, vector<1x16xf32>,
      %swap3A_97 = arith.index_cast %scan3A_82 : i32 to index
      %swap3A_98 = arith.constant 48 : index
      %swap3A_99 = tpu.vector_load %arg8[%swap3A_97, %swap3A_98] {strides = array<i32>} : memref<128x128xf32, #tpu.memory_space<vmem>>, vector<1x16xf32>,
      %swap3A_100 = vector.shape_cast %swap3A_99 : vector<1x16xf32> to vector<16xf32>
      %swap3A_101 = vector.shape_cast %broadcast_in_dim3A_1 : vector<16xf32> to vector<1x16xf32>
      tpu.vector_store %arg8[%swap3A_97, %swap3A_98], %swap3A_101 {strides = array<i32>} : memref<128x128xf32, #tpu.memory_space<vmem>>, vector<1x16xf32>,
      %swap3A_102 = arith.index_cast %scan3A_82 : i32 to index
      %swap3A_103 = arith.constant 64 : index
      %swap3A_104 = tpu.vector_load %arg8[%swap3A_102, %swap3A_103] {strides = array<i32>} : memref<128x128xf32, #tpu.memory_space<vmem>>, vector<1x16xf32>,
      %swap3A_105 = vector.shape_cast %swap3A_104 : vector<1x16xf32> to vector<16xf32>
      %swap3A_106 = vector.shape_cast %broadcast_in_dim3A_1 : vector<16xf32> to vector<1x16xf32>
      tpu.vector_store %arg8[%swap3A_102, %swap3A_103], %swap3A_106 {strides = array<i32>} : memref<128x128xf32, #tpu.memory_space<vmem>>, vector<1x16xf32>,
      %swap3A_107 = arith.index_cast %scan3A_82 : i32 to index
      %swap3A_108 = arith.constant 80 : index
      %swap3A_109 = tpu.vector_load %arg8[%swap3A_107, %swap3A_108] {strides = array<i32>} : memref<128x128xf32, #tpu.memory_space<vmem>>, vector<1x16xf32>,
      %swap3A_110 = vector.shape_cast %swap3A_109 : vector<1x16xf32> to vector<16xf32>
      %swap3A_111 = vector.shape_cast %broadcast_in_dim3A_1 : vector<16xf32> to vector<1x16xf32>
      tpu.vector_store %arg8[%swap3A_107, %swap3A_108], %swap3A_111 {strides = array<i32>} : memref<128x128xf32, #tpu.memory_space<vmem>>, vector<1x16xf32>,
      %swap3A_112 = arith.index_cast %scan3A_82 : i32 to index
      %swap3A_113 = arith.constant 96 : index
      %swap3A_114 = tpu.vector_load %arg8[%swap3A_112, %swap3A_113] {strides = array<i32>} : memref<128x128xf32, #tpu.memory_space<vmem>>, vector<1x16xf32>,
      %swap3A_115 = vector.shape_cast %swap3A_114 : vector<1x16xf32> to vector<16xf32>
      %swap3A_116 = vector.shape_cast %broadcast_in_dim3A_1 : vector<16xf32> to vector<1x16xf32>
      tpu.vector_store %arg8[%swap3A_112, %swap3A_113], %swap3A_116 {strides = array<i32>} : memref<128x128xf32, #tpu.memory_space<vmem>>, vector<1x16xf32>,
      %swap3A_117 = arith.index_cast %scan3A_82 : i32 to index
      %swap3A_118 = arith.constant 112 : index
      %swap3A_119 = tpu.vector_load %arg8[%swap3A_117, %swap3A_118] {strides = array<i32>} : memref<128x128xf32, #tpu.memory_space<vmem>>, vector<1x16xf32>,
      %swap3A_120 = vector.shape_cast %swap3A_119 : vector<1x16xf32> to vector<16xf32>
      %swap3A_121 = vector.shape_cast %broadcast_in_dim3A_1 : vector<16xf32> to vector<1x16xf32>
      tpu.vector_store %arg8[%swap3A_117, %swap3A_118], %swap3A_121 {strides = array<i32>} : memref<128x128xf32, #tpu.memory_space<vmem>>, vector<1x16xf32>,
    }
    %scan3A_6 = arith.constant 128 : i32
    %mul3A_7 = arith.constant 640 : i32
    %mul3A_8 = arith.muli %arg1, %mul3A_7 : i32
    %add3A_9 = arith.constant 0 : i32
    %add3A_10 = arith.addi %mul3A_8, %add3A_9 : i32
    "tpu.region"() ({
      %run_scoped3A = tpu.sem_alloc : memref<!tpu.dma_semaphore, #tpu.memory_space<semaphore_mem>>
      %dma_start3A_82 = arith.constant 0 : i32
      %dma_start3A_83 = tpu.memref_slice %arg10[%add3A_10, %dma_start3A_82] : memref<10240x128xf32, #tpu.memory_space<vmem_shared>> -> memref<128x128xf32, #tpu.memory_space<vmem_shared>>
      %dma_start3A_84 = arith.constant 0 : i32
      %dma_start3A_85 = tpu.memref_slice %arg10[%add3A_10, %dma_start3A_84] : memref<10240x128xf32, #tpu.memory_space<vmem_shared>> -> memref<128x128xf32, #tpu.memory_space<vmem_shared>>
      tpu.enqueue_dma source(%arg8 : memref<128x128xf32, #tpu.memory_space<vmem>>) target(%dma_start3A_85 : memref<128x128xf32, #tpu.memory_space<vmem_shared>>) target_semaphore(%run_scoped3A : memref<!tpu.dma_semaphore, #tpu.memory_space<semaphore_mem>>)
      %dma_wait3A_86 = arith.constant 0 : i32
      %dma_wait3A_87 = tpu.memref_slice %arg10[%add3A_10, %dma_wait3A_86] : memref<10240x128xf32, #tpu.memory_space<vmem_shared>> -> memref<128x128xf32, #tpu.memory_space<vmem_shared>>
      %dma_wait3A_88 = arith.constant 0 : i32
      %dma_wait3A_89 = tpu.memref_slice %arg10[%add3A_10, %dma_wait3A_88] : memref<10240x128xf32, #tpu.memory_space<vmem_shared>> -> memref<128x128xf32, #tpu.memory_space<vmem_shared>>
      tpu.wait_dma2 semaphore(%run_scoped3A : memref<!tpu.dma_semaphore, #tpu.memory_space<semaphore_mem>>) src(%arg8 : memref<128x128xf32, #tpu.memory_space<vmem>>) dst(%dma_wait3A_89 : memref<128x128xf32, #tpu.memory_space<vmem_shared>>)
      tpu.yield
    }) : () -> ()
    %mul3A_11 = arith.constant 640 : i32
    %mul3A_12 = arith.muli %arg1, %mul3A_11 : i32
    %add3A_13 = arith.constant 128 : i32
    %add3A_14 = arith.addi %mul3A_12, %add3A_13 : i32
    "tpu.region"() ({
      %run_scoped3A = tpu.sem_alloc : memref<!tpu.dma_semaphore, #tpu.memory_space<semaphore_mem>>
      %dma_start3A_82 = arith.constant 0 : i32
      %dma_start3A_83 = tpu.memref_slice %arg10[%add3A_14, %dma_start3A_82] : memref<10240x128xf32, #tpu.memory_space<vmem_shared>> -> memref<128x128xf32, #tpu.memory_space<vmem_shared>>
      %dma_start3A_84 = arith.constant 0 : i32
      %dma_start3A_85 = tpu.memref_slice %arg10[%add3A_14, %dma_start3A_84] : memref<10240x128xf32, #tpu.memory_space<vmem_shared>> -> memref<128x128xf32, #tpu.memory_space<vmem_shared>>
      tpu.enqueue_dma source(%arg8 : memref<128x128xf32, #tpu.memory_space<vmem>>) target(%dma_start3A_85 : memref<128x128xf32, #tpu.memory_space<vmem_shared>>) target_semaphore(%run_scoped3A : memref<!tpu.dma_semaphore, #tpu.memory_space<semaphore_mem>>)
      %dma_wait3A_86 = arith.constant 0 : i32
      %dma_wait3A_87 = tpu.memref_slice %arg10[%add3A_14, %dma_wait3A_86] : memref<10240x128xf32, #tpu.memory_space<vmem_shared>> -> memref<128x128xf32, #tpu.memory_space<vmem_shared>>
      %dma_wait3A_88 = arith.constant 0 : i32
      %dma_wait3A_89 = tpu.memref_slice %arg10[%add3A_14, %dma_wait3A_88] : memref<10240x128xf32, #tpu.memory_space<vmem_shared>> -> memref<128x128xf32, #tpu.memory_space<vmem_shared>>
      tpu.wait_dma2 semaphore(%run_scoped3A : memref<!tpu.dma_semaphore, #tpu.memory_space<semaphore_mem>>) src(%arg8 : memref<128x128xf32, #tpu.memory_space<vmem>>) dst(%dma_wait3A_89 : memref<128x128xf32, #tpu.memory_space<vmem_shared>>)
      tpu.yield
    }) : () -> ()
    %mul3A_15 = arith.constant 640 : i32
    %mul3A_16 = arith.muli %arg1, %mul3A_15 : i32
    %add3A_17 = arith.constant 256 : i32
    %add3A_18 = arith.addi %mul3A_16, %add3A_17 : i32
    "tpu.region"() ({
      %run_scoped3A = tpu.sem_alloc : memref<!tpu.dma_semaphore, #tpu.memory_space<semaphore_mem>>
      %dma_start3A_82 = arith.constant 0 : i32
      %dma_start3A_83 = tpu.memref_slice %arg10[%add3A_18, %dma_start3A_82] : memref<10240x128xf32, #tpu.memory_space<vmem_shared>> -> memref<128x128xf32, #tpu.memory_space<vmem_shared>>
      %dma_start3A_84 = arith.constant 0 : i32
      %dma_start3A_85 = tpu.memref_slice %arg10[%add3A_18, %dma_start3A_84] : memref<10240x128xf32, #tpu.memory_space<vmem_shared>> -> memref<128x128xf32, #tpu.memory_space<vmem_shared>>
      tpu.enqueue_dma source(%arg8 : memref<128x128xf32, #tpu.memory_space<vmem>>) target(%dma_start3A_85 : memref<128x128xf32, #tpu.memory_space<vmem_shared>>) target_semaphore(%run_scoped3A : memref<!tpu.dma_semaphore, #tpu.memory_space<semaphore_mem>>)
      %dma_wait3A_86 = arith.constant 0 : i32
      %dma_wait3A_87 = tpu.memref_slice %arg10[%add3A_18, %dma_wait3A_86] : memref<10240x128xf32, #tpu.memory_space<vmem_shared>> -> memref<128x128xf32, #tpu.memory_space<vmem_shared>>
      %dma_wait3A_88 = arith.constant 0 : i32
      %dma_wait3A_89 = tpu.memref_slice %arg10[%add3A_18, %dma_wait3A_88] : memref<10240x128xf32, #tpu.memory_space<vmem_shared>> -> memref<128x128xf32, #tpu.memory_space<vmem_shared>>
      tpu.wait_dma2 semaphore(%run_scoped3A : memref<!tpu.dma_semaphore, #tpu.memory_space<semaphore_mem>>) src(%arg8 : memref<128x128xf32, #tpu.memory_space<vmem>>) dst(%dma_wait3A_89 : memref<128x128xf32, #tpu.memory_space<vmem_shared>>)
      tpu.yield
    }) : () -> ()
    %mul3A_19 = arith.constant 640 : i32
    %mul3A_20 = arith.muli %arg1, %mul3A_19 : i32
    %add3A_21 = arith.constant 384 : i32
    %add3A_22 = arith.addi %mul3A_20, %add3A_21 : i32
    "tpu.region"() ({
      %run_scoped3A = tpu.sem_alloc : memref<!tpu.dma_semaphore, #tpu.memory_space<semaphore_mem>>
      %dma_start3A_82 = arith.constant 0 : i32
      %dma_start3A_83 = tpu.memref_slice %arg10[%add3A_22, %dma_start3A_82] : memref<10240x128xf32, #tpu.memory_space<vmem_shared>> -> memref<128x128xf32, #tpu.memory_space<vmem_shared>>
      %dma_start3A_84 = arith.constant 0 : i32
      %dma_start3A_85 = tpu.memref_slice %arg10[%add3A_22, %dma_start3A_84] : memref<10240x128xf32, #tpu.memory_space<vmem_shared>> -> memref<128x128xf32, #tpu.memory_space<vmem_shared>>
      tpu.enqueue_dma source(%arg8 : memref<128x128xf32, #tpu.memory_space<vmem>>) target(%dma_start3A_85 : memref<128x128xf32, #tpu.memory_space<vmem_shared>>) target_semaphore(%run_scoped3A : memref<!tpu.dma_semaphore, #tpu.memory_space<semaphore_mem>>)
      %dma_wait3A_86 = arith.constant 0 : i32
      %dma_wait3A_87 = tpu.memref_slice %arg10[%add3A_22, %dma_wait3A_86] : memref<10240x128xf32, #tpu.memory_space<vmem_shared>> -> memref<128x128xf32, #tpu.memory_space<vmem_shared>>
      %dma_wait3A_88 = arith.constant 0 : i32
      %dma_wait3A_89 = tpu.memref_slice %arg10[%add3A_22, %dma_wait3A_88] : memref<10240x128xf32, #tpu.memory_space<vmem_shared>> -> memref<128x128xf32, #tpu.memory_space<vmem_shared>>
      tpu.wait_dma2 semaphore(%run_scoped3A : memref<!tpu.dma_semaphore, #tpu.memory_space<semaphore_mem>>) src(%arg8 : memref<128x128xf32, #tpu.memory_space<vmem>>) dst(%dma_wait3A_89 : memref<128x128xf32, #tpu.memory_space<vmem_shared>>)
      tpu.yield
    }) : () -> ()
    %mul3A_23 = arith.constant 640 : i32
    %mul3A_24 = arith.muli %arg1, %mul3A_23 : i32
    %add3A_25 = arith.constant 512 : i32
    %add3A_26 = arith.addi %mul3A_24, %add3A_25 : i32
    "tpu.region"() ({
      %run_scoped3A = tpu.sem_alloc : memref<!tpu.dma_semaphore, #tpu.memory_space<semaphore_mem>>
      %dma_start3A_82 = arith.constant 0 : i32
      %dma_start3A_83 = tpu.memref_slice %arg10[%add3A_26, %dma_start3A_82] : memref<10240x128xf32, #tpu.memory_space<vmem_shared>> -> memref<128x128xf32, #tpu.memory_space<vmem_shared>>
      %dma_start3A_84 = arith.constant 0 : i32
      %dma_start3A_85 = tpu.memref_slice %arg10[%add3A_26, %dma_start3A_84] : memref<10240x128xf32, #tpu.memory_space<vmem_shared>> -> memref<128x128xf32, #tpu.memory_space<vmem_shared>>
      tpu.enqueue_dma source(%arg8 : memref<128x128xf32, #tpu.memory_space<vmem>>) target(%dma_start3A_85 : memref<128x128xf32, #tpu.memory_space<vmem_shared>>) target_semaphore(%run_scoped3A : memref<!tpu.dma_semaphore, #tpu.memory_space<semaphore_mem>>)
      %dma_wait3A_86 = arith.constant 0 : i32
      %dma_wait3A_87 = tpu.memref_slice %arg10[%add3A_26, %dma_wait3A_86] : memref<10240x128xf32, #tpu.memory_space<vmem_shared>> -> memref<128x128xf32, #tpu.memory_space<vmem_shared>>
      %dma_wait3A_88 = arith.constant 0 : i32
      %dma_wait3A_89 = tpu.memref_slice %arg10[%add3A_26, %dma_wait3A_88] : memref<10240x128xf32, #tpu.memory_space<vmem_shared>> -> memref<128x128xf32, #tpu.memory_space<vmem_shared>>
      tpu.wait_dma2 semaphore(%run_scoped3A : memref<!tpu.dma_semaphore, #tpu.memory_space<semaphore_mem>>) src(%arg8 : memref<128x128xf32, #tpu.memory_space<vmem>>) dst(%dma_wait3A_89 : memref<128x128xf32, #tpu.memory_space<vmem_shared>>)
      tpu.yield
    }) : () -> ()
    %barrier3A = arith.constant 0 : index
    tpu.barrier barrier_id(%barrier3A)
    "tpu.region"() ({
      %run_scoped3A = tpu.sem_alloc : memref<!tpu.dma_semaphore, #tpu.memory_space<semaphore_mem>>
      %dma_start3A_82 = arith.constant 0 : i32
      %dma_start3A_83 = arith.constant 0 : i32
      %dma_start3A_84 = tpu.memref_slice %arg3[%add3A, %dma_start3A_82, %dma_start3A_83] : memref<32x80x125xi32, #tpu.memory_space<hbm>> -> memref<1x40x125xi32, #tpu.memory_space<hbm>>
      %dma_start3A_85 = tpu.memref_squeeze %dma_start3A_84 : memref<1x40x125xi32, #tpu.memory_space<hbm>> -> memref<40x125xi32, #tpu.memory_space<hbm>>
      %dma_start3A_86 = arith.constant 0 : i32
      %dma_start3A_87 = arith.constant 0 : i32
      %dma_start3A_88 = tpu.memref_slice %arg3[%add3A, %dma_start3A_86, %dma_start3A_87] : memref<32x80x125xi32, #tpu.memory_space<hbm>> -> memref<1x40x125xi32, #tpu.memory_space<hbm>>
      %dma_start3A_89 = tpu.memref_squeeze %dma_start3A_88 : memref<1x40x125xi32, #tpu.memory_space<hbm>> -> memref<40x125xi32, #tpu.memory_space<hbm>>
      tpu.enqueue_dma source(%dma_start3A_89 : memref<40x125xi32, #tpu.memory_space<hbm>>) target(%arg6 : memref<40x125xi32, #tpu.memory_space<vmem>>) target_semaphore(%run_scoped3A : memref<!tpu.dma_semaphore, #tpu.memory_space<semaphore_mem>>)
      %dma_wait3A_90 = arith.constant 0 : i32
      %dma_wait3A_91 = arith.constant 0 : i32
      %dma_wait3A_92 = tpu.memref_slice %arg3[%add3A, %dma_wait3A_90, %dma_wait3A_91] : memref<32x80x125xi32, #tpu.memory_space<hbm>> -> memref<1x40x125xi32, #tpu.memory_space<hbm>>
      %dma_wait3A_93 = tpu.memref_squeeze %dma_wait3A_92 : memref<1x40x125xi32, #tpu.memory_space<hbm>> -> memref<40x125xi32, #tpu.memory_space<hbm>>
      %dma_wait3A_94 = arith.constant 0 : i32
      %dma_wait3A_95 = arith.constant 0 : i32
      %dma_wait3A_96 = tpu.memref_slice %arg3[%add3A, %dma_wait3A_94, %dma_wait3A_95] : memref<32x80x125xi32, #tpu.memory_space<hbm>> -> memref<1x40x125xi32, #tpu.memory_space<hbm>>
      %dma_wait3A_97 = tpu.memref_squeeze %dma_wait3A_96 : memref<1x40x125xi32, #tpu.memory_space<hbm>> -> memref<40x125xi32, #tpu.memory_space<hbm>>
      tpu.wait_dma2 semaphore(%run_scoped3A : memref<!tpu.dma_semaphore, #tpu.memory_space<semaphore_mem>>) src(%dma_wait3A_97 : memref<40x125xi32, #tpu.memory_space<hbm>>) dst(%arg6 : memref<40x125xi32, #tpu.memory_space<vmem>>)
      tpu.yield
    }) : () -> ()
    "tpu.region"() ({
      %run_scoped3A = tpu.sem_alloc : memref<!tpu.dma_semaphore, #tpu.memory_space<semaphore_mem>>
      %dma_start3A_82 = arith.constant 0 : i32
      %dma_start3A_83 = arith.constant 0 : i32
      %dma_start3A_84 = tpu.memref_slice %arg4[%add3A, %dma_start3A_82, %dma_start3A_83] : memref<32x80x125xi32, #tpu.memory_space<hbm>> -> memref<1x40x125xi32, #tpu.memory_space<hbm>>
      %dma_start3A_85 = tpu.memref_squeeze %dma_start3A_84 : memref<1x40x125xi32, #tpu.memory_space<hbm>> -> memref<40x125xi32, #tpu.memory_space<hbm>>
      %dma_start3A_86 = arith.constant 0 : i32
      %dma_start3A_87 = arith.constant 0 : i32
      %dma_start3A_88 = tpu.memref_slice %arg4[%add3A, %dma_start3A_86, %dma_start3A_87] : memref<32x80x125xi32, #tpu.memory_space<hbm>> -> memref<1x40x125xi32, #tpu.memory_space<hbm>>
      %dma_start3A_89 = tpu.memref_squeeze %dma_start3A_88 : memref<1x40x125xi32, #tpu.memory_space<hbm>> -> memref<40x125xi32, #tpu.memory_space<hbm>>
      tpu.enqueue_dma source(%dma_start3A_89 : memref<40x125xi32, #tpu.memory_space<hbm>>) target(%arg7 : memref<40x125xi32, #tpu.memory_space<vmem>>) target_semaphore(%run_scoped3A : memref<!tpu.dma_semaphore, #tpu.memory_space<semaphore_mem>>)
      %dma_wait3A_90 = arith.constant 0 : i32
      %dma_wait3A_91 = arith.constant 0 : i32
      %dma_wait3A_92 = tpu.memref_slice %arg4[%add3A, %dma_wait3A_90, %dma_wait3A_91] : memref<32x80x125xi32, #tpu.memory_space<hbm>> -> memref<1x40x125xi32, #tpu.memory_space<hbm>>
      %dma_wait3A_93 = tpu.memref_squeeze %dma_wait3A_92 : memref<1x40x125xi32, #tpu.memory_space<hbm>> -> memref<40x125xi32, #tpu.memory_space<hbm>>
      %dma_wait3A_94 = arith.constant 0 : i32
      %dma_wait3A_95 = arith.constant 0 : i32
      %dma_wait3A_96 = tpu.memref_slice %arg4[%add3A, %dma_wait3A_94, %dma_wait3A_95] : memref<32x80x125xi32, #tpu.memory_space<hbm>> -> memref<1x40x125xi32, #tpu.memory_space<hbm>>
      %dma_wait3A_97 = tpu.memref_squeeze %dma_wait3A_96 : memref<1x40x125xi32, #tpu.memory_space<hbm>> -> memref<40x125xi32, #tpu.memory_space<hbm>>
      tpu.wait_dma2 semaphore(%run_scoped3A : memref<!tpu.dma_semaphore, #tpu.memory_space<semaphore_mem>>) src(%dma_wait3A_97 : memref<40x125xi32, #tpu.memory_space<hbm>>) dst(%arg7 : memref<40x125xi32, #tpu.memory_space<vmem>>)
      tpu.yield
    }) : () -> ()
    %dma_start3A = arith.constant 0 : i32
    %dma_start3A_27 = arith.constant 0 : i32
    %dma_start3A_28 = arith.constant 0 : i32
    %dma_start3A_29 = tpu.memref_slice %arg8[%dma_start3A_27, %dma_start3A_28] : memref<128x128xf32, #tpu.memory_space<vmem>> -> memref<125x128xf32, #tpu.memory_space<vmem>>
    %dma_start3A_30 = arith.constant 0 : i32
    %dma_start3A_31 = tpu.memref_slice %arg6[%dma_start3A, %dma_start3A_30] : memref<40x125xi32, #tpu.memory_space<vmem>> -> memref<1x125xi32, #tpu.memory_space<vmem>>
    %dma_start3A_32 = tpu.memref_squeeze %dma_start3A_31 : memref<1x125xi32, #tpu.memory_space<vmem>> -> memref<125xi32, #tpu.memory_space<vmem>>
    %dma_start3A_33 = arith.constant 0 : i32
    %dma_start3A_34 = arith.constant 0 : i32
    %dma_start3A_35 = tpu.memref_slice %arg2[%dma_start3A_33, %dma_start3A_34] : memref<10240x128xf32, #tpu.memory_space<hbm>> -> memref<10240x128xf32, #tpu.memory_space<hbm>>
    tpu.enqueue_indirect_dma source(%dma_start3A_35 : memref<10240x128xf32, #tpu.memory_space<hbm>>) target(%dma_start3A_29 : memref<125x128xf32, #tpu.memory_space<vmem>>) offsets(%dma_start3A_32 : memref<125xi32, #tpu.memory_space<vmem>>) semaphore(%arg11 : memref<!tpu.dma_semaphore, #tpu.memory_space<semaphore_mem>>)
    %scan3A_36 = arith.constant 0 : i32
    %scan3A_37 = arith.constant 0 : i32
    %scan3A_38 = arith.constant 20 : i32
    %scan3A_39 = arith.addi %scan3A_37, %scan3A_38 : i32
    %scan3A_40 = arith.constant 1 : i32
    scf.for %scan3A_82 = %scan3A_37 to %scan3A_39 step %scan3A_40  : i32 {
      %mul3A_83 = arith.constant 2 : i32
      %mul3A_84 = arith.muli %mul3A_83, %scan3A_82 : i32
      %gt3A = arith.constant 0 : i32
      %gt3A_85 = arith.cmpi sgt, %scan3A_82, %gt3A : i32
      %convert_element_type3A = arith.extui %gt3A_85 : i1 to i32
      %cond3A = arith.constant 0 : i32
      %cond3A_86 = arith.cmpi ne, %convert_element_type3A, %cond3A : i32
      scf.if %cond3A_86 {
        %sub3A = arith.constant 1 : i32
        %sub3A_135 = arith.subi %mul3A_84, %sub3A : i32
        %dma_wait3A_136 = arith.constant 0 : i32
        %dma_wait3A_137 = arith.constant 0 : i32
        %dma_wait3A_138 = tpu.memref_slice %arg9[%dma_wait3A_136, %dma_wait3A_137] : memref<128x128xf32, #tpu.memory_space<vmem>> -> memref<125x128xf32, #tpu.memory_space<vmem>>
        %dma_wait3A_139 = arith.constant 0 : i32
        %dma_wait3A_140 = tpu.memref_slice %arg7[%sub3A_135, %dma_wait3A_139] : memref<40x125xi32, #tpu.memory_space<vmem>> -> memref<1x125xi32, #tpu.memory_space<vmem>>
        %dma_wait3A_141 = tpu.memref_squeeze %dma_wait3A_140 : memref<1x125xi32, #tpu.memory_space<vmem>> -> memref<125xi32, #tpu.memory_space<vmem>>
        %dma_wait3A_142 = arith.constant 0 : i32
        %dma_wait3A_143 = arith.constant 0 : i32
        %dma_wait3A_144 = tpu.memref_slice %arg10[%dma_wait3A_142, %dma_wait3A_143] : memref<10240x128xf32, #tpu.memory_space<vmem_shared>> -> memref<10240x128xf32, #tpu.memory_space<vmem_shared>>
        tpu.wait_indirect_dma semaphore(%arg14 : memref<!tpu.dma_semaphore, #tpu.memory_space<semaphore_mem>>) src(%dma_wait3A_138 : memref<125x128xf32, #tpu.memory_space<vmem>>) dst(%dma_wait3A_144 : memref<10240x128xf32, #tpu.memory_space<vmem_shared>>)
      } else {
      }
      %add3A_87 = arith.constant 1 : i32
      %add3A_88 = arith.addi %mul3A_84, %add3A_87 : i32
      %dma_start3A_89 = arith.constant 0 : i32
      %dma_start3A_90 = arith.constant 0 : i32
      %dma_start3A_91 = tpu.memref_slice %arg9[%dma_start3A_89, %dma_start3A_90] : memref<128x128xf32, #tpu.memory_space<vmem>> -> memref<125x128xf32, #tpu.memory_space<vmem>>
      %dma_start3A_92 = arith.constant 0 : i32
      %dma_start3A_93 = tpu.memref_slice %arg6[%add3A_88, %dma_start3A_92] : memref<40x125xi32, #tpu.memory_space<vmem>> -> memref<1x125xi32, #tpu.memory_space<vmem>>
      %dma_start3A_94 = tpu.memref_squeeze %dma_start3A_93 : memref<1x125xi32, #tpu.memory_space<vmem>> -> memref<125xi32, #tpu.memory_space<vmem>>
      %dma_start3A_95 = arith.constant 0 : i32
      %dma_start3A_96 = arith.constant 0 : i32
      %dma_start3A_97 = tpu.memref_slice %arg2[%dma_start3A_95, %dma_start3A_96] : memref<10240x128xf32, #tpu.memory_space<hbm>> -> memref<10240x128xf32, #tpu.memory_space<hbm>>
      tpu.enqueue_indirect_dma source(%dma_start3A_97 : memref<10240x128xf32, #tpu.memory_space<hbm>>) target(%dma_start3A_91 : memref<125x128xf32, #tpu.memory_space<vmem>>) offsets(%dma_start3A_94 : memref<125xi32, #tpu.memory_space<vmem>>) semaphore(%arg12 : memref<!tpu.dma_semaphore, #tpu.memory_space<semaphore_mem>>)
      %dma_wait3A_98 = arith.constant 0 : i32
      %dma_wait3A_99 = arith.constant 0 : i32
      %dma_wait3A_100 = tpu.memref_slice %arg8[%dma_wait3A_98, %dma_wait3A_99] : memref<128x128xf32, #tpu.memory_space<vmem>> -> memref<125x128xf32, #tpu.memory_space<vmem>>
      %dma_wait3A_101 = arith.constant 0 : i32
      %dma_wait3A_102 = tpu.memref_slice %arg6[%mul3A_84, %dma_wait3A_101] : memref<40x125xi32, #tpu.memory_space<vmem>> -> memref<1x125xi32, #tpu.memory_space<vmem>>
      %dma_wait3A_103 = tpu.memref_squeeze %dma_wait3A_102 : memref<1x125xi32, #tpu.memory_space<vmem>> -> memref<125xi32, #tpu.memory_space<vmem>>
      %dma_wait3A_104 = arith.constant 0 : i32
      %dma_wait3A_105 = arith.constant 0 : i32
      %dma_wait3A_106 = tpu.memref_slice %arg2[%dma_wait3A_104, %dma_wait3A_105] : memref<10240x128xf32, #tpu.memory_space<hbm>> -> memref<10240x128xf32, #tpu.memory_space<hbm>>
      tpu.wait_indirect_dma semaphore(%arg11 : memref<!tpu.dma_semaphore, #tpu.memory_space<semaphore_mem>>) src(%dma_wait3A_106 : memref<10240x128xf32, #tpu.memory_space<hbm>>) dst(%dma_wait3A_100 : memref<125x128xf32, #tpu.memory_space<vmem>>)
      "tpu.region"() ({
        %run_scoped3A = tpu.sem_alloc : memref<!tpu.dma_semaphore, #tpu.memory_space<semaphore_mem>>
        %dma_start3A_135 = arith.constant 0 : i32
        %dma_start3A_136 = arith.constant 0 : i32
        %dma_start3A_137 = tpu.memref_slice %arg8[%dma_start3A_135, %dma_start3A_136] : memref<128x128xf32, #tpu.memory_space<vmem>> -> memref<125x128xf32, #tpu.memory_space<vmem>>
        %dma_start3A_138 = arith.constant 0 : i32
        %dma_start3A_139 = tpu.memref_slice %arg7[%mul3A_84, %dma_start3A_138] : memref<40x125xi32, #tpu.memory_space<vmem>> -> memref<1x125xi32, #tpu.memory_space<vmem>>
        %dma_start3A_140 = tpu.memref_squeeze %dma_start3A_139 : memref<1x125xi32, #tpu.memory_space<vmem>> -> memref<125xi32, #tpu.memory_space<vmem>>
        %dma_start3A_141 = arith.constant 0 : i32
        %dma_start3A_142 = arith.constant 0 : i32
        %dma_start3A_143 = tpu.memref_slice %arg10[%dma_start3A_141, %dma_start3A_142] : memref<10240x128xf32, #tpu.memory_space<vmem_shared>> -> memref<10240x128xf32, #tpu.memory_space<vmem_shared>>
        tpu.enqueue_indirect_dma source(%dma_start3A_137 : memref<125x128xf32, #tpu.memory_space<vmem>>) target(%dma_start3A_143 : memref<10240x128xf32, #tpu.memory_space<vmem_shared>>) offsets(%dma_start3A_140 : memref<125xi32, #tpu.memory_space<vmem>>) semaphore(%run_scoped3A : memref<!tpu.dma_semaphore, #tpu.memory_space<semaphore_mem>>) {add = true}
        %dma_wait3A_144 = arith.constant 0 : i32
        %dma_wait3A_145 = arith.constant 0 : i32
        %dma_wait3A_146 = tpu.memref_slice %arg8[%dma_wait3A_144, %dma_wait3A_145] : memref<128x128xf32, #tpu.memory_space<vmem>> -> memref<125x128xf32, #tpu.memory_space<vmem>>
        %dma_wait3A_147 = arith.constant 0 : i32
        %dma_wait3A_148 = tpu.memref_slice %arg7[%mul3A_84, %dma_wait3A_147] : memref<40x125xi32, #tpu.memory_space<vmem>> -> memref<1x125xi32, #tpu.memory_space<vmem>>
        %dma_wait3A_149 = tpu.memref_squeeze %dma_wait3A_148 : memref<1x125xi32, #tpu.memory_space<vmem>> -> memref<125xi32, #tpu.memory_space<vmem>>
        %dma_wait3A_150 = arith.constant 0 : i32
        %dma_wait3A_151 = arith.constant 0 : i32
        %dma_wait3A_152 = tpu.memref_slice %arg10[%dma_wait3A_150, %dma_wait3A_151] : memref<10240x128xf32, #tpu.memory_space<vmem_shared>> -> memref<10240x128xf32, #tpu.memory_space<vmem_shared>>
        tpu.wait_indirect_dma semaphore(%run_scoped3A : memref<!tpu.dma_semaphore, #tpu.memory_space<semaphore_mem>>) src(%dma_wait3A_146 : memref<125x128xf32, #tpu.memory_space<vmem>>) dst(%dma_wait3A_152 : memref<10240x128xf32, #tpu.memory_space<vmem_shared>>)
        tpu.yield
      }) : () -> ()
      %add3A_107 = arith.constant 2 : i32
      %add3A_108 = arith.addi %mul3A_84, %add3A_107 : i32
      %lt3A = arith.constant 40 : i32
      %lt3A_109 = arith.cmpi slt, %add3A_108, %lt3A : i32
      %convert_element_type3A_110 = arith.extui %lt3A_109 : i1 to i32
      %cond3A_111 = arith.constant 0 : i32
      %cond3A_112 = arith.cmpi ne, %convert_element_type3A_110, %cond3A_111 : i32
      scf.if %cond3A_112 {
        %add3A_135 = arith.constant 2 : i32
        %add3A_136 = arith.addi %mul3A_84, %add3A_135 : i32
        %dma_start3A_137 = arith.constant 0 : i32
        %dma_start3A_138 = arith.constant 0 : i32
        %dma_start3A_139 = tpu.memref_slice %arg8[%dma_start3A_137, %dma_start3A_138] : memref<128x128xf32, #tpu.memory_space<vmem>> -> memref<125x128xf32, #tpu.memory_space<vmem>>
        %dma_start3A_140 = arith.constant 0 : i32
        %dma_start3A_141 = tpu.memref_slice %arg6[%add3A_136, %dma_start3A_140] : memref<40x125xi32, #tpu.memory_space<vmem>> -> memref<1x125xi32, #tpu.memory_space<vmem>>
        %dma_start3A_142 = tpu.memref_squeeze %dma_start3A_141 : memref<1x125xi32, #tpu.memory_space<vmem>> -> memref<125xi32, #tpu.memory_space<vmem>>
        %dma_start3A_143 = arith.constant 0 : i32
        %dma_start3A_144 = arith.constant 0 : i32
        %dma_start3A_145 = tpu.memref_slice %arg2[%dma_start3A_143, %dma_start3A_144] : memref<10240x128xf32, #tpu.memory_space<hbm>> -> memref<10240x128xf32, #tpu.memory_space<hbm>>
        tpu.enqueue_indirect_dma source(%dma_start3A_145 : memref<10240x128xf32, #tpu.memory_space<hbm>>) target(%dma_start3A_139 : memref<125x128xf32, #tpu.memory_space<vmem>>) offsets(%dma_start3A_142 : memref<125xi32, #tpu.memory_space<vmem>>) semaphore(%arg11 : memref<!tpu.dma_semaphore, #tpu.memory_space<semaphore_mem>>)
      } else {
      }
      %add3A_113 = arith.constant 1 : i32
      %add3A_114 = arith.addi %mul3A_84, %add3A_113 : i32
      %dma_wait3A_115 = arith.constant 0 : i32
      %dma_wait3A_116 = arith.constant 0 : i32
      %dma_wait3A_117 = tpu.memref_slice %arg9[%dma_wait3A_115, %dma_wait3A_116] : memref<128x128xf32, #tpu.memory_space<vmem>> -> memref<125x128xf32, #tpu.memory_space<vmem>>
      %dma_wait3A_118 = arith.constant 0 : i32
      %dma_wait3A_119 = tpu.memref_slice %arg6[%add3A_114, %dma_wait3A_118] : memref<40x125xi32, #tpu.memory_space<vmem>> -> memref<1x125xi32, #tpu.memory_space<vmem>>
      %dma_wait3A_120 = tpu.memref_squeeze %dma_wait3A_119 : memref<1x125xi32, #tpu.memory_space<vmem>> -> memref<125xi32, #tpu.memory_space<vmem>>
      %dma_wait3A_121 = arith.constant 0 : i32
      %dma_wait3A_122 = arith.constant 0 : i32
      %dma_wait3A_123 = tpu.memref_slice %arg2[%dma_wait3A_121, %dma_wait3A_122] : memref<10240x128xf32, #tpu.memory_space<hbm>> -> memref<10240x128xf32, #tpu.memory_space<hbm>>
      tpu.wait_indirect_dma semaphore(%arg12 : memref<!tpu.dma_semaphore, #tpu.memory_space<semaphore_mem>>) src(%dma_wait3A_123 : memref<10240x128xf32, #tpu.memory_space<hbm>>) dst(%dma_wait3A_117 : memref<125x128xf32, #tpu.memory_space<vmem>>)
      %add3A_124 = arith.constant 1 : i32
      %add3A_125 = arith.addi %mul3A_84, %add3A_124 : i32
      %dma_start3A_126 = arith.constant 0 : i32
      %dma_start3A_127 = arith.constant 0 : i32
      %dma_start3A_128 = tpu.memref_slice %arg9[%dma_start3A_126, %dma_start3A_127] : memref<128x128xf32, #tpu.memory_space<vmem>> -> memref<125x128xf32, #tpu.memory_space<vmem>>
      %dma_start3A_129 = arith.constant 0 : i32
      %dma_start3A_130 = tpu.memref_slice %arg7[%add3A_125, %dma_start3A_129] : memref<40x125xi32, #tpu.memory_space<vmem>> -> memref<1x125xi32, #tpu.memory_space<vmem>>
      %dma_start3A_131 = tpu.memref_squeeze %dma_start3A_130 : memref<1x125xi32, #tpu.memory_space<vmem>> -> memref<125xi32, #tpu.memory_space<vmem>>
      %dma_start3A_132 = arith.constant 0 : i32
      %dma_start3A_133 = arith.constant 0 : i32
      %dma_start3A_134 = tpu.memref_slice %arg10[%dma_start3A_132, %dma_start3A_133] : memref<10240x128xf32, #tpu.memory_space<vmem_shared>> -> memref<10240x128xf32, #tpu.memory_space<vmem_shared>>
      tpu.enqueue_indirect_dma source(%dma_start3A_128 : memref<125x128xf32, #tpu.memory_space<vmem>>) target(%dma_start3A_134 : memref<10240x128xf32, #tpu.memory_space<vmem_shared>>) offsets(%dma_start3A_131 : memref<125xi32, #tpu.memory_space<vmem>>) semaphore(%arg14 : memref<!tpu.dma_semaphore, #tpu.memory_space<semaphore_mem>>) {add = true}
    }
    %scan3A_41 = arith.constant 20 : i32
    %dma_wait3A = arith.constant 39 : i32
    %dma_wait3A_42 = arith.constant 0 : i32
    %dma_wait3A_43 = arith.constant 0 : i32
    %dma_wait3A_44 = tpu.memref_slice %arg9[%dma_wait3A_42, %dma_wait3A_43] : memref<128x128xf32, #tpu.memory_space<vmem>> -> memref<125x128xf32, #tpu.memory_space<vmem>>
    %dma_wait3A_45 = arith.constant 0 : i32
    %dma_wait3A_46 = tpu.memref_slice %arg7[%dma_wait3A, %dma_wait3A_45] : memref<40x125xi32, #tpu.memory_space<vmem>> -> memref<1x125xi32, #tpu.memory_space<vmem>>
    %dma_wait3A_47 = tpu.memref_squeeze %dma_wait3A_46 : memref<1x125xi32, #tpu.memory_space<vmem>> -> memref<125xi32, #tpu.memory_space<vmem>>
    %dma_wait3A_48 = arith.constant 0 : i32
    %dma_wait3A_49 = arith.constant 0 : i32
    %dma_wait3A_50 = tpu.memref_slice %arg10[%dma_wait3A_48, %dma_wait3A_49] : memref<10240x128xf32, #tpu.memory_space<vmem_shared>> -> memref<10240x128xf32, #tpu.memory_space<vmem_shared>>
    tpu.wait_indirect_dma semaphore(%arg14 : memref<!tpu.dma_semaphore, #tpu.memory_space<semaphore_mem>>) src(%dma_wait3A_44 : memref<125x128xf32, #tpu.memory_space<vmem>>) dst(%dma_wait3A_50 : memref<10240x128xf32, #tpu.memory_space<vmem_shared>>)
    "tpu.region"() ({
      %run_scoped3A = tpu.sem_alloc : memref<!tpu.dma_semaphore, #tpu.memory_space<semaphore_mem>>
      %dma_start3A_82 = arith.constant 40 : i32
      %dma_start3A_83 = arith.constant 0 : i32
      %dma_start3A_84 = tpu.memref_slice %arg3[%add3A, %dma_start3A_82, %dma_start3A_83] : memref<32x80x125xi32, #tpu.memory_space<hbm>> -> memref<1x40x125xi32, #tpu.memory_space<hbm>>
      %dma_start3A_85 = tpu.memref_squeeze %dma_start3A_84 : memref<1x40x125xi32, #tpu.memory_space<hbm>> -> memref<40x125xi32, #tpu.memory_space<hbm>>
      %dma_start3A_86 = arith.constant 40 : i32
      %dma_start3A_87 = arith.constant 0 : i32
      %dma_start3A_88 = tpu.memref_slice %arg3[%add3A, %dma_start3A_86, %dma_start3A_87] : memref<32x80x125xi32, #tpu.memory_space<hbm>> -> memref<1x40x125xi32, #tpu.memory_space<hbm>>
      %dma_start3A_89 = tpu.memref_squeeze %dma_start3A_88 : memref<1x40x125xi32, #tpu.memory_space<hbm>> -> memref<40x125xi32, #tpu.memory_space<hbm>>
      tpu.enqueue_dma source(%dma_start3A_89 : memref<40x125xi32, #tpu.memory_space<hbm>>) target(%arg6 : memref<40x125xi32, #tpu.memory_space<vmem>>) target_semaphore(%run_scoped3A : memref<!tpu.dma_semaphore, #tpu.memory_space<semaphore_mem>>)
      %dma_wait3A_90 = arith.constant 40 : i32
      %dma_wait3A_91 = arith.constant 0 : i32
      %dma_wait3A_92 = tpu.memref_slice %arg3[%add3A, %dma_wait3A_90, %dma_wait3A_91] : memref<32x80x125xi32, #tpu.memory_space<hbm>> -> memref<1x40x125xi32, #tpu.memory_space<hbm>>
      %dma_wait3A_93 = tpu.memref_squeeze %dma_wait3A_92 : memref<1x40x125xi32, #tpu.memory_space<hbm>> -> memref<40x125xi32, #tpu.memory_space<hbm>>
      %dma_wait3A_94 = arith.constant 40 : i32
      %dma_wait3A_95 = arith.constant 0 : i32
      %dma_wait3A_96 = tpu.memref_slice %arg3[%add3A, %dma_wait3A_94, %dma_wait3A_95] : memref<32x80x125xi32, #tpu.memory_space<hbm>> -> memref<1x40x125xi32, #tpu.memory_space<hbm>>
      %dma_wait3A_97 = tpu.memref_squeeze %dma_wait3A_96 : memref<1x40x125xi32, #tpu.memory_space<hbm>> -> memref<40x125xi32, #tpu.memory_space<hbm>>
      tpu.wait_dma2 semaphore(%run_scoped3A : memref<!tpu.dma_semaphore, #tpu.memory_space<semaphore_mem>>) src(%dma_wait3A_97 : memref<40x125xi32, #tpu.memory_space<hbm>>) dst(%arg6 : memref<40x125xi32, #tpu.memory_space<vmem>>)
      tpu.yield
    }) : () -> ()
    "tpu.region"() ({
      %run_scoped3A = tpu.sem_alloc : memref<!tpu.dma_semaphore, #tpu.memory_space<semaphore_mem>>
      %dma_start3A_82 = arith.constant 40 : i32
      %dma_start3A_83 = arith.constant 0 : i32
      %dma_start3A_84 = tpu.memref_slice %arg4[%add3A, %dma_start3A_82, %dma_start3A_83] : memref<32x80x125xi32, #tpu.memory_space<hbm>> -> memref<1x40x125xi32, #tpu.memory_space<hbm>>
      %dma_start3A_85 = tpu.memref_squeeze %dma_start3A_84 : memref<1x40x125xi32, #tpu.memory_space<hbm>> -> memref<40x125xi32, #tpu.memory_space<hbm>>
      %dma_start3A_86 = arith.constant 40 : i32
      %dma_start3A_87 = arith.constant 0 : i32
      %dma_start3A_88 = tpu.memref_slice %arg4[%add3A, %dma_start3A_86, %dma_start3A_87] : memref<32x80x125xi32, #tpu.memory_space<hbm>> -> memref<1x40x125xi32, #tpu.memory_space<hbm>>
      %dma_start3A_89 = tpu.memref_squeeze %dma_start3A_88 : memref<1x40x125xi32, #tpu.memory_space<hbm>> -> memref<40x125xi32, #tpu.memory_space<hbm>>
      tpu.enqueue_dma source(%dma_start3A_89 : memref<40x125xi32, #tpu.memory_space<hbm>>) target(%arg7 : memref<40x125xi32, #tpu.memory_space<vmem>>) target_semaphore(%run_scoped3A : memref<!tpu.dma_semaphore, #tpu.memory_space<semaphore_mem>>)
      %dma_wait3A_90 = arith.constant 40 : i32
      %dma_wait3A_91 = arith.constant 0 : i32
      %dma_wait3A_92 = tpu.memref_slice %arg4[%add3A, %dma_wait3A_90, %dma_wait3A_91] : memref<32x80x125xi32, #tpu.memory_space<hbm>> -> memref<1x40x125xi32, #tpu.memory_space<hbm>>
      %dma_wait3A_93 = tpu.memref_squeeze %dma_wait3A_92 : memref<1x40x125xi32, #tpu.memory_space<hbm>> -> memref<40x125xi32, #tpu.memory_space<hbm>>
      %dma_wait3A_94 = arith.constant 40 : i32
      %dma_wait3A_95 = arith.constant 0 : i32
      %dma_wait3A_96 = tpu.memref_slice %arg4[%add3A, %dma_wait3A_94, %dma_wait3A_95] : memref<32x80x125xi32, #tpu.memory_space<hbm>> -> memref<1x40x125xi32, #tpu.memory_space<hbm>>
      %dma_wait3A_97 = tpu.memref_squeeze %dma_wait3A_96 : memref<1x40x125xi32, #tpu.memory_space<hbm>> -> memref<40x125xi32, #tpu.memory_space<hbm>>
      tpu.wait_dma2 semaphore(%run_scoped3A : memref<!tpu.dma_semaphore, #tpu.memory_space<semaphore_mem>>) src(%dma_wait3A_97 : memref<40x125xi32, #tpu.memory_space<hbm>>) dst(%arg7 : memref<40x125xi32, #tpu.memory_space<vmem>>)
      tpu.yield
    }) : () -> ()
    %dma_start3A_51 = arith.constant 0 : i32
    %dma_start3A_52 = arith.constant 0 : i32
    %dma_start3A_53 = arith.constant 0 : i32
    %dma_start3A_54 = tpu.memref_slice %arg8[%dma_start3A_52, %dma_start3A_53] : memref<128x128xf32, #tpu.memory_space<vmem>> -> memref<125x128xf32, #tpu.memory_space<vmem>>
    %dma_start3A_55 = arith.constant 0 : i32
    %dma_start3A_56 = tpu.memref_slice %arg6[%dma_start3A_51, %dma_start3A_55] : memref<40x125xi32, #tpu.memory_space<vmem>> -> memref<1x125xi32, #tpu.memory_space<vmem>>
    %dma_start3A_57 = tpu.memref_squeeze %dma_start3A_56 : memref<1x125xi32, #tpu.memory_space<vmem>> -> memref<125xi32, #tpu.memory_space<vmem>>
    %dma_start3A_58 = arith.constant 0 : i32
    %dma_start3A_59 = arith.constant 0 : i32
    %dma_start3A_60 = tpu.memref_slice %arg2[%dma_start3A_58, %dma_start3A_59] : memref<10240x128xf32, #tpu.memory_space<hbm>> -> memref<10240x128xf32, #tpu.memory_space<hbm>>
    tpu.enqueue_indirect_dma source(%dma_start3A_60 : memref<10240x128xf32, #tpu.memory_space<hbm>>) target(%dma_start3A_54 : memref<125x128xf32, #tpu.memory_space<vmem>>) offsets(%dma_start3A_57 : memref<125xi32, #tpu.memory_space<vmem>>) semaphore(%arg11 : memref<!tpu.dma_semaphore, #tpu.memory_space<semaphore_mem>>)
    %scan3A_61 = arith.constant 0 : i32
    %scan3A_62 = arith.constant 0 : i32
    %scan3A_63 = arith.constant 20 : i32
    %scan3A_64 = arith.addi %scan3A_62, %scan3A_63 : i32
    %scan3A_65 = arith.constant 1 : i32
    scf.for %scan3A_82 = %scan3A_62 to %scan3A_64 step %scan3A_65  : i32 {
      %mul3A_83 = arith.constant 2 : i32
      %mul3A_84 = arith.muli %mul3A_83, %scan3A_82 : i32
      %gt3A = arith.constant 0 : i32
      %gt3A_85 = arith.cmpi sgt, %scan3A_82, %gt3A : i32
      %convert_element_type3A = arith.extui %gt3A_85 : i1 to i32
      %cond3A = arith.constant 0 : i32
      %cond3A_86 = arith.cmpi ne, %convert_element_type3A, %cond3A : i32
      scf.if %cond3A_86 {
        %sub3A = arith.constant 1 : i32
        %sub3A_135 = arith.subi %mul3A_84, %sub3A : i32
        %dma_wait3A_136 = arith.constant 0 : i32
        %dma_wait3A_137 = arith.constant 0 : i32
        %dma_wait3A_138 = tpu.memref_slice %arg9[%dma_wait3A_136, %dma_wait3A_137] : memref<128x128xf32, #tpu.memory_space<vmem>> -> memref<125x128xf32, #tpu.memory_space<vmem>>
        %dma_wait3A_139 = arith.constant 0 : i32
        %dma_wait3A_140 = tpu.memref_slice %arg7[%sub3A_135, %dma_wait3A_139] : memref<40x125xi32, #tpu.memory_space<vmem>> -> memref<1x125xi32, #tpu.memory_space<vmem>>
        %dma_wait3A_141 = tpu.memref_squeeze %dma_wait3A_140 : memref<1x125xi32, #tpu.memory_space<vmem>> -> memref<125xi32, #tpu.memory_space<vmem>>
        %dma_wait3A_142 = arith.constant 0 : i32
        %dma_wait3A_143 = arith.constant 0 : i32
        %dma_wait3A_144 = tpu.memref_slice %arg10[%dma_wait3A_142, %dma_wait3A_143] : memref<10240x128xf32, #tpu.memory_space<vmem_shared>> -> memref<10240x128xf32, #tpu.memory_space<vmem_shared>>
        tpu.wait_indirect_dma semaphore(%arg14 : memref<!tpu.dma_semaphore, #tpu.memory_space<semaphore_mem>>) src(%dma_wait3A_138 : memref<125x128xf32, #tpu.memory_space<vmem>>) dst(%dma_wait3A_144 : memref<10240x128xf32, #tpu.memory_space<vmem_shared>>)
      } else {
      }
      %add3A_87 = arith.constant 1 : i32
      %add3A_88 = arith.addi %mul3A_84, %add3A_87 : i32
      %dma_start3A_89 = arith.constant 0 : i32
      %dma_start3A_90 = arith.constant 0 : i32
      %dma_start3A_91 = tpu.memref_slice %arg9[%dma_start3A_89, %dma_start3A_90] : memref<128x128xf32, #tpu.memory_space<vmem>> -> memref<125x128xf32, #tpu.memory_space<vmem>>
      %dma_start3A_92 = arith.constant 0 : i32
      %dma_start3A_93 = tpu.memref_slice %arg6[%add3A_88, %dma_start3A_92] : memref<40x125xi32, #tpu.memory_space<vmem>> -> memref<1x125xi32, #tpu.memory_space<vmem>>
      %dma_start3A_94 = tpu.memref_squeeze %dma_start3A_93 : memref<1x125xi32, #tpu.memory_space<vmem>> -> memref<125xi32, #tpu.memory_space<vmem>>
      %dma_start3A_95 = arith.constant 0 : i32
      %dma_start3A_96 = arith.constant 0 : i32
      %dma_start3A_97 = tpu.memref_slice %arg2[%dma_start3A_95, %dma_start3A_96] : memref<10240x128xf32, #tpu.memory_space<hbm>> -> memref<10240x128xf32, #tpu.memory_space<hbm>>
      tpu.enqueue_indirect_dma source(%dma_start3A_97 : memref<10240x128xf32, #tpu.memory_space<hbm>>) target(%dma_start3A_91 : memref<125x128xf32, #tpu.memory_space<vmem>>) offsets(%dma_start3A_94 : memref<125xi32, #tpu.memory_space<vmem>>) semaphore(%arg12 : memref<!tpu.dma_semaphore, #tpu.memory_space<semaphore_mem>>)
      %dma_wait3A_98 = arith.constant 0 : i32
      %dma_wait3A_99 = arith.constant 0 : i32
      %dma_wait3A_100 = tpu.memref_slice %arg8[%dma_wait3A_98, %dma_wait3A_99] : memref<128x128xf32, #tpu.memory_space<vmem>> -> memref<125x128xf32, #tpu.memory_space<vmem>>
      %dma_wait3A_101 = arith.constant 0 : i32
      %dma_wait3A_102 = tpu.memref_slice %arg6[%mul3A_84, %dma_wait3A_101] : memref<40x125xi32, #tpu.memory_space<vmem>> -> memref<1x125xi32, #tpu.memory_space<vmem>>
      %dma_wait3A_103 = tpu.memref_squeeze %dma_wait3A_102 : memref<1x125xi32, #tpu.memory_space<vmem>> -> memref<125xi32, #tpu.memory_space<vmem>>
      %dma_wait3A_104 = arith.constant 0 : i32
      %dma_wait3A_105 = arith.constant 0 : i32
      %dma_wait3A_106 = tpu.memref_slice %arg2[%dma_wait3A_104, %dma_wait3A_105] : memref<10240x128xf32, #tpu.memory_space<hbm>> -> memref<10240x128xf32, #tpu.memory_space<hbm>>
      tpu.wait_indirect_dma semaphore(%arg11 : memref<!tpu.dma_semaphore, #tpu.memory_space<semaphore_mem>>) src(%dma_wait3A_106 : memref<10240x128xf32, #tpu.memory_space<hbm>>) dst(%dma_wait3A_100 : memref<125x128xf32, #tpu.memory_space<vmem>>)
      "tpu.region"() ({
        %run_scoped3A = tpu.sem_alloc : memref<!tpu.dma_semaphore, #tpu.memory_space<semaphore_mem>>
        %dma_start3A_135 = arith.constant 0 : i32
        %dma_start3A_136 = arith.constant 0 : i32
        %dma_start3A_137 = tpu.memref_slice %arg8[%dma_start3A_135, %dma_start3A_136] : memref<128x128xf32, #tpu.memory_space<vmem>> -> memref<125x128xf32, #tpu.memory_space<vmem>>
        %dma_start3A_138 = arith.constant 0 : i32
        %dma_start3A_139 = tpu.memref_slice %arg7[%mul3A_84, %dma_start3A_138] : memref<40x125xi32, #tpu.memory_space<vmem>> -> memref<1x125xi32, #tpu.memory_space<vmem>>
        %dma_start3A_140 = tpu.memref_squeeze %dma_start3A_139 : memref<1x125xi32, #tpu.memory_space<vmem>> -> memref<125xi32, #tpu.memory_space<vmem>>
        %dma_start3A_141 = arith.constant 0 : i32
        %dma_start3A_142 = arith.constant 0 : i32
        %dma_start3A_143 = tpu.memref_slice %arg10[%dma_start3A_141, %dma_start3A_142] : memref<10240x128xf32, #tpu.memory_space<vmem_shared>> -> memref<10240x128xf32, #tpu.memory_space<vmem_shared>>
        tpu.enqueue_indirect_dma source(%dma_start3A_137 : memref<125x128xf32, #tpu.memory_space<vmem>>) target(%dma_start3A_143 : memref<10240x128xf32, #tpu.memory_space<vmem_shared>>) offsets(%dma_start3A_140 : memref<125xi32, #tpu.memory_space<vmem>>) semaphore(%run_scoped3A : memref<!tpu.dma_semaphore, #tpu.memory_space<semaphore_mem>>) {add = true}
        %dma_wait3A_144 = arith.constant 0 : i32
        %dma_wait3A_145 = arith.constant 0 : i32
        %dma_wait3A_146 = tpu.memref_slice %arg8[%dma_wait3A_144, %dma_wait3A_145] : memref<128x128xf32, #tpu.memory_space<vmem>> -> memref<125x128xf32, #tpu.memory_space<vmem>>
        %dma_wait3A_147 = arith.constant 0 : i32
        %dma_wait3A_148 = tpu.memref_slice %arg7[%mul3A_84, %dma_wait3A_147] : memref<40x125xi32, #tpu.memory_space<vmem>> -> memref<1x125xi32, #tpu.memory_space<vmem>>
        %dma_wait3A_149 = tpu.memref_squeeze %dma_wait3A_148 : memref<1x125xi32, #tpu.memory_space<vmem>> -> memref<125xi32, #tpu.memory_space<vmem>>
        %dma_wait3A_150 = arith.constant 0 : i32
        %dma_wait3A_151 = arith.constant 0 : i32
        %dma_wait3A_152 = tpu.memref_slice %arg10[%dma_wait3A_150, %dma_wait3A_151] : memref<10240x128xf32, #tpu.memory_space<vmem_shared>> -> memref<10240x128xf32, #tpu.memory_space<vmem_shared>>
        tpu.wait_indirect_dma semaphore(%run_scoped3A : memref<!tpu.dma_semaphore, #tpu.memory_space<semaphore_mem>>) src(%dma_wait3A_146 : memref<125x128xf32, #tpu.memory_space<vmem>>) dst(%dma_wait3A_152 : memref<10240x128xf32, #tpu.memory_space<vmem_shared>>)
        tpu.yield
      }) : () -> ()
      %add3A_107 = arith.constant 2 : i32
      %add3A_108 = arith.addi %mul3A_84, %add3A_107 : i32
      %lt3A = arith.constant 40 : i32
      %lt3A_109 = arith.cmpi slt, %add3A_108, %lt3A : i32
      %convert_element_type3A_110 = arith.extui %lt3A_109 : i1 to i32
      %cond3A_111 = arith.constant 0 : i32
      %cond3A_112 = arith.cmpi ne, %convert_element_type3A_110, %cond3A_111 : i32
      scf.if %cond3A_112 {
        %add3A_135 = arith.constant 2 : i32
        %add3A_136 = arith.addi %mul3A_84, %add3A_135 : i32
        %dma_start3A_137 = arith.constant 0 : i32
        %dma_start3A_138 = arith.constant 0 : i32
        %dma_start3A_139 = tpu.memref_slice %arg8[%dma_start3A_137, %dma_start3A_138] : memref<128x128xf32, #tpu.memory_space<vmem>> -> memref<125x128xf32, #tpu.memory_space<vmem>>
        %dma_start3A_140 = arith.constant 0 : i32
        %dma_start3A_141 = tpu.memref_slice %arg6[%add3A_136, %dma_start3A_140] : memref<40x125xi32, #tpu.memory_space<vmem>> -> memref<1x125xi32, #tpu.memory_space<vmem>>
        %dma_start3A_142 = tpu.memref_squeeze %dma_start3A_141 : memref<1x125xi32, #tpu.memory_space<vmem>> -> memref<125xi32, #tpu.memory_space<vmem>>
        %dma_start3A_143 = arith.constant 0 : i32
        %dma_start3A_144 = arith.constant 0 : i32
        %dma_start3A_145 = tpu.memref_slice %arg2[%dma_start3A_143, %dma_start3A_144] : memref<10240x128xf32, #tpu.memory_space<hbm>> -> memref<10240x128xf32, #tpu.memory_space<hbm>>
        tpu.enqueue_indirect_dma source(%dma_start3A_145 : memref<10240x128xf32, #tpu.memory_space<hbm>>) target(%dma_start3A_139 : memref<125x128xf32, #tpu.memory_space<vmem>>) offsets(%dma_start3A_142 : memref<125xi32, #tpu.memory_space<vmem>>) semaphore(%arg11 : memref<!tpu.dma_semaphore, #tpu.memory_space<semaphore_mem>>)
      } else {
      }
      %add3A_113 = arith.constant 1 : i32
      %add3A_114 = arith.addi %mul3A_84, %add3A_113 : i32
      %dma_wait3A_115 = arith.constant 0 : i32
      %dma_wait3A_116 = arith.constant 0 : i32
      %dma_wait3A_117 = tpu.memref_slice %arg9[%dma_wait3A_115, %dma_wait3A_116] : memref<128x128xf32, #tpu.memory_space<vmem>> -> memref<125x128xf32, #tpu.memory_space<vmem>>
      %dma_wait3A_118 = arith.constant 0 : i32
      %dma_wait3A_119 = tpu.memref_slice %arg6[%add3A_114, %dma_wait3A_118] : memref<40x125xi32, #tpu.memory_space<vmem>> -> memref<1x125xi32, #tpu.memory_space<vmem>>
      %dma_wait3A_120 = tpu.memref_squeeze %dma_wait3A_119 : memref<1x125xi32, #tpu.memory_space<vmem>> -> memref<125xi32, #tpu.memory_space<vmem>>
      %dma_wait3A_121 = arith.constant 0 : i32
      %dma_wait3A_122 = arith.constant 0 : i32
      %dma_wait3A_123 = tpu.memref_slice %arg2[%dma_wait3A_121, %dma_wait3A_122] : memref<10240x128xf32, #tpu.memory_space<hbm>> -> memref<10240x128xf32, #tpu.memory_space<hbm>>
      tpu.wait_indirect_dma semaphore(%arg12 : memref<!tpu.dma_semaphore, #tpu.memory_space<semaphore_mem>>) src(%dma_wait3A_123 : memref<10240x128xf32, #tpu.memory_space<hbm>>) dst(%dma_wait3A_117 : memref<125x128xf32, #tpu.memory_space<vmem>>)
      %add3A_124 = arith.constant 1 : i32
      %add3A_125 = arith.addi %mul3A_84, %add3A_124 : i32
      %dma_start3A_126 = arith.constant 0 : i32
      %dma_start3A_127 = arith.constant 0 : i32
      %dma_start3A_128 = tpu.memref_slice %arg9[%dma_start3A_126, %dma_start3A_127] : memref<128x128xf32, #tpu.memory_space<vmem>> -> memref<125x128xf32, #tpu.memory_space<vmem>>
      %dma_start3A_129 = arith.constant 0 : i32
      %dma_start3A_130 = tpu.memref_slice %arg7[%add3A_125, %dma_start3A_129] : memref<40x125xi32, #tpu.memory_space<vmem>> -> memref<1x125xi32, #tpu.memory_space<vmem>>
      %dma_start3A_131 = tpu.memref_squeeze %dma_start3A_130 : memref<1x125xi32, #tpu.memory_space<vmem>> -> memref<125xi32, #tpu.memory_space<vmem>>
      %dma_start3A_132 = arith.constant 0 : i32
      %dma_start3A_133 = arith.constant 0 : i32
      %dma_start3A_134 = tpu.memref_slice %arg10[%dma_start3A_132, %dma_start3A_133] : memref<10240x128xf32, #tpu.memory_space<vmem_shared>> -> memref<10240x128xf32, #tpu.memory_space<vmem_shared>>
      tpu.enqueue_indirect_dma source(%dma_start3A_128 : memref<125x128xf32, #tpu.memory_space<vmem>>) target(%dma_start3A_134 : memref<10240x128xf32, #tpu.memory_space<vmem_shared>>) offsets(%dma_start3A_131 : memref<125xi32, #tpu.memory_space<vmem>>) semaphore(%arg14 : memref<!tpu.dma_semaphore, #tpu.memory_space<semaphore_mem>>) {add = true}
    }
    %scan3A_66 = arith.constant 20 : i32
    %dma_wait3A_67 = arith.constant 39 : i32
    %dma_wait3A_68 = arith.constant 0 : i32
    %dma_wait3A_69 = arith.constant 0 : i32
    %dma_wait3A_70 = tpu.memref_slice %arg9[%dma_wait3A_68, %dma_wait3A_69] : memref<128x128xf32, #tpu.memory_space<vmem>> -> memref<125x128xf32, #tpu.memory_space<vmem>>
    %dma_wait3A_71 = arith.constant 0 : i32
    %dma_wait3A_72 = tpu.memref_slice %arg7[%dma_wait3A_67, %dma_wait3A_71] : memref<40x125xi32, #tpu.memory_space<vmem>> -> memref<1x125xi32, #tpu.memory_space<vmem>>
    %dma_wait3A_73 = tpu.memref_squeeze %dma_wait3A_72 : memref<1x125xi32, #tpu.memory_space<vmem>> -> memref<125xi32, #tpu.memory_space<vmem>>
    %dma_wait3A_74 = arith.constant 0 : i32
    %dma_wait3A_75 = arith.constant 0 : i32
    %dma_wait3A_76 = tpu.memref_slice %arg10[%dma_wait3A_74, %dma_wait3A_75] : memref<10240x128xf32, #tpu.memory_space<vmem_shared>> -> memref<10240x128xf32, #tpu.memory_space<vmem_shared>>
    tpu.wait_indirect_dma semaphore(%arg14 : memref<!tpu.dma_semaphore, #tpu.memory_space<semaphore_mem>>) src(%dma_wait3A_70 : memref<125x128xf32, #tpu.memory_space<vmem>>) dst(%dma_wait3A_76 : memref<10240x128xf32, #tpu.memory_space<vmem_shared>>)
    %barrier3A_77 = arith.constant 0 : index
    tpu.barrier barrier_id(%barrier3A_77)
    %mul3A_78 = arith.constant 640 : i32
    %mul3A_79 = arith.muli %arg1, %mul3A_78 : i32
    %mul3A_80 = arith.constant 640 : i32
    %mul3A_81 = arith.muli %arg1, %mul3A_80 : i32
    "tpu.region"() ({
      %run_scoped3A = tpu.sem_alloc : memref<!tpu.dma_semaphore, #tpu.memory_space<semaphore_mem>>
      %dma_start3A_82 = arith.constant 0 : i32
      %dma_start3A_83 = tpu.memref_slice %arg5[%arg0, %mul3A_81, %dma_start3A_82] : memref<2x10240x128xf32, #tpu.memory_space<hbm>> -> memref<1x640x128xf32, #tpu.memory_space<hbm>>
      %dma_start3A_84 = tpu.memref_squeeze %dma_start3A_83 : memref<1x640x128xf32, #tpu.memory_space<hbm>> -> memref<640x128xf32, #tpu.memory_space<hbm>>
      %dma_start3A_85 = arith.constant 0 : i32
      %dma_start3A_86 = tpu.memref_slice %arg10[%mul3A_79, %dma_start3A_85] : memref<10240x128xf32, #tpu.memory_space<vmem_shared>> -> memref<640x128xf32, #tpu.memory_space<vmem_shared>>
      tpu.enqueue_dma source(%dma_start3A_86 : memref<640x128xf32, #tpu.memory_space<vmem_shared>>) target(%dma_start3A_84 : memref<640x128xf32, #tpu.memory_space<hbm>>) target_semaphore(%run_scoped3A : memref<!tpu.dma_semaphore, #tpu.memory_space<semaphore_mem>>)
      %dma_wait3A_87 = arith.constant 0 : i32
      %dma_wait3A_88 = tpu.memref_slice %arg5[%arg0, %mul3A_81, %dma_wait3A_87] : memref<2x10240x128xf32, #tpu.memory_space<hbm>> -> memref<1x640x128xf32, #tpu.memory_space<hbm>>
      %dma_wait3A_89 = tpu.memref_squeeze %dma_wait3A_88 : memref<1x640x128xf32, #tpu.memory_space<hbm>> -> memref<640x128xf32, #tpu.memory_space<hbm>>
      %dma_wait3A_90 = arith.constant 0 : i32
      %dma_wait3A_91 = tpu.memref_slice %arg10[%mul3A_79, %dma_wait3A_90] : memref<10240x128xf32, #tpu.memory_space<vmem_shared>> -> memref<640x128xf32, #tpu.memory_space<vmem_shared>>
      tpu.wait_dma2 semaphore(%run_scoped3A : memref<!tpu.dma_semaphore, #tpu.memory_space<semaphore_mem>>) src(%dma_wait3A_91 : memref<640x128xf32, #tpu.memory_space<vmem_shared>>) dst(%dma_wait3A_89 : memref<640x128xf32, #tpu.memory_space<hbm>>)
      tpu.yield
    }) : () -> ()
    return
  }
}

#map = affine_map<(d0, d1) -> (0, 0)>
#map1 = affine_map<(d0, d1) -> (0, 0, 0)>
module attributes {stable_mosaic.version = 14 : i64} {
  func.func @_agg_body(%arg0: i32, %arg1: i32, %arg2: memref<10240x128xf32, #tpu.memory_space<hbm>>, %arg3: memref<32x80x125xi32, #tpu.memory_space<hbm>>, %arg4: memref<32x80x125xi32, #tpu.memory_space<hbm>>, %arg5: memref<2x10240x128xf32, #tpu.memory_space<hbm>>, %arg6: memref<40x125xi32, #tpu.memory_space<vmem>>, %arg7: memref<40x125xi32, #tpu.memory_space<vmem>>, %arg8: memref<128x128xf32, #tpu.memory_space<vmem>>, %arg9: memref<128x128xf32, #tpu.memory_space<vmem>>, %arg10: memref<10240x128xf32, #tpu.memory_space<vmem_shared>>, %arg11: memref<!tpu.dma_semaphore, #tpu.memory_space<semaphore_mem>>, %arg12: memref<!tpu.dma_semaphore, #tpu.memory_space<semaphore_mem>>, %arg13: memref<!tpu.dma_semaphore, #tpu.memory_space<semaphore_mem>>, %arg14: memref<!tpu.dma_semaphore, #tpu.memory_space<semaphore_mem>>) attributes {dimension_semantics = [#tpu.dimension_semantics<core_parallel>, #tpu.dimension_semantics<subcore_parallel>], iteration_bounds = array<i64: 2, 16>, scalar_prefetch = 0 : i64, scratch_operands = 9 : i64, tpu.core_type = #tpu.core_type<sc_vector_subcore>, window_params = [{transform_indices = #map}, {transform_indices = #map1}, {transform_indices = #map1}, {transform_indices = #map1}]} {
    %mul3A = arith.constant 16 : i32
    %mul3A_0 = arith.muli %arg0, %mul3A : i32
    %add3A = arith.addi %mul3A_0, %arg1 : i32
    %broadcast_in_dim3A = arith.constant 0.000000e+00 : f32
    %broadcast_in_dim3A_1 = vector.broadcast %broadcast_in_dim3A : f32 to vector<16xf32>
    %scan3A = arith.constant 0 : i32
    %scan3A_2 = arith.constant 0 : i32
    %scan3A_3 = arith.constant 128 : i32
    %scan3A_4 = arith.addi %scan3A_2, %scan3A_3 : i32
    %scan3A_5 = arith.constant 1 : i32
    scf.for %scan3A_82 = %scan3A_2 to %scan3A_4 step %scan3A_5  : i32 {
      %swap3A = arith.index_cast %scan3A_82 : i32 to index
      %swap3A_83 = arith.constant 0 : index
      %swap3A_84 = tpu.vector_load %arg8[%swap3A, %swap3A_83] {strides = array<i32>} : memref<128x128xf32, #tpu.memory_space<vmem>>, vector<1x16xf32>,
      %swap3A_85 = vector.shape_cast %swap3A_84 : vector<1x16xf32> to vector<16xf32>
      %swap3A_86 = vector.shape_cast %broadcast_in_dim3A_1 : vector<16xf32> to vector<1x16xf32>
      tpu.vector_store %arg8[%swap3A, %swap3A_83], %swap3A_86 {strides = array<i32>} : memref<128x128xf32, #tpu.memory_space<vmem>>, vector<1x16xf32>,
      %swap3A_87 = arith.index_cast %scan3A_82 : i32 to index
      %swap3A_88 = arith.constant 16 : index
      %swap3A_89 = tpu.vector_load %arg8[%swap3A_87, %swap3A_88] {strides = array<i32>} : memref<128x128xf32, #tpu.memory_space<vmem>>, vector<1x16xf32>,
      %swap3A_90 = vector.shape_cast %swap3A_89 : vector<1x16xf32> to vector<16xf32>
      %swap3A_91 = vector.shape_cast %broadcast_in_dim3A_1 : vector<16xf32> to vector<1x16xf32>
      tpu.vector_store %arg8[%swap3A_87, %swap3A_88], %swap3A_91 {strides = array<i32>} : memref<128x128xf32, #tpu.memory_space<vmem>>, vector<1x16xf32>,
      %swap3A_92 = arith.index_cast %scan3A_82 : i32 to index
      %swap3A_93 = arith.constant 32 : index
      %swap3A_94 = tpu.vector_load %arg8[%swap3A_92, %swap3A_93] {strides = array<i32>} : memref<128x128xf32, #tpu.memory_space<vmem>>, vector<1x16xf32>,
      %swap3A_95 = vector.shape_cast %swap3A_94 : vector<1x16xf32> to vector<16xf32>
      %swap3A_96 = vector.shape_cast %broadcast_in_dim3A_1 : vector<16xf32> to vector<1x16xf32>
      tpu.vector_store %arg8[%swap3A_92, %swap3A_93], %swap3A_96 {strides = array<i32>} : memref<128x128xf32, #tpu.memory_space<vmem>>, vector<1x16xf32>,
      %swap3A_97 = arith.index_cast %scan3A_82 : i32 to index
      %swap3A_98 = arith.constant 48 : index
      %swap3A_99 = tpu.vector_load %arg8[%swap3A_97, %swap3A_98] {strides = array<i32>} : memref<128x128xf32, #tpu.memory_space<vmem>>, vector<1x16xf32>,
      %swap3A_100 = vector.shape_cast %swap3A_99 : vector<1x16xf32> to vector<16xf32>
      %swap3A_101 = vector.shape_cast %broadcast_in_dim3A_1 : vector<16xf32> to vector<1x16xf32>
      tpu.vector_store %arg8[%swap3A_97, %swap3A_98], %swap3A_101 {strides = array<i32>} : memref<128x128xf32, #tpu.memory_space<vmem>>, vector<1x16xf32>,
      %swap3A_102 = arith.index_cast %scan3A_82 : i32 to index
      %swap3A_103 = arith.constant 64 : index
      %swap3A_104 = tpu.vector_load %arg8[%swap3A_102, %swap3A_103] {strides = array<i32>} : memref<128x128xf32, #tpu.memory_space<vmem>>, vector<1x16xf32>,
      %swap3A_105 = vector.shape_cast %swap3A_104 : vector<1x16xf32> to vector<16xf32>
      %swap3A_106 = vector.shape_cast %broadcast_in_dim3A_1 : vector<16xf32> to vector<1x16xf32>
      tpu.vector_store %arg8[%swap3A_102, %swap3A_103], %swap3A_106 {strides = array<i32>} : memref<128x128xf32, #tpu.memory_space<vmem>>, vector<1x16xf32>,
      %swap3A_107 = arith.index_cast %scan3A_82 : i32 to index
      %swap3A_108 = arith.constant 80 : index
      %swap3A_109 = tpu.vector_load %arg8[%swap3A_107, %swap3A_108] {strides = array<i32>} : memref<128x128xf32, #tpu.memory_space<vmem>>, vector<1x16xf32>,
      %swap3A_110 = vector.shape_cast %swap3A_109 : vector<1x16xf32> to vector<16xf32>
      %swap3A_111 = vector.shape_cast %broadcast_in_dim3A_1 : vector<16xf32> to vector<1x16xf32>
      tpu.vector_store %arg8[%swap3A_107, %swap3A_108], %swap3A_111 {strides = array<i32>} : memref<128x128xf32, #tpu.memory_space<vmem>>, vector<1x16xf32>,
      %swap3A_112 = arith.index_cast %scan3A_82 : i32 to index
      %swap3A_113 = arith.constant 96 : index
      %swap3A_114 = tpu.vector_load %arg8[%swap3A_112, %swap3A_113] {strides = array<i32>} : memref<128x128xf32, #tpu.memory_space<vmem>>, vector<1x16xf32>,
      %swap3A_115 = vector.shape_cast %swap3A_114 : vector<1x16xf32> to vector<16xf32>
      %swap3A_116 = vector.shape_cast %broadcast_in_dim3A_1 : vector<16xf32> to vector<1x16xf32>
      tpu.vector_store %arg8[%swap3A_112, %swap3A_113], %swap3A_116 {strides = array<i32>} : memref<128x128xf32, #tpu.memory_space<vmem>>, vector<1x16xf32>,
      %swap3A_117 = arith.index_cast %scan3A_82 : i32 to index
      %swap3A_118 = arith.constant 112 : index
      %swap3A_119 = tpu.vector_load %arg8[%swap3A_117, %swap3A_118] {strides = array<i32>} : memref<128x128xf32, #tpu.memory_space<vmem>>, vector<1x16xf32>,
      %swap3A_120 = vector.shape_cast %swap3A_119 : vector<1x16xf32> to vector<16xf32>
      %swap3A_121 = vector.shape_cast %broadcast_in_dim3A_1 : vector<16xf32> to vector<1x16xf32>
      tpu.vector_store %arg8[%swap3A_117, %swap3A_118], %swap3A_121 {strides = array<i32>} : memref<128x128xf32, #tpu.memory_space<vmem>>, vector<1x16xf32>,
    }
    %scan3A_6 = arith.constant 128 : i32
    %mul3A_7 = arith.constant 640 : i32
    %mul3A_8 = arith.muli %arg1, %mul3A_7 : i32
    %add3A_9 = arith.constant 0 : i32
    %add3A_10 = arith.addi %mul3A_8, %add3A_9 : i32
    "tpu.region"() ({
      %run_scoped3A = tpu.sem_alloc : memref<!tpu.dma_semaphore, #tpu.memory_space<semaphore_mem>>
      %dma_start3A_82 = arith.constant 0 : i32
      %dma_start3A_83 = tpu.memref_slice %arg10[%add3A_10, %dma_start3A_82] : memref<10240x128xf32, #tpu.memory_space<vmem_shared>> -> memref<128x128xf32, #tpu.memory_space<vmem_shared>>
      %dma_start3A_84 = arith.constant 0 : i32
      %dma_start3A_85 = tpu.memref_slice %arg10[%add3A_10, %dma_start3A_84] : memref<10240x128xf32, #tpu.memory_space<vmem_shared>> -> memref<128x128xf32, #tpu.memory_space<vmem_shared>>
      tpu.enqueue_dma source(%arg8 : memref<128x128xf32, #tpu.memory_space<vmem>>) target(%dma_start3A_85 : memref<128x128xf32, #tpu.memory_space<vmem_shared>>) target_semaphore(%run_scoped3A : memref<!tpu.dma_semaphore, #tpu.memory_space<semaphore_mem>>)
      %dma_wait3A_86 = arith.constant 0 : i32
      %dma_wait3A_87 = tpu.memref_slice %arg10[%add3A_10, %dma_wait3A_86] : memref<10240x128xf32, #tpu.memory_space<vmem_shared>> -> memref<128x128xf32, #tpu.memory_space<vmem_shared>>
      %dma_wait3A_88 = arith.constant 0 : i32
      %dma_wait3A_89 = tpu.memref_slice %arg10[%add3A_10, %dma_wait3A_88] : memref<10240x128xf32, #tpu.memory_space<vmem_shared>> -> memref<128x128xf32, #tpu.memory_space<vmem_shared>>
      tpu.wait_dma2 semaphore(%run_scoped3A : memref<!tpu.dma_semaphore, #tpu.memory_space<semaphore_mem>>) src(%arg8 : memref<128x128xf32, #tpu.memory_space<vmem>>) dst(%dma_wait3A_89 : memref<128x128xf32, #tpu.memory_space<vmem_shared>>)
      tpu.yield
    }) : () -> ()
    %mul3A_11 = arith.constant 640 : i32
    %mul3A_12 = arith.muli %arg1, %mul3A_11 : i32
    %add3A_13 = arith.constant 128 : i32
    %add3A_14 = arith.addi %mul3A_12, %add3A_13 : i32
    "tpu.region"() ({
      %run_scoped3A = tpu.sem_alloc : memref<!tpu.dma_semaphore, #tpu.memory_space<semaphore_mem>>
      %dma_start3A_82 = arith.constant 0 : i32
      %dma_start3A_83 = tpu.memref_slice %arg10[%add3A_14, %dma_start3A_82] : memref<10240x128xf32, #tpu.memory_space<vmem_shared>> -> memref<128x128xf32, #tpu.memory_space<vmem_shared>>
      %dma_start3A_84 = arith.constant 0 : i32
      %dma_start3A_85 = tpu.memref_slice %arg10[%add3A_14, %dma_start3A_84] : memref<10240x128xf32, #tpu.memory_space<vmem_shared>> -> memref<128x128xf32, #tpu.memory_space<vmem_shared>>
      tpu.enqueue_dma source(%arg8 : memref<128x128xf32, #tpu.memory_space<vmem>>) target(%dma_start3A_85 : memref<128x128xf32, #tpu.memory_space<vmem_shared>>) target_semaphore(%run_scoped3A : memref<!tpu.dma_semaphore, #tpu.memory_space<semaphore_mem>>)
      %dma_wait3A_86 = arith.constant 0 : i32
      %dma_wait3A_87 = tpu.memref_slice %arg10[%add3A_14, %dma_wait3A_86] : memref<10240x128xf32, #tpu.memory_space<vmem_shared>> -> memref<128x128xf32, #tpu.memory_space<vmem_shared>>
      %dma_wait3A_88 = arith.constant 0 : i32
      %dma_wait3A_89 = tpu.memref_slice %arg10[%add3A_14, %dma_wait3A_88] : memref<10240x128xf32, #tpu.memory_space<vmem_shared>> -> memref<128x128xf32, #tpu.memory_space<vmem_shared>>
      tpu.wait_dma2 semaphore(%run_scoped3A : memref<!tpu.dma_semaphore, #tpu.memory_space<semaphore_mem>>) src(%arg8 : memref<128x128xf32, #tpu.memory_space<vmem>>) dst(%dma_wait3A_89 : memref<128x128xf32, #tpu.memory_space<vmem_shared>>)
      tpu.yield
    }) : () -> ()
    %mul3A_15 = arith.constant 640 : i32
    %mul3A_16 = arith.muli %arg1, %mul3A_15 : i32
    %add3A_17 = arith.constant 256 : i32
    %add3A_18 = arith.addi %mul3A_16, %add3A_17 : i32
    "tpu.region"() ({
      %run_scoped3A = tpu.sem_alloc : memref<!tpu.dma_semaphore, #tpu.memory_space<semaphore_mem>>
      %dma_start3A_82 = arith.constant 0 : i32
      %dma_start3A_83 = tpu.memref_slice %arg10[%add3A_18, %dma_start3A_82] : memref<10240x128xf32, #tpu.memory_space<vmem_shared>> -> memref<128x128xf32, #tpu.memory_space<vmem_shared>>
      %dma_start3A_84 = arith.constant 0 : i32
      %dma_start3A_85 = tpu.memref_slice %arg10[%add3A_18, %dma_start3A_84] : memref<10240x128xf32, #tpu.memory_space<vmem_shared>> -> memref<128x128xf32, #tpu.memory_space<vmem_shared>>
      tpu.enqueue_dma source(%arg8 : memref<128x128xf32, #tpu.memory_space<vmem>>) target(%dma_start3A_85 : memref<128x128xf32, #tpu.memory_space<vmem_shared>>) target_semaphore(%run_scoped3A : memref<!tpu.dma_semaphore, #tpu.memory_space<semaphore_mem>>)
      %dma_wait3A_86 = arith.constant 0 : i32
      %dma_wait3A_87 = tpu.memref_slice %arg10[%add3A_18, %dma_wait3A_86] : memref<10240x128xf32, #tpu.memory_space<vmem_shared>> -> memref<128x128xf32, #tpu.memory_space<vmem_shared>>
      %dma_wait3A_88 = arith.constant 0 : i32
      %dma_wait3A_89 = tpu.memref_slice %arg10[%add3A_18, %dma_wait3A_88] : memref<10240x128xf32, #tpu.memory_space<vmem_shared>> -> memref<128x128xf32, #tpu.memory_space<vmem_shared>>
      tpu.wait_dma2 semaphore(%run_scoped3A : memref<!tpu.dma_semaphore, #tpu.memory_space<semaphore_mem>>) src(%arg8 : memref<128x128xf32, #tpu.memory_space<vmem>>) dst(%dma_wait3A_89 : memref<128x128xf32, #tpu.memory_space<vmem_shared>>)
      tpu.yield
    }) : () -> ()
    %mul3A_19 = arith.constant 640 : i32
    %mul3A_20 = arith.muli %arg1, %mul3A_19 : i32
    %add3A_21 = arith.constant 384 : i32
    %add3A_22 = arith.addi %mul3A_20, %add3A_21 : i32
    "tpu.region"() ({
      %run_scoped3A = tpu.sem_alloc : memref<!tpu.dma_semaphore, #tpu.memory_space<semaphore_mem>>
      %dma_start3A_82 = arith.constant 0 : i32
      %dma_start3A_83 = tpu.memref_slice %arg10[%add3A_22, %dma_start3A_82] : memref<10240x128xf32, #tpu.memory_space<vmem_shared>> -> memref<128x128xf32, #tpu.memory_space<vmem_shared>>
      %dma_start3A_84 = arith.constant 0 : i32
      %dma_start3A_85 = tpu.memref_slice %arg10[%add3A_22, %dma_start3A_84] : memref<10240x128xf32, #tpu.memory_space<vmem_shared>> -> memref<128x128xf32, #tpu.memory_space<vmem_shared>>
      tpu.enqueue_dma source(%arg8 : memref<128x128xf32, #tpu.memory_space<vmem>>) target(%dma_start3A_85 : memref<128x128xf32, #tpu.memory_space<vmem_shared>>) target_semaphore(%run_scoped3A : memref<!tpu.dma_semaphore, #tpu.memory_space<semaphore_mem>>)
      %dma_wait3A_86 = arith.constant 0 : i32
      %dma_wait3A_87 = tpu.memref_slice %arg10[%add3A_22, %dma_wait3A_86] : memref<10240x128xf32, #tpu.memory_space<vmem_shared>> -> memref<128x128xf32, #tpu.memory_space<vmem_shared>>
      %dma_wait3A_88 = arith.constant 0 : i32
      %dma_wait3A_89 = tpu.memref_slice %arg10[%add3A_22, %dma_wait3A_88] : memref<10240x128xf32, #tpu.memory_space<vmem_shared>> -> memref<128x128xf32, #tpu.memory_space<vmem_shared>>
      tpu.wait_dma2 semaphore(%run_scoped3A : memref<!tpu.dma_semaphore, #tpu.memory_space<semaphore_mem>>) src(%arg8 : memref<128x128xf32, #tpu.memory_space<vmem>>) dst(%dma_wait3A_89 : memref<128x128xf32, #tpu.memory_space<vmem_shared>>)
      tpu.yield
    }) : () -> ()
    %mul3A_23 = arith.constant 640 : i32
    %mul3A_24 = arith.muli %arg1, %mul3A_23 : i32
    %add3A_25 = arith.constant 512 : i32
    %add3A_26 = arith.addi %mul3A_24, %add3A_25 : i32
    "tpu.region"() ({
      %run_scoped3A = tpu.sem_alloc : memref<!tpu.dma_semaphore, #tpu.memory_space<semaphore_mem>>
      %dma_start3A_82 = arith.constant 0 : i32
      %dma_start3A_83 = tpu.memref_slice %arg10[%add3A_26, %dma_start3A_82] : memref<10240x128xf32, #tpu.memory_space<vmem_shared>> -> memref<128x128xf32, #tpu.memory_space<vmem_shared>>
      %dma_start3A_84 = arith.constant 0 : i32
      %dma_start3A_85 = tpu.memref_slice %arg10[%add3A_26, %dma_start3A_84] : memref<10240x128xf32, #tpu.memory_space<vmem_shared>> -> memref<128x128xf32, #tpu.memory_space<vmem_shared>>
      tpu.enqueue_dma source(%arg8 : memref<128x128xf32, #tpu.memory_space<vmem>>) target(%dma_start3A_85 : memref<128x128xf32, #tpu.memory_space<vmem_shared>>) target_semaphore(%run_scoped3A : memref<!tpu.dma_semaphore, #tpu.memory_space<semaphore_mem>>)
      %dma_wait3A_86 = arith.constant 0 : i32
      %dma_wait3A_87 = tpu.memref_slice %arg10[%add3A_26, %dma_wait3A_86] : memref<10240x128xf32, #tpu.memory_space<vmem_shared>> -> memref<128x128xf32, #tpu.memory_space<vmem_shared>>
      %dma_wait3A_88 = arith.constant 0 : i32
      %dma_wait3A_89 = tpu.memref_slice %arg10[%add3A_26, %dma_wait3A_88] : memref<10240x128xf32, #tpu.memory_space<vmem_shared>> -> memref<128x128xf32, #tpu.memory_space<vmem_shared>>
      tpu.wait_dma2 semaphore(%run_scoped3A : memref<!tpu.dma_semaphore, #tpu.memory_space<semaphore_mem>>) src(%arg8 : memref<128x128xf32, #tpu.memory_space<vmem>>) dst(%dma_wait3A_89 : memref<128x128xf32, #tpu.memory_space<vmem_shared>>)
      tpu.yield
    }) : () -> ()
    %barrier3A = arith.constant 0 : index
    tpu.barrier barrier_id(%barrier3A)
    "tpu.region"() ({
      %run_scoped3A = tpu.sem_alloc : memref<!tpu.dma_semaphore, #tpu.memory_space<semaphore_mem>>
      %dma_start3A_82 = arith.constant 0 : i32
      %dma_start3A_83 = arith.constant 0 : i32
      %dma_start3A_84 = tpu.memref_slice %arg3[%add3A, %dma_start3A_82, %dma_start3A_83] : memref<32x80x125xi32, #tpu.memory_space<hbm>> -> memref<1x40x125xi32, #tpu.memory_space<hbm>>
      %dma_start3A_85 = tpu.memref_squeeze %dma_start3A_84 : memref<1x40x125xi32, #tpu.memory_space<hbm>> -> memref<40x125xi32, #tpu.memory_space<hbm>>
      %dma_start3A_86 = arith.constant 0 : i32
      %dma_start3A_87 = arith.constant 0 : i32
      %dma_start3A_88 = tpu.memref_slice %arg3[%add3A, %dma_start3A_86, %dma_start3A_87] : memref<32x80x125xi32, #tpu.memory_space<hbm>> -> memref<1x40x125xi32, #tpu.memory_space<hbm>>
      %dma_start3A_89 = tpu.memref_squeeze %dma_start3A_88 : memref<1x40x125xi32, #tpu.memory_space<hbm>> -> memref<40x125xi32, #tpu.memory_space<hbm>>
      tpu.enqueue_dma source(%dma_start3A_89 : memref<40x125xi32, #tpu.memory_space<hbm>>) target(%arg6 : memref<40x125xi32, #tpu.memory_space<vmem>>) target_semaphore(%run_scoped3A : memref<!tpu.dma_semaphore, #tpu.memory_space<semaphore_mem>>)
      %dma_wait3A_90 = arith.constant 0 : i32
      %dma_wait3A_91 = arith.constant 0 : i32
      %dma_wait3A_92 = tpu.memref_slice %arg3[%add3A, %dma_wait3A_90, %dma_wait3A_91] : memref<32x80x125xi32, #tpu.memory_space<hbm>> -> memref<1x40x125xi32, #tpu.memory_space<hbm>>
      %dma_wait3A_93 = tpu.memref_squeeze %dma_wait3A_92 : memref<1x40x125xi32, #tpu.memory_space<hbm>> -> memref<40x125xi32, #tpu.memory_space<hbm>>
      %dma_wait3A_94 = arith.constant 0 : i32
      %dma_wait3A_95 = arith.constant 0 : i32
      %dma_wait3A_96 = tpu.memref_slice %arg3[%add3A, %dma_wait3A_94, %dma_wait3A_95] : memref<32x80x125xi32, #tpu.memory_space<hbm>> -> memref<1x40x125xi32, #tpu.memory_space<hbm>>
      %dma_wait3A_97 = tpu.memref_squeeze %dma_wait3A_96 : memref<1x40x125xi32, #tpu.memory_space<hbm>> -> memref<40x125xi32, #tpu.memory_space<hbm>>
      tpu.wait_dma2 semaphore(%run_scoped3A : memref<!tpu.dma_semaphore, #tpu.memory_space<semaphore_mem>>) src(%dma_wait3A_97 : memref<40x125xi32, #tpu.memory_space<hbm>>) dst(%arg6 : memref<40x125xi32, #tpu.memory_space<vmem>>)
      tpu.yield
    }) : () -> ()
    "tpu.region"() ({
      %run_scoped3A = tpu.sem_alloc : memref<!tpu.dma_semaphore, #tpu.memory_space<semaphore_mem>>
      %dma_start3A_82 = arith.constant 0 : i32
      %dma_start3A_83 = arith.constant 0 : i32
      %dma_start3A_84 = tpu.memref_slice %arg4[%add3A, %dma_start3A_82, %dma_start3A_83] : memref<32x80x125xi32, #tpu.memory_space<hbm>> -> memref<1x40x125xi32, #tpu.memory_space<hbm>>
      %dma_start3A_85 = tpu.memref_squeeze %dma_start3A_84 : memref<1x40x125xi32, #tpu.memory_space<hbm>> -> memref<40x125xi32, #tpu.memory_space<hbm>>
      %dma_start3A_86 = arith.constant 0 : i32
      %dma_start3A_87 = arith.constant 0 : i32
      %dma_start3A_88 = tpu.memref_slice %arg4[%add3A, %dma_start3A_86, %dma_start3A_87] : memref<32x80x125xi32, #tpu.memory_space<hbm>> -> memref<1x40x125xi32, #tpu.memory_space<hbm>>
      %dma_start3A_89 = tpu.memref_squeeze %dma_start3A_88 : memref<1x40x125xi32, #tpu.memory_space<hbm>> -> memref<40x125xi32, #tpu.memory_space<hbm>>
      tpu.enqueue_dma source(%dma_start3A_89 : memref<40x125xi32, #tpu.memory_space<hbm>>) target(%arg7 : memref<40x125xi32, #tpu.memory_space<vmem>>) target_semaphore(%run_scoped3A : memref<!tpu.dma_semaphore, #tpu.memory_space<semaphore_mem>>)
      %dma_wait3A_90 = arith.constant 0 : i32
      %dma_wait3A_91 = arith.constant 0 : i32
      %dma_wait3A_92 = tpu.memref_slice %arg4[%add3A, %dma_wait3A_90, %dma_wait3A_91] : memref<32x80x125xi32, #tpu.memory_space<hbm>> -> memref<1x40x125xi32, #tpu.memory_space<hbm>>
      %dma_wait3A_93 = tpu.memref_squeeze %dma_wait3A_92 : memref<1x40x125xi32, #tpu.memory_space<hbm>> -> memref<40x125xi32, #tpu.memory_space<hbm>>
      %dma_wait3A_94 = arith.constant 0 : i32
      %dma_wait3A_95 = arith.constant 0 : i32
      %dma_wait3A_96 = tpu.memref_slice %arg4[%add3A, %dma_wait3A_94, %dma_wait3A_95] : memref<32x80x125xi32, #tpu.memory_space<hbm>> -> memref<1x40x125xi32, #tpu.memory_space<hbm>>
      %dma_wait3A_97 = tpu.memref_squeeze %dma_wait3A_96 : memref<1x40x125xi32, #tpu.memory_space<hbm>> -> memref<40x125xi32, #tpu.memory_space<hbm>>
      tpu.wait_dma2 semaphore(%run_scoped3A : memref<!tpu.dma_semaphore, #tpu.memory_space<semaphore_mem>>) src(%dma_wait3A_97 : memref<40x125xi32, #tpu.memory_space<hbm>>) dst(%arg7 : memref<40x125xi32, #tpu.memory_space<vmem>>)
      tpu.yield
    }) : () -> ()
    %dma_start3A = arith.constant 0 : i32
    %dma_start3A_27 = arith.constant 0 : i32
    %dma_start3A_28 = arith.constant 0 : i32
    %dma_start3A_29 = tpu.memref_slice %arg8[%dma_start3A_27, %dma_start3A_28] : memref<128x128xf32, #tpu.memory_space<vmem>> -> memref<125x128xf32, #tpu.memory_space<vmem>>
    %dma_start3A_30 = arith.constant 0 : i32
    %dma_start3A_31 = tpu.memref_slice %arg6[%dma_start3A, %dma_start3A_30] : memref<40x125xi32, #tpu.memory_space<vmem>> -> memref<1x125xi32, #tpu.memory_space<vmem>>
    %dma_start3A_32 = tpu.memref_squeeze %dma_start3A_31 : memref<1x125xi32, #tpu.memory_space<vmem>> -> memref<125xi32, #tpu.memory_space<vmem>>
    %dma_start3A_33 = arith.constant 0 : i32
    %dma_start3A_34 = arith.constant 0 : i32
    %dma_start3A_35 = tpu.memref_slice %arg2[%dma_start3A_33, %dma_start3A_34] : memref<10240x128xf32, #tpu.memory_space<hbm>> -> memref<10240x128xf32, #tpu.memory_space<hbm>>
    tpu.enqueue_indirect_dma source(%dma_start3A_35 : memref<10240x128xf32, #tpu.memory_space<hbm>>) target(%dma_start3A_29 : memref<125x128xf32, #tpu.memory_space<vmem>>) offsets(%dma_start3A_32 : memref<125xi32, #tpu.memory_space<vmem>>) semaphore(%arg11 : memref<!tpu.dma_semaphore, #tpu.memory_space<semaphore_mem>>)
    %scan3A_36 = arith.constant 0 : i32
    %scan3A_37 = arith.constant 0 : i32
    %scan3A_38 = arith.constant 20 : i32
    %scan3A_39 = arith.addi %scan3A_37, %scan3A_38 : i32
    %scan3A_40 = arith.constant 1 : i32
    scf.for %scan3A_82 = %scan3A_37 to %scan3A_39 step %scan3A_40  : i32 {
      %mul3A_83 = arith.constant 2 : i32
      %mul3A_84 = arith.muli %mul3A_83, %scan3A_82 : i32
      %gt3A = arith.constant 0 : i32
      %gt3A_85 = arith.cmpi sgt, %scan3A_82, %gt3A : i32
      %convert_element_type3A = arith.extui %gt3A_85 : i1 to i32
      %cond3A = arith.constant 0 : i32
      %cond3A_86 = arith.cmpi ne, %convert_element_type3A, %cond3A : i32
      scf.if %cond3A_86 {
        %sub3A = arith.constant 1 : i32
        %sub3A_135 = arith.subi %mul3A_84, %sub3A : i32
        %dma_wait3A_136 = arith.constant 0 : i32
        %dma_wait3A_137 = arith.constant 0 : i32
        %dma_wait3A_138 = tpu.memref_slice %arg9[%dma_wait3A_136, %dma_wait3A_137] : memref<128x128xf32, #tpu.memory_space<vmem>> -> memref<125x128xf32, #tpu.memory_space<vmem>>
        %dma_wait3A_139 = arith.constant 0 : i32
        %dma_wait3A_140 = tpu.memref_slice %arg7[%sub3A_135, %dma_wait3A_139] : memref<40x125xi32, #tpu.memory_space<vmem>> -> memref<1x125xi32, #tpu.memory_space<vmem>>
        %dma_wait3A_141 = tpu.memref_squeeze %dma_wait3A_140 : memref<1x125xi32, #tpu.memory_space<vmem>> -> memref<125xi32, #tpu.memory_space<vmem>>
        %dma_wait3A_142 = arith.constant 0 : i32
        %dma_wait3A_143 = arith.constant 0 : i32
        %dma_wait3A_144 = tpu.memref_slice %arg10[%dma_wait3A_142, %dma_wait3A_143] : memref<10240x128xf32, #tpu.memory_space<vmem_shared>> -> memref<10240x128xf32, #tpu.memory_space<vmem_shared>>
        tpu.wait_indirect_dma semaphore(%arg14 : memref<!tpu.dma_semaphore, #tpu.memory_space<semaphore_mem>>) src(%dma_wait3A_138 : memref<125x128xf32, #tpu.memory_space<vmem>>) dst(%dma_wait3A_144 : memref<10240x128xf32, #tpu.memory_space<vmem_shared>>)
      } else {
      }
      %add3A_87 = arith.constant 1 : i32
      %add3A_88 = arith.addi %mul3A_84, %add3A_87 : i32
      %dma_start3A_89 = arith.constant 0 : i32
      %dma_start3A_90 = arith.constant 0 : i32
      %dma_start3A_91 = tpu.memref_slice %arg9[%dma_start3A_89, %dma_start3A_90] : memref<128x128xf32, #tpu.memory_space<vmem>> -> memref<125x128xf32, #tpu.memory_space<vmem>>
      %dma_start3A_92 = arith.constant 0 : i32
      %dma_start3A_93 = tpu.memref_slice %arg6[%add3A_88, %dma_start3A_92] : memref<40x125xi32, #tpu.memory_space<vmem>> -> memref<1x125xi32, #tpu.memory_space<vmem>>
      %dma_start3A_94 = tpu.memref_squeeze %dma_start3A_93 : memref<1x125xi32, #tpu.memory_space<vmem>> -> memref<125xi32, #tpu.memory_space<vmem>>
      %dma_start3A_95 = arith.constant 0 : i32
      %dma_start3A_96 = arith.constant 0 : i32
      %dma_start3A_97 = tpu.memref_slice %arg2[%dma_start3A_95, %dma_start3A_96] : memref<10240x128xf32, #tpu.memory_space<hbm>> -> memref<10240x128xf32, #tpu.memory_space<hbm>>
      tpu.enqueue_indirect_dma source(%dma_start3A_97 : memref<10240x128xf32, #tpu.memory_space<hbm>>) target(%dma_start3A_91 : memref<125x128xf32, #tpu.memory_space<vmem>>) offsets(%dma_start3A_94 : memref<125xi32, #tpu.memory_space<vmem>>) semaphore(%arg12 : memref<!tpu.dma_semaphore, #tpu.memory_space<semaphore_mem>>)
      %dma_wait3A_98 = arith.constant 0 : i32
      %dma_wait3A_99 = arith.constant 0 : i32
      %dma_wait3A_100 = tpu.memref_slice %arg8[%dma_wait3A_98, %dma_wait3A_99] : memref<128x128xf32, #tpu.memory_space<vmem>> -> memref<125x128xf32, #tpu.memory_space<vmem>>
      %dma_wait3A_101 = arith.constant 0 : i32
      %dma_wait3A_102 = tpu.memref_slice %arg6[%mul3A_84, %dma_wait3A_101] : memref<40x125xi32, #tpu.memory_space<vmem>> -> memref<1x125xi32, #tpu.memory_space<vmem>>
      %dma_wait3A_103 = tpu.memref_squeeze %dma_wait3A_102 : memref<1x125xi32, #tpu.memory_space<vmem>> -> memref<125xi32, #tpu.memory_space<vmem>>
      %dma_wait3A_104 = arith.constant 0 : i32
      %dma_wait3A_105 = arith.constant 0 : i32
      %dma_wait3A_106 = tpu.memref_slice %arg2[%dma_wait3A_104, %dma_wait3A_105] : memref<10240x128xf32, #tpu.memory_space<hbm>> -> memref<10240x128xf32, #tpu.memory_space<hbm>>
      tpu.wait_indirect_dma semaphore(%arg11 : memref<!tpu.dma_semaphore, #tpu.memory_space<semaphore_mem>>) src(%dma_wait3A_106 : memref<10240x128xf32, #tpu.memory_space<hbm>>) dst(%dma_wait3A_100 : memref<125x128xf32, #tpu.memory_space<vmem>>)
      "tpu.region"() ({
        %run_scoped3A = tpu.sem_alloc : memref<!tpu.dma_semaphore, #tpu.memory_space<semaphore_mem>>
        %dma_start3A_135 = arith.constant 0 : i32
        %dma_start3A_136 = arith.constant 0 : i32
        %dma_start3A_137 = tpu.memref_slice %arg8[%dma_start3A_135, %dma_start3A_136] : memref<128x128xf32, #tpu.memory_space<vmem>> -> memref<125x128xf32, #tpu.memory_space<vmem>>
        %dma_start3A_138 = arith.constant 0 : i32
        %dma_start3A_139 = tpu.memref_slice %arg7[%mul3A_84, %dma_start3A_138] : memref<40x125xi32, #tpu.memory_space<vmem>> -> memref<1x125xi32, #tpu.memory_space<vmem>>
        %dma_start3A_140 = tpu.memref_squeeze %dma_start3A_139 : memref<1x125xi32, #tpu.memory_space<vmem>> -> memref<125xi32, #tpu.memory_space<vmem>>
        %dma_start3A_141 = arith.constant 0 : i32
        %dma_start3A_142 = arith.constant 0 : i32
        %dma_start3A_143 = tpu.memref_slice %arg10[%dma_start3A_141, %dma_start3A_142] : memref<10240x128xf32, #tpu.memory_space<vmem_shared>> -> memref<10240x128xf32, #tpu.memory_space<vmem_shared>>
        tpu.enqueue_indirect_dma source(%dma_start3A_137 : memref<125x128xf32, #tpu.memory_space<vmem>>) target(%dma_start3A_143 : memref<10240x128xf32, #tpu.memory_space<vmem_shared>>) offsets(%dma_start3A_140 : memref<125xi32, #tpu.memory_space<vmem>>) semaphore(%run_scoped3A : memref<!tpu.dma_semaphore, #tpu.memory_space<semaphore_mem>>) {add = true}
        %dma_wait3A_144 = arith.constant 0 : i32
        %dma_wait3A_145 = arith.constant 0 : i32
        %dma_wait3A_146 = tpu.memref_slice %arg8[%dma_wait3A_144, %dma_wait3A_145] : memref<128x128xf32, #tpu.memory_space<vmem>> -> memref<125x128xf32, #tpu.memory_space<vmem>>
        %dma_wait3A_147 = arith.constant 0 : i32
        %dma_wait3A_148 = tpu.memref_slice %arg7[%mul3A_84, %dma_wait3A_147] : memref<40x125xi32, #tpu.memory_space<vmem>> -> memref<1x125xi32, #tpu.memory_space<vmem>>
        %dma_wait3A_149 = tpu.memref_squeeze %dma_wait3A_148 : memref<1x125xi32, #tpu.memory_space<vmem>> -> memref<125xi32, #tpu.memory_space<vmem>>
        %dma_wait3A_150 = arith.constant 0 : i32
        %dma_wait3A_151 = arith.constant 0 : i32
        %dma_wait3A_152 = tpu.memref_slice %arg10[%dma_wait3A_150, %dma_wait3A_151] : memref<10240x128xf32, #tpu.memory_space<vmem_shared>> -> memref<10240x128xf32, #tpu.memory_space<vmem_shared>>
        tpu.wait_indirect_dma semaphore(%run_scoped3A : memref<!tpu.dma_semaphore, #tpu.memory_space<semaphore_mem>>) src(%dma_wait3A_146 : memref<125x128xf32, #tpu.memory_space<vmem>>) dst(%dma_wait3A_152 : memref<10240x128xf32, #tpu.memory_space<vmem_shared>>)
        tpu.yield
      }) : () -> ()
      %add3A_107 = arith.constant 2 : i32
      %add3A_108 = arith.addi %mul3A_84, %add3A_107 : i32
      %lt3A = arith.constant 40 : i32
      %lt3A_109 = arith.cmpi slt, %add3A_108, %lt3A : i32
      %convert_element_type3A_110 = arith.extui %lt3A_109 : i1 to i32
      %cond3A_111 = arith.constant 0 : i32
      %cond3A_112 = arith.cmpi ne, %convert_element_type3A_110, %cond3A_111 : i32
      scf.if %cond3A_112 {
        %add3A_135 = arith.constant 2 : i32
        %add3A_136 = arith.addi %mul3A_84, %add3A_135 : i32
        %dma_start3A_137 = arith.constant 0 : i32
        %dma_start3A_138 = arith.constant 0 : i32
        %dma_start3A_139 = tpu.memref_slice %arg8[%dma_start3A_137, %dma_start3A_138] : memref<128x128xf32, #tpu.memory_space<vmem>> -> memref<125x128xf32, #tpu.memory_space<vmem>>
        %dma_start3A_140 = arith.constant 0 : i32
        %dma_start3A_141 = tpu.memref_slice %arg6[%add3A_136, %dma_start3A_140] : memref<40x125xi32, #tpu.memory_space<vmem>> -> memref<1x125xi32, #tpu.memory_space<vmem>>
        %dma_start3A_142 = tpu.memref_squeeze %dma_start3A_141 : memref<1x125xi32, #tpu.memory_space<vmem>> -> memref<125xi32, #tpu.memory_space<vmem>>
        %dma_start3A_143 = arith.constant 0 : i32
        %dma_start3A_144 = arith.constant 0 : i32
        %dma_start3A_145 = tpu.memref_slice %arg2[%dma_start3A_143, %dma_start3A_144] : memref<10240x128xf32, #tpu.memory_space<hbm>> -> memref<10240x128xf32, #tpu.memory_space<hbm>>
        tpu.enqueue_indirect_dma source(%dma_start3A_145 : memref<10240x128xf32, #tpu.memory_space<hbm>>) target(%dma_start3A_139 : memref<125x128xf32, #tpu.memory_space<vmem>>) offsets(%dma_start3A_142 : memref<125xi32, #tpu.memory_space<vmem>>) semaphore(%arg11 : memref<!tpu.dma_semaphore, #tpu.memory_space<semaphore_mem>>)
      } else {
      }
      %add3A_113 = arith.constant 1 : i32
      %add3A_114 = arith.addi %mul3A_84, %add3A_113 : i32
      %dma_wait3A_115 = arith.constant 0 : i32
      %dma_wait3A_116 = arith.constant 0 : i32
      %dma_wait3A_117 = tpu.memref_slice %arg9[%dma_wait3A_115, %dma_wait3A_116] : memref<128x128xf32, #tpu.memory_space<vmem>> -> memref<125x128xf32, #tpu.memory_space<vmem>>
      %dma_wait3A_118 = arith.constant 0 : i32
      %dma_wait3A_119 = tpu.memref_slice %arg6[%add3A_114, %dma_wait3A_118] : memref<40x125xi32, #tpu.memory_space<vmem>> -> memref<1x125xi32, #tpu.memory_space<vmem>>
      %dma_wait3A_120 = tpu.memref_squeeze %dma_wait3A_119 : memref<1x125xi32, #tpu.memory_space<vmem>> -> memref<125xi32, #tpu.memory_space<vmem>>
      %dma_wait3A_121 = arith.constant 0 : i32
      %dma_wait3A_122 = arith.constant 0 : i32
      %dma_wait3A_123 = tpu.memref_slice %arg2[%dma_wait3A_121, %dma_wait3A_122] : memref<10240x128xf32, #tpu.memory_space<hbm>> -> memref<10240x128xf32, #tpu.memory_space<hbm>>
      tpu.wait_indirect_dma semaphore(%arg12 : memref<!tpu.dma_semaphore, #tpu.memory_space<semaphore_mem>>) src(%dma_wait3A_123 : memref<10240x128xf32, #tpu.memory_space<hbm>>) dst(%dma_wait3A_117 : memref<125x128xf32, #tpu.memory_space<vmem>>)
      %add3A_124 = arith.constant 1 : i32
      %add3A_125 = arith.addi %mul3A_84, %add3A_124 : i32
      %dma_start3A_126 = arith.constant 0 : i32
      %dma_start3A_127 = arith.constant 0 : i32
      %dma_start3A_128 = tpu.memref_slice %arg9[%dma_start3A_126, %dma_start3A_127] : memref<128x128xf32, #tpu.memory_space<vmem>> -> memref<125x128xf32, #tpu.memory_space<vmem>>
      %dma_start3A_129 = arith.constant 0 : i32
      %dma_start3A_130 = tpu.memref_slice %arg7[%add3A_125, %dma_start3A_129] : memref<40x125xi32, #tpu.memory_space<vmem>> -> memref<1x125xi32, #tpu.memory_space<vmem>>
      %dma_start3A_131 = tpu.memref_squeeze %dma_start3A_130 : memref<1x125xi32, #tpu.memory_space<vmem>> -> memref<125xi32, #tpu.memory_space<vmem>>
      %dma_start3A_132 = arith.constant 0 : i32
      %dma_start3A_133 = arith.constant 0 : i32
      %dma_start3A_134 = tpu.memref_slice %arg10[%dma_start3A_132, %dma_start3A_133] : memref<10240x128xf32, #tpu.memory_space<vmem_shared>> -> memref<10240x128xf32, #tpu.memory_space<vmem_shared>>
      tpu.enqueue_indirect_dma source(%dma_start3A_128 : memref<125x128xf32, #tpu.memory_space<vmem>>) target(%dma_start3A_134 : memref<10240x128xf32, #tpu.memory_space<vmem_shared>>) offsets(%dma_start3A_131 : memref<125xi32, #tpu.memory_space<vmem>>) semaphore(%arg14 : memref<!tpu.dma_semaphore, #tpu.memory_space<semaphore_mem>>) {add = true}
    }
    %scan3A_41 = arith.constant 20 : i32
    %dma_wait3A = arith.constant 39 : i32
    %dma_wait3A_42 = arith.constant 0 : i32
    %dma_wait3A_43 = arith.constant 0 : i32
    %dma_wait3A_44 = tpu.memref_slice %arg9[%dma_wait3A_42, %dma_wait3A_43] : memref<128x128xf32, #tpu.memory_space<vmem>> -> memref<125x128xf32, #tpu.memory_space<vmem>>
    %dma_wait3A_45 = arith.constant 0 : i32
    %dma_wait3A_46 = tpu.memref_slice %arg7[%dma_wait3A, %dma_wait3A_45] : memref<40x125xi32, #tpu.memory_space<vmem>> -> memref<1x125xi32, #tpu.memory_space<vmem>>
    %dma_wait3A_47 = tpu.memref_squeeze %dma_wait3A_46 : memref<1x125xi32, #tpu.memory_space<vmem>> -> memref<125xi32, #tpu.memory_space<vmem>>
    %dma_wait3A_48 = arith.constant 0 : i32
    %dma_wait3A_49 = arith.constant 0 : i32
    %dma_wait3A_50 = tpu.memref_slice %arg10[%dma_wait3A_48, %dma_wait3A_49] : memref<10240x128xf32, #tpu.memory_space<vmem_shared>> -> memref<10240x128xf32, #tpu.memory_space<vmem_shared>>
    tpu.wait_indirect_dma semaphore(%arg14 : memref<!tpu.dma_semaphore, #tpu.memory_space<semaphore_mem>>) src(%dma_wait3A_44 : memref<125x128xf32, #tpu.memory_space<vmem>>) dst(%dma_wait3A_50 : memref<10240x128xf32, #tpu.memory_space<vmem_shared>>)
    "tpu.region"() ({
      %run_scoped3A = tpu.sem_alloc : memref<!tpu.dma_semaphore, #tpu.memory_space<semaphore_mem>>
      %dma_start3A_82 = arith.constant 40 : i32
      %dma_start3A_83 = arith.constant 0 : i32
      %dma_start3A_84 = tpu.memref_slice %arg3[%add3A, %dma_start3A_82, %dma_start3A_83] : memref<32x80x125xi32, #tpu.memory_space<hbm>> -> memref<1x40x125xi32, #tpu.memory_space<hbm>>
      %dma_start3A_85 = tpu.memref_squeeze %dma_start3A_84 : memref<1x40x125xi32, #tpu.memory_space<hbm>> -> memref<40x125xi32, #tpu.memory_space<hbm>>
      %dma_start3A_86 = arith.constant 40 : i32
      %dma_start3A_87 = arith.constant 0 : i32
      %dma_start3A_88 = tpu.memref_slice %arg3[%add3A, %dma_start3A_86, %dma_start3A_87] : memref<32x80x125xi32, #tpu.memory_space<hbm>> -> memref<1x40x125xi32, #tpu.memory_space<hbm>>
      %dma_start3A_89 = tpu.memref_squeeze %dma_start3A_88 : memref<1x40x125xi32, #tpu.memory_space<hbm>> -> memref<40x125xi32, #tpu.memory_space<hbm>>
      tpu.enqueue_dma source(%dma_start3A_89 : memref<40x125xi32, #tpu.memory_space<hbm>>) target(%arg6 : memref<40x125xi32, #tpu.memory_space<vmem>>) target_semaphore(%run_scoped3A : memref<!tpu.dma_semaphore, #tpu.memory_space<semaphore_mem>>)
      %dma_wait3A_90 = arith.constant 40 : i32
      %dma_wait3A_91 = arith.constant 0 : i32
      %dma_wait3A_92 = tpu.memref_slice %arg3[%add3A, %dma_wait3A_90, %dma_wait3A_91] : memref<32x80x125xi32, #tpu.memory_space<hbm>> -> memref<1x40x125xi32, #tpu.memory_space<hbm>>
      %dma_wait3A_93 = tpu.memref_squeeze %dma_wait3A_92 : memref<1x40x125xi32, #tpu.memory_space<hbm>> -> memref<40x125xi32, #tpu.memory_space<hbm>>
      %dma_wait3A_94 = arith.constant 40 : i32
      %dma_wait3A_95 = arith.constant 0 : i32
      %dma_wait3A_96 = tpu.memref_slice %arg3[%add3A, %dma_wait3A_94, %dma_wait3A_95] : memref<32x80x125xi32, #tpu.memory_space<hbm>> -> memref<1x40x125xi32, #tpu.memory_space<hbm>>
      %dma_wait3A_97 = tpu.memref_squeeze %dma_wait3A_96 : memref<1x40x125xi32, #tpu.memory_space<hbm>> -> memref<40x125xi32, #tpu.memory_space<hbm>>
      tpu.wait_dma2 semaphore(%run_scoped3A : memref<!tpu.dma_semaphore, #tpu.memory_space<semaphore_mem>>) src(%dma_wait3A_97 : memref<40x125xi32, #tpu.memory_space<hbm>>) dst(%arg6 : memref<40x125xi32, #tpu.memory_space<vmem>>)
      tpu.yield
    }) : () -> ()
    "tpu.region"() ({
      %run_scoped3A = tpu.sem_alloc : memref<!tpu.dma_semaphore, #tpu.memory_space<semaphore_mem>>
      %dma_start3A_82 = arith.constant 40 : i32
      %dma_start3A_83 = arith.constant 0 : i32
      %dma_start3A_84 = tpu.memref_slice %arg4[%add3A, %dma_start3A_82, %dma_start3A_83] : memref<32x80x125xi32, #tpu.memory_space<hbm>> -> memref<1x40x125xi32, #tpu.memory_space<hbm>>
      %dma_start3A_85 = tpu.memref_squeeze %dma_start3A_84 : memref<1x40x125xi32, #tpu.memory_space<hbm>> -> memref<40x125xi32, #tpu.memory_space<hbm>>
      %dma_start3A_86 = arith.constant 40 : i32
      %dma_start3A_87 = arith.constant 0 : i32
      %dma_start3A_88 = tpu.memref_slice %arg4[%add3A, %dma_start3A_86, %dma_start3A_87] : memref<32x80x125xi32, #tpu.memory_space<hbm>> -> memref<1x40x125xi32, #tpu.memory_space<hbm>>
      %dma_start3A_89 = tpu.memref_squeeze %dma_start3A_88 : memref<1x40x125xi32, #tpu.memory_space<hbm>> -> memref<40x125xi32, #tpu.memory_space<hbm>>
      tpu.enqueue_dma source(%dma_start3A_89 : memref<40x125xi32, #tpu.memory_space<hbm>>) target(%arg7 : memref<40x125xi32, #tpu.memory_space<vmem>>) target_semaphore(%run_scoped3A : memref<!tpu.dma_semaphore, #tpu.memory_space<semaphore_mem>>)
      %dma_wait3A_90 = arith.constant 40 : i32
      %dma_wait3A_91 = arith.constant 0 : i32
      %dma_wait3A_92 = tpu.memref_slice %arg4[%add3A, %dma_wait3A_90, %dma_wait3A_91] : memref<32x80x125xi32, #tpu.memory_space<hbm>> -> memref<1x40x125xi32, #tpu.memory_space<hbm>>
      %dma_wait3A_93 = tpu.memref_squeeze %dma_wait3A_92 : memref<1x40x125xi32, #tpu.memory_space<hbm>> -> memref<40x125xi32, #tpu.memory_space<hbm>>
      %dma_wait3A_94 = arith.constant 40 : i32
      %dma_wait3A_95 = arith.constant 0 : i32
      %dma_wait3A_96 = tpu.memref_slice %arg4[%add3A, %dma_wait3A_94, %dma_wait3A_95] : memref<32x80x125xi32, #tpu.memory_space<hbm>> -> memref<1x40x125xi32, #tpu.memory_space<hbm>>
      %dma_wait3A_97 = tpu.memref_squeeze %dma_wait3A_96 : memref<1x40x125xi32, #tpu.memory_space<hbm>> -> memref<40x125xi32, #tpu.memory_space<hbm>>
      tpu.wait_dma2 semaphore(%run_scoped3A : memref<!tpu.dma_semaphore, #tpu.memory_space<semaphore_mem>>) src(%dma_wait3A_97 : memref<40x125xi32, #tpu.memory_space<hbm>>) dst(%arg7 : memref<40x125xi32, #tpu.memory_space<vmem>>)
      tpu.yield
    }) : () -> ()
    %dma_start3A_51 = arith.constant 0 : i32
    %dma_start3A_52 = arith.constant 0 : i32
    %dma_start3A_53 = arith.constant 0 : i32
    %dma_start3A_54 = tpu.memref_slice %arg8[%dma_start3A_52, %dma_start3A_53] : memref<128x128xf32, #tpu.memory_space<vmem>> -> memref<125x128xf32, #tpu.memory_space<vmem>>
    %dma_start3A_55 = arith.constant 0 : i32
    %dma_start3A_56 = tpu.memref_slice %arg6[%dma_start3A_51, %dma_start3A_55] : memref<40x125xi32, #tpu.memory_space<vmem>> -> memref<1x125xi32, #tpu.memory_space<vmem>>
    %dma_start3A_57 = tpu.memref_squeeze %dma_start3A_56 : memref<1x125xi32, #tpu.memory_space<vmem>> -> memref<125xi32, #tpu.memory_space<vmem>>
    %dma_start3A_58 = arith.constant 0 : i32
    %dma_start3A_59 = arith.constant 0 : i32
    %dma_start3A_60 = tpu.memref_slice %arg2[%dma_start3A_58, %dma_start3A_59] : memref<10240x128xf32, #tpu.memory_space<hbm>> -> memref<10240x128xf32, #tpu.memory_space<hbm>>
    tpu.enqueue_indirect_dma source(%dma_start3A_60 : memref<10240x128xf32, #tpu.memory_space<hbm>>) target(%dma_start3A_54 : memref<125x128xf32, #tpu.memory_space<vmem>>) offsets(%dma_start3A_57 : memref<125xi32, #tpu.memory_space<vmem>>) semaphore(%arg11 : memref<!tpu.dma_semaphore, #tpu.memory_space<semaphore_mem>>)
    %scan3A_61 = arith.constant 0 : i32
    %scan3A_62 = arith.constant 0 : i32
    %scan3A_63 = arith.constant 20 : i32
    %scan3A_64 = arith.addi %scan3A_62, %scan3A_63 : i32
    %scan3A_65 = arith.constant 1 : i32
    scf.for %scan3A_82 = %scan3A_62 to %scan3A_64 step %scan3A_65  : i32 {
      %mul3A_83 = arith.constant 2 : i32
      %mul3A_84 = arith.muli %mul3A_83, %scan3A_82 : i32
      %gt3A = arith.constant 0 : i32
      %gt3A_85 = arith.cmpi sgt, %scan3A_82, %gt3A : i32
      %convert_element_type3A = arith.extui %gt3A_85 : i1 to i32
      %cond3A = arith.constant 0 : i32
      %cond3A_86 = arith.cmpi ne, %convert_element_type3A, %cond3A : i32
      scf.if %cond3A_86 {
        %sub3A = arith.constant 1 : i32
        %sub3A_135 = arith.subi %mul3A_84, %sub3A : i32
        %dma_wait3A_136 = arith.constant 0 : i32
        %dma_wait3A_137 = arith.constant 0 : i32
        %dma_wait3A_138 = tpu.memref_slice %arg9[%dma_wait3A_136, %dma_wait3A_137] : memref<128x128xf32, #tpu.memory_space<vmem>> -> memref<125x128xf32, #tpu.memory_space<vmem>>
        %dma_wait3A_139 = arith.constant 0 : i32
        %dma_wait3A_140 = tpu.memref_slice %arg7[%sub3A_135, %dma_wait3A_139] : memref<40x125xi32, #tpu.memory_space<vmem>> -> memref<1x125xi32, #tpu.memory_space<vmem>>
        %dma_wait3A_141 = tpu.memref_squeeze %dma_wait3A_140 : memref<1x125xi32, #tpu.memory_space<vmem>> -> memref<125xi32, #tpu.memory_space<vmem>>
        %dma_wait3A_142 = arith.constant 0 : i32
        %dma_wait3A_143 = arith.constant 0 : i32
        %dma_wait3A_144 = tpu.memref_slice %arg10[%dma_wait3A_142, %dma_wait3A_143] : memref<10240x128xf32, #tpu.memory_space<vmem_shared>> -> memref<10240x128xf32, #tpu.memory_space<vmem_shared>>
        tpu.wait_indirect_dma semaphore(%arg14 : memref<!tpu.dma_semaphore, #tpu.memory_space<semaphore_mem>>) src(%dma_wait3A_138 : memref<125x128xf32, #tpu.memory_space<vmem>>) dst(%dma_wait3A_144 : memref<10240x128xf32, #tpu.memory_space<vmem_shared>>)
      } else {
      }
      %add3A_87 = arith.constant 1 : i32
      %add3A_88 = arith.addi %mul3A_84, %add3A_87 : i32
      %dma_start3A_89 = arith.constant 0 : i32
      %dma_start3A_90 = arith.constant 0 : i32
      %dma_start3A_91 = tpu.memref_slice %arg9[%dma_start3A_89, %dma_start3A_90] : memref<128x128xf32, #tpu.memory_space<vmem>> -> memref<125x128xf32, #tpu.memory_space<vmem>>
      %dma_start3A_92 = arith.constant 0 : i32
      %dma_start3A_93 = tpu.memref_slice %arg6[%add3A_88, %dma_start3A_92] : memref<40x125xi32, #tpu.memory_space<vmem>> -> memref<1x125xi32, #tpu.memory_space<vmem>>
      %dma_start3A_94 = tpu.memref_squeeze %dma_start3A_93 : memref<1x125xi32, #tpu.memory_space<vmem>> -> memref<125xi32, #tpu.memory_space<vmem>>
      %dma_start3A_95 = arith.constant 0 : i32
      %dma_start3A_96 = arith.constant 0 : i32
      %dma_start3A_97 = tpu.memref_slice %arg2[%dma_start3A_95, %dma_start3A_96] : memref<10240x128xf32, #tpu.memory_space<hbm>> -> memref<10240x128xf32, #tpu.memory_space<hbm>>
      tpu.enqueue_indirect_dma source(%dma_start3A_97 : memref<10240x128xf32, #tpu.memory_space<hbm>>) target(%dma_start3A_91 : memref<125x128xf32, #tpu.memory_space<vmem>>) offsets(%dma_start3A_94 : memref<125xi32, #tpu.memory_space<vmem>>) semaphore(%arg12 : memref<!tpu.dma_semaphore, #tpu.memory_space<semaphore_mem>>)
      %dma_wait3A_98 = arith.constant 0 : i32
      %dma_wait3A_99 = arith.constant 0 : i32
      %dma_wait3A_100 = tpu.memref_slice %arg8[%dma_wait3A_98, %dma_wait3A_99] : memref<128x128xf32, #tpu.memory_space<vmem>> -> memref<125x128xf32, #tpu.memory_space<vmem>>
      %dma_wait3A_101 = arith.constant 0 : i32
      %dma_wait3A_102 = tpu.memref_slice %arg6[%mul3A_84, %dma_wait3A_101] : memref<40x125xi32, #tpu.memory_space<vmem>> -> memref<1x125xi32, #tpu.memory_space<vmem>>
      %dma_wait3A_103 = tpu.memref_squeeze %dma_wait3A_102 : memref<1x125xi32, #tpu.memory_space<vmem>> -> memref<125xi32, #tpu.memory_space<vmem>>
      %dma_wait3A_104 = arith.constant 0 : i32
      %dma_wait3A_105 = arith.constant 0 : i32
      %dma_wait3A_106 = tpu.memref_slice %arg2[%dma_wait3A_104, %dma_wait3A_105] : memref<10240x128xf32, #tpu.memory_space<hbm>> -> memref<10240x128xf32, #tpu.memory_space<hbm>>
      tpu.wait_indirect_dma semaphore(%arg11 : memref<!tpu.dma_semaphore, #tpu.memory_space<semaphore_mem>>) src(%dma_wait3A_106 : memref<10240x128xf32, #tpu.memory_space<hbm>>) dst(%dma_wait3A_100 : memref<125x128xf32, #tpu.memory_space<vmem>>)
      "tpu.region"() ({
        %run_scoped3A = tpu.sem_alloc : memref<!tpu.dma_semaphore, #tpu.memory_space<semaphore_mem>>
        %dma_start3A_135 = arith.constant 0 : i32
        %dma_start3A_136 = arith.constant 0 : i32
        %dma_start3A_137 = tpu.memref_slice %arg8[%dma_start3A_135, %dma_start3A_136] : memref<128x128xf32, #tpu.memory_space<vmem>> -> memref<125x128xf32, #tpu.memory_space<vmem>>
        %dma_start3A_138 = arith.constant 0 : i32
        %dma_start3A_139 = tpu.memref_slice %arg7[%mul3A_84, %dma_start3A_138] : memref<40x125xi32, #tpu.memory_space<vmem>> -> memref<1x125xi32, #tpu.memory_space<vmem>>
        %dma_start3A_140 = tpu.memref_squeeze %dma_start3A_139 : memref<1x125xi32, #tpu.memory_space<vmem>> -> memref<125xi32, #tpu.memory_space<vmem>>
        %dma_start3A_141 = arith.constant 0 : i32
        %dma_start3A_142 = arith.constant 0 : i32
        %dma_start3A_143 = tpu.memref_slice %arg10[%dma_start3A_141, %dma_start3A_142] : memref<10240x128xf32, #tpu.memory_space<vmem_shared>> -> memref<10240x128xf32, #tpu.memory_space<vmem_shared>>
        tpu.enqueue_indirect_dma source(%dma_start3A_137 : memref<125x128xf32, #tpu.memory_space<vmem>>) target(%dma_start3A_143 : memref<10240x128xf32, #tpu.memory_space<vmem_shared>>) offsets(%dma_start3A_140 : memref<125xi32, #tpu.memory_space<vmem>>) semaphore(%run_scoped3A : memref<!tpu.dma_semaphore, #tpu.memory_space<semaphore_mem>>) {add = true}
        %dma_wait3A_144 = arith.constant 0 : i32
        %dma_wait3A_145 = arith.constant 0 : i32
        %dma_wait3A_146 = tpu.memref_slice %arg8[%dma_wait3A_144, %dma_wait3A_145] : memref<128x128xf32, #tpu.memory_space<vmem>> -> memref<125x128xf32, #tpu.memory_space<vmem>>
        %dma_wait3A_147 = arith.constant 0 : i32
        %dma_wait3A_148 = tpu.memref_slice %arg7[%mul3A_84, %dma_wait3A_147] : memref<40x125xi32, #tpu.memory_space<vmem>> -> memref<1x125xi32, #tpu.memory_space<vmem>>
        %dma_wait3A_149 = tpu.memref_squeeze %dma_wait3A_148 : memref<1x125xi32, #tpu.memory_space<vmem>> -> memref<125xi32, #tpu.memory_space<vmem>>
        %dma_wait3A_150 = arith.constant 0 : i32
        %dma_wait3A_151 = arith.constant 0 : i32
        %dma_wait3A_152 = tpu.memref_slice %arg10[%dma_wait3A_150, %dma_wait3A_151] : memref<10240x128xf32, #tpu.memory_space<vmem_shared>> -> memref<10240x128xf32, #tpu.memory_space<vmem_shared>>
        tpu.wait_indirect_dma semaphore(%run_scoped3A : memref<!tpu.dma_semaphore, #tpu.memory_space<semaphore_mem>>) src(%dma_wait3A_146 : memref<125x128xf32, #tpu.memory_space<vmem>>) dst(%dma_wait3A_152 : memref<10240x128xf32, #tpu.memory_space<vmem_shared>>)
        tpu.yield
      }) : () -> ()
      %add3A_107 = arith.constant 2 : i32
      %add3A_108 = arith.addi %mul3A_84, %add3A_107 : i32
      %lt3A = arith.constant 40 : i32
      %lt3A_109 = arith.cmpi slt, %add3A_108, %lt3A : i32
      %convert_element_type3A_110 = arith.extui %lt3A_109 : i1 to i32
      %cond3A_111 = arith.constant 0 : i32
      %cond3A_112 = arith.cmpi ne, %convert_element_type3A_110, %cond3A_111 : i32
      scf.if %cond3A_112 {
        %add3A_135 = arith.constant 2 : i32
        %add3A_136 = arith.addi %mul3A_84, %add3A_135 : i32
        %dma_start3A_137 = arith.constant 0 : i32
        %dma_start3A_138 = arith.constant 0 : i32
        %dma_start3A_139 = tpu.memref_slice %arg8[%dma_start3A_137, %dma_start3A_138] : memref<128x128xf32, #tpu.memory_space<vmem>> -> memref<125x128xf32, #tpu.memory_space<vmem>>
        %dma_start3A_140 = arith.constant 0 : i32
        %dma_start3A_141 = tpu.memref_slice %arg6[%add3A_136, %dma_start3A_140] : memref<40x125xi32, #tpu.memory_space<vmem>> -> memref<1x125xi32, #tpu.memory_space<vmem>>
        %dma_start3A_142 = tpu.memref_squeeze %dma_start3A_141 : memref<1x125xi32, #tpu.memory_space<vmem>> -> memref<125xi32, #tpu.memory_space<vmem>>
        %dma_start3A_143 = arith.constant 0 : i32
        %dma_start3A_144 = arith.constant 0 : i32
        %dma_start3A_145 = tpu.memref_slice %arg2[%dma_start3A_143, %dma_start3A_144] : memref<10240x128xf32, #tpu.memory_space<hbm>> -> memref<10240x128xf32, #tpu.memory_space<hbm>>
        tpu.enqueue_indirect_dma source(%dma_start3A_145 : memref<10240x128xf32, #tpu.memory_space<hbm>>) target(%dma_start3A_139 : memref<125x128xf32, #tpu.memory_space<vmem>>) offsets(%dma_start3A_142 : memref<125xi32, #tpu.memory_space<vmem>>) semaphore(%arg11 : memref<!tpu.dma_semaphore, #tpu.memory_space<semaphore_mem>>)
      } else {
      }
      %add3A_113 = arith.constant 1 : i32
      %add3A_114 = arith.addi %mul3A_84, %add3A_113 : i32
      %dma_wait3A_115 = arith.constant 0 : i32
      %dma_wait3A_116 = arith.constant 0 : i32
      %dma_wait3A_117 = tpu.memref_slice %arg9[%dma_wait3A_115, %dma_wait3A_116] : memref<128x128xf32, #tpu.memory_space<vmem>> -> memref<125x128xf32, #tpu.memory_space<vmem>>
      %dma_wait3A_118 = arith.constant 0 : i32
      %dma_wait3A_119 = tpu.memref_slice %arg6[%add3A_114, %dma_wait3A_118] : memref<40x125xi32, #tpu.memory_space<vmem>> -> memref<1x125xi32, #tpu.memory_space<vmem>>
      %dma_wait3A_120 = tpu.memref_squeeze %dma_wait3A_119 : memref<1x125xi32, #tpu.memory_space<vmem>> -> memref<125xi32, #tpu.memory_space<vmem>>
      %dma_wait3A_121 = arith.constant 0 : i32
      %dma_wait3A_122 = arith.constant 0 : i32
      %dma_wait3A_123 = tpu.memref_slice %arg2[%dma_wait3A_121, %dma_wait3A_122] : memref<10240x128xf32, #tpu.memory_space<hbm>> -> memref<10240x128xf32, #tpu.memory_space<hbm>>
      tpu.wait_indirect_dma semaphore(%arg12 : memref<!tpu.dma_semaphore, #tpu.memory_space<semaphore_mem>>) src(%dma_wait3A_123 : memref<10240x128xf32, #tpu.memory_space<hbm>>) dst(%dma_wait3A_117 : memref<125x128xf32, #tpu.memory_space<vmem>>)
      %add3A_124 = arith.constant 1 : i32
      %add3A_125 = arith.addi %mul3A_84, %add3A_124 : i32
      %dma_start3A_126 = arith.constant 0 : i32
      %dma_start3A_127 = arith.constant 0 : i32
      %dma_start3A_128 = tpu.memref_slice %arg9[%dma_start3A_126, %dma_start3A_127] : memref<128x128xf32, #tpu.memory_space<vmem>> -> memref<125x128xf32, #tpu.memory_space<vmem>>
      %dma_start3A_129 = arith.constant 0 : i32
      %dma_start3A_130 = tpu.memref_slice %arg7[%add3A_125, %dma_start3A_129] : memref<40x125xi32, #tpu.memory_space<vmem>> -> memref<1x125xi32, #tpu.memory_space<vmem>>
      %dma_start3A_131 = tpu.memref_squeeze %dma_start3A_130 : memref<1x125xi32, #tpu.memory_space<vmem>> -> memref<125xi32, #tpu.memory_space<vmem>>
      %dma_start3A_132 = arith.constant 0 : i32
      %dma_start3A_133 = arith.constant 0 : i32
      %dma_start3A_134 = tpu.memref_slice %arg10[%dma_start3A_132, %dma_start3A_133] : memref<10240x128xf32, #tpu.memory_space<vmem_shared>> -> memref<10240x128xf32, #tpu.memory_space<vmem_shared>>
      tpu.enqueue_indirect_dma source(%dma_start3A_128 : memref<125x128xf32, #tpu.memory_space<vmem>>) target(%dma_start3A_134 : memref<10240x128xf32, #tpu.memory_space<vmem_shared>>) offsets(%dma_start3A_131 : memref<125xi32, #tpu.memory_space<vmem>>) semaphore(%arg14 : memref<!tpu.dma_semaphore, #tpu.memory_space<semaphore_mem>>) {add = true}
    }
    %scan3A_66 = arith.constant 20 : i32
    %dma_wait3A_67 = arith.constant 39 : i32
    %dma_wait3A_68 = arith.constant 0 : i32
    %dma_wait3A_69 = arith.constant 0 : i32
    %dma_wait3A_70 = tpu.memref_slice %arg9[%dma_wait3A_68, %dma_wait3A_69] : memref<128x128xf32, #tpu.memory_space<vmem>> -> memref<125x128xf32, #tpu.memory_space<vmem>>
    %dma_wait3A_71 = arith.constant 0 : i32
    %dma_wait3A_72 = tpu.memref_slice %arg7[%dma_wait3A_67, %dma_wait3A_71] : memref<40x125xi32, #tpu.memory_space<vmem>> -> memref<1x125xi32, #tpu.memory_space<vmem>>
    %dma_wait3A_73 = tpu.memref_squeeze %dma_wait3A_72 : memref<1x125xi32, #tpu.memory_space<vmem>> -> memref<125xi32, #tpu.memory_space<vmem>>
    %dma_wait3A_74 = arith.constant 0 : i32
    %dma_wait3A_75 = arith.constant 0 : i32
    %dma_wait3A_76 = tpu.memref_slice %arg10[%dma_wait3A_74, %dma_wait3A_75] : memref<10240x128xf32, #tpu.memory_space<vmem_shared>> -> memref<10240x128xf32, #tpu.memory_space<vmem_shared>>
    tpu.wait_indirect_dma semaphore(%arg14 : memref<!tpu.dma_semaphore, #tpu.memory_space<semaphore_mem>>) src(%dma_wait3A_70 : memref<125x128xf32, #tpu.memory_space<vmem>>) dst(%dma_wait3A_76 : memref<10240x128xf32, #tpu.memory_space<vmem_shared>>)
    %barrier3A_77 = arith.constant 0 : index
    tpu.barrier barrier_id(%barrier3A_77)
    %mul3A_78 = arith.constant 640 : i32
    %mul3A_79 = arith.muli %arg1, %mul3A_78 : i32
    %mul3A_80 = arith.constant 640 : i32
    %mul3A_81 = arith.muli %arg1, %mul3A_80 : i32
    "tpu.region"() ({
      %run_scoped3A = tpu.sem_alloc : memref<!tpu.dma_semaphore, #tpu.memory_space<semaphore_mem>>
      %dma_start3A_82 = arith.constant 0 : i32
      %dma_start3A_83 = tpu.memref_slice %arg5[%arg0, %mul3A_81, %dma_start3A_82] : memref<2x10240x128xf32, #tpu.memory_space<hbm>> -> memref<1x640x128xf32, #tpu.memory_space<hbm>>
      %dma_start3A_84 = tpu.memref_squeeze %dma_start3A_83 : memref<1x640x128xf32, #tpu.memory_space<hbm>> -> memref<640x128xf32, #tpu.memory_space<hbm>>
      %dma_start3A_85 = arith.constant 0 : i32
      %dma_start3A_86 = tpu.memref_slice %arg10[%mul3A_79, %dma_start3A_85] : memref<10240x128xf32, #tpu.memory_space<vmem_shared>> -> memref<640x128xf32, #tpu.memory_space<vmem_shared>>
      tpu.enqueue_dma source(%dma_start3A_86 : memref<640x128xf32, #tpu.memory_space<vmem_shared>>) target(%dma_start3A_84 : memref<640x128xf32, #tpu.memory_space<hbm>>) target_semaphore(%run_scoped3A : memref<!tpu.dma_semaphore, #tpu.memory_space<semaphore_mem>>)
      %dma_wait3A_87 = arith.constant 0 : i32
      %dma_wait3A_88 = tpu.memref_slice %arg5[%arg0, %mul3A_81, %dma_wait3A_87] : memref<2x10240x128xf32, #tpu.memory_space<hbm>> -> memref<1x640x128xf32, #tpu.memory_space<hbm>>
      %dma_wait3A_89 = tpu.memref_squeeze %dma_wait3A_88 : memref<1x640x128xf32, #tpu.memory_space<hbm>> -> memref<640x128xf32, #tpu.memory_space<hbm>>
      %dma_wait3A_90 = arith.constant 0 : i32
      %dma_wait3A_91 = tpu.memref_slice %arg10[%mul3A_79, %dma_wait3A_90] : memref<10240x128xf32, #tpu.memory_space<vmem_shared>> -> memref<640x128xf32, #tpu.memory_space<vmem_shared>>
      tpu.wait_dma2 semaphore(%run_scoped3A : memref<!tpu.dma_semaphore, #tpu.memory_space<semaphore_mem>>) src(%dma_wait3A_91 : memref<640x128xf32, #tpu.memory_space<vmem_shared>>) dst(%dma_wait3A_89 : memref<640x128xf32, #tpu.memory_space<hbm>>)
      tpu.yield
    }) : () -> ()
    return
  }
}

#map = affine_map<(d0, d1) -> (0, 0)>
#map1 = affine_map<(d0, d1) -> (0, 0, 0)>
module attributes {stable_mosaic.version = 14 : i64} {
  func.func @_agg_body(%arg0: i32, %arg1: i32, %arg2: memref<10240x128xf32, #tpu.memory_space<hbm>>, %arg3: memref<32x80x125xi32, #tpu.memory_space<hbm>>, %arg4: memref<32x80x125xi32, #tpu.memory_space<hbm>>, %arg5: memref<2x10240x128xf32, #tpu.memory_space<hbm>>, %arg6: memref<40x125xi32, #tpu.memory_space<vmem>>, %arg7: memref<40x125xi32, #tpu.memory_space<vmem>>, %arg8: memref<128x128xf32, #tpu.memory_space<vmem>>, %arg9: memref<128x128xf32, #tpu.memory_space<vmem>>, %arg10: memref<10240x128xf32, #tpu.memory_space<vmem_shared>>, %arg11: memref<!tpu.dma_semaphore, #tpu.memory_space<semaphore_mem>>, %arg12: memref<!tpu.dma_semaphore, #tpu.memory_space<semaphore_mem>>, %arg13: memref<!tpu.dma_semaphore, #tpu.memory_space<semaphore_mem>>, %arg14: memref<!tpu.dma_semaphore, #tpu.memory_space<semaphore_mem>>) attributes {dimension_semantics = [#tpu.dimension_semantics<core_parallel>, #tpu.dimension_semantics<subcore_parallel>], iteration_bounds = array<i64: 2, 16>, scalar_prefetch = 0 : i64, scratch_operands = 9 : i64, tpu.core_type = #tpu.core_type<sc_vector_subcore>, window_params = [{transform_indices = #map}, {transform_indices = #map1}, {transform_indices = #map1}, {transform_indices = #map1}]} {
    %mul3A = arith.constant 16 : i32
    %mul3A_0 = arith.muli %arg0, %mul3A : i32
    %add3A = arith.addi %mul3A_0, %arg1 : i32
    %broadcast_in_dim3A = arith.constant 0.000000e+00 : f32
    %broadcast_in_dim3A_1 = vector.broadcast %broadcast_in_dim3A : f32 to vector<16xf32>
    %scan3A = arith.constant 0 : i32
    %scan3A_2 = arith.constant 0 : i32
    %scan3A_3 = arith.constant 128 : i32
    %scan3A_4 = arith.addi %scan3A_2, %scan3A_3 : i32
    %scan3A_5 = arith.constant 1 : i32
    scf.for %scan3A_82 = %scan3A_2 to %scan3A_4 step %scan3A_5  : i32 {
      %swap3A = arith.index_cast %scan3A_82 : i32 to index
      %swap3A_83 = arith.constant 0 : index
      %swap3A_84 = tpu.vector_load %arg8[%swap3A, %swap3A_83] {strides = array<i32>} : memref<128x128xf32, #tpu.memory_space<vmem>>, vector<1x16xf32>,
      %swap3A_85 = vector.shape_cast %swap3A_84 : vector<1x16xf32> to vector<16xf32>
      %swap3A_86 = vector.shape_cast %broadcast_in_dim3A_1 : vector<16xf32> to vector<1x16xf32>
      tpu.vector_store %arg8[%swap3A, %swap3A_83], %swap3A_86 {strides = array<i32>} : memref<128x128xf32, #tpu.memory_space<vmem>>, vector<1x16xf32>,
      %swap3A_87 = arith.index_cast %scan3A_82 : i32 to index
      %swap3A_88 = arith.constant 16 : index
      %swap3A_89 = tpu.vector_load %arg8[%swap3A_87, %swap3A_88] {strides = array<i32>} : memref<128x128xf32, #tpu.memory_space<vmem>>, vector<1x16xf32>,
      %swap3A_90 = vector.shape_cast %swap3A_89 : vector<1x16xf32> to vector<16xf32>
      %swap3A_91 = vector.shape_cast %broadcast_in_dim3A_1 : vector<16xf32> to vector<1x16xf32>
      tpu.vector_store %arg8[%swap3A_87, %swap3A_88], %swap3A_91 {strides = array<i32>} : memref<128x128xf32, #tpu.memory_space<vmem>>, vector<1x16xf32>,
      %swap3A_92 = arith.index_cast %scan3A_82 : i32 to index
      %swap3A_93 = arith.constant 32 : index
      %swap3A_94 = tpu.vector_load %arg8[%swap3A_92, %swap3A_93] {strides = array<i32>} : memref<128x128xf32, #tpu.memory_space<vmem>>, vector<1x16xf32>,
      %swap3A_95 = vector.shape_cast %swap3A_94 : vector<1x16xf32> to vector<16xf32>
      %swap3A_96 = vector.shape_cast %broadcast_in_dim3A_1 : vector<16xf32> to vector<1x16xf32>
      tpu.vector_store %arg8[%swap3A_92, %swap3A_93], %swap3A_96 {strides = array<i32>} : memref<128x128xf32, #tpu.memory_space<vmem>>, vector<1x16xf32>,
      %swap3A_97 = arith.index_cast %scan3A_82 : i32 to index
      %swap3A_98 = arith.constant 48 : index
      %swap3A_99 = tpu.vector_load %arg8[%swap3A_97, %swap3A_98] {strides = array<i32>} : memref<128x128xf32, #tpu.memory_space<vmem>>, vector<1x16xf32>,
      %swap3A_100 = vector.shape_cast %swap3A_99 : vector<1x16xf32> to vector<16xf32>
      %swap3A_101 = vector.shape_cast %broadcast_in_dim3A_1 : vector<16xf32> to vector<1x16xf32>
      tpu.vector_store %arg8[%swap3A_97, %swap3A_98], %swap3A_101 {strides = array<i32>} : memref<128x128xf32, #tpu.memory_space<vmem>>, vector<1x16xf32>,
      %swap3A_102 = arith.index_cast %scan3A_82 : i32 to index
      %swap3A_103 = arith.constant 64 : index
      %swap3A_104 = tpu.vector_load %arg8[%swap3A_102, %swap3A_103] {strides = array<i32>} : memref<128x128xf32, #tpu.memory_space<vmem>>, vector<1x16xf32>,
      %swap3A_105 = vector.shape_cast %swap3A_104 : vector<1x16xf32> to vector<16xf32>
      %swap3A_106 = vector.shape_cast %broadcast_in_dim3A_1 : vector<16xf32> to vector<1x16xf32>
      tpu.vector_store %arg8[%swap3A_102, %swap3A_103], %swap3A_106 {strides = array<i32>} : memref<128x128xf32, #tpu.memory_space<vmem>>, vector<1x16xf32>,
      %swap3A_107 = arith.index_cast %scan3A_82 : i32 to index
      %swap3A_108 = arith.constant 80 : index
      %swap3A_109 = tpu.vector_load %arg8[%swap3A_107, %swap3A_108] {strides = array<i32>} : memref<128x128xf32, #tpu.memory_space<vmem>>, vector<1x16xf32>,
      %swap3A_110 = vector.shape_cast %swap3A_109 : vector<1x16xf32> to vector<16xf32>
      %swap3A_111 = vector.shape_cast %broadcast_in_dim3A_1 : vector<16xf32> to vector<1x16xf32>
      tpu.vector_store %arg8[%swap3A_107, %swap3A_108], %swap3A_111 {strides = array<i32>} : memref<128x128xf32, #tpu.memory_space<vmem>>, vector<1x16xf32>,
      %swap3A_112 = arith.index_cast %scan3A_82 : i32 to index
      %swap3A_113 = arith.constant 96 : index
      %swap3A_114 = tpu.vector_load %arg8[%swap3A_112, %swap3A_113] {strides = array<i32>} : memref<128x128xf32, #tpu.memory_space<vmem>>, vector<1x16xf32>,
      %swap3A_115 = vector.shape_cast %swap3A_114 : vector<1x16xf32> to vector<16xf32>
      %swap3A_116 = vector.shape_cast %broadcast_in_dim3A_1 : vector<16xf32> to vector<1x16xf32>
      tpu.vector_store %arg8[%swap3A_112, %swap3A_113], %swap3A_116 {strides = array<i32>} : memref<128x128xf32, #tpu.memory_space<vmem>>, vector<1x16xf32>,
      %swap3A_117 = arith.index_cast %scan3A_82 : i32 to index
      %swap3A_118 = arith.constant 112 : index
      %swap3A_119 = tpu.vector_load %arg8[%swap3A_117, %swap3A_118] {strides = array<i32>} : memref<128x128xf32, #tpu.memory_space<vmem>>, vector<1x16xf32>,
      %swap3A_120 = vector.shape_cast %swap3A_119 : vector<1x16xf32> to vector<16xf32>
      %swap3A_121 = vector.shape_cast %broadcast_in_dim3A_1 : vector<16xf32> to vector<1x16xf32>
      tpu.vector_store %arg8[%swap3A_117, %swap3A_118], %swap3A_121 {strides = array<i32>} : memref<128x128xf32, #tpu.memory_space<vmem>>, vector<1x16xf32>,
    }
    %scan3A_6 = arith.constant 128 : i32
    %mul3A_7 = arith.constant 640 : i32
    %mul3A_8 = arith.muli %arg1, %mul3A_7 : i32
    %add3A_9 = arith.constant 0 : i32
    %add3A_10 = arith.addi %mul3A_8, %add3A_9 : i32
    "tpu.region"() ({
      %run_scoped3A = tpu.sem_alloc : memref<!tpu.dma_semaphore, #tpu.memory_space<semaphore_mem>>
      %dma_start3A_82 = arith.constant 0 : i32
      %dma_start3A_83 = tpu.memref_slice %arg10[%add3A_10, %dma_start3A_82] : memref<10240x128xf32, #tpu.memory_space<vmem_shared>> -> memref<128x128xf32, #tpu.memory_space<vmem_shared>>
      %dma_start3A_84 = arith.constant 0 : i32
      %dma_start3A_85 = tpu.memref_slice %arg10[%add3A_10, %dma_start3A_84] : memref<10240x128xf32, #tpu.memory_space<vmem_shared>> -> memref<128x128xf32, #tpu.memory_space<vmem_shared>>
      tpu.enqueue_dma source(%arg8 : memref<128x128xf32, #tpu.memory_space<vmem>>) target(%dma_start3A_85 : memref<128x128xf32, #tpu.memory_space<vmem_shared>>) target_semaphore(%run_scoped3A : memref<!tpu.dma_semaphore, #tpu.memory_space<semaphore_mem>>)
      %dma_wait3A_86 = arith.constant 0 : i32
      %dma_wait3A_87 = tpu.memref_slice %arg10[%add3A_10, %dma_wait3A_86] : memref<10240x128xf32, #tpu.memory_space<vmem_shared>> -> memref<128x128xf32, #tpu.memory_space<vmem_shared>>
      %dma_wait3A_88 = arith.constant 0 : i32
      %dma_wait3A_89 = tpu.memref_slice %arg10[%add3A_10, %dma_wait3A_88] : memref<10240x128xf32, #tpu.memory_space<vmem_shared>> -> memref<128x128xf32, #tpu.memory_space<vmem_shared>>
      tpu.wait_dma2 semaphore(%run_scoped3A : memref<!tpu.dma_semaphore, #tpu.memory_space<semaphore_mem>>) src(%arg8 : memref<128x128xf32, #tpu.memory_space<vmem>>) dst(%dma_wait3A_89 : memref<128x128xf32, #tpu.memory_space<vmem_shared>>)
      tpu.yield
    }) : () -> ()
    %mul3A_11 = arith.constant 640 : i32
    %mul3A_12 = arith.muli %arg1, %mul3A_11 : i32
    %add3A_13 = arith.constant 128 : i32
    %add3A_14 = arith.addi %mul3A_12, %add3A_13 : i32
    "tpu.region"() ({
      %run_scoped3A = tpu.sem_alloc : memref<!tpu.dma_semaphore, #tpu.memory_space<semaphore_mem>>
      %dma_start3A_82 = arith.constant 0 : i32
      %dma_start3A_83 = tpu.memref_slice %arg10[%add3A_14, %dma_start3A_82] : memref<10240x128xf32, #tpu.memory_space<vmem_shared>> -> memref<128x128xf32, #tpu.memory_space<vmem_shared>>
      %dma_start3A_84 = arith.constant 0 : i32
      %dma_start3A_85 = tpu.memref_slice %arg10[%add3A_14, %dma_start3A_84] : memref<10240x128xf32, #tpu.memory_space<vmem_shared>> -> memref<128x128xf32, #tpu.memory_space<vmem_shared>>
      tpu.enqueue_dma source(%arg8 : memref<128x128xf32, #tpu.memory_space<vmem>>) target(%dma_start3A_85 : memref<128x128xf32, #tpu.memory_space<vmem_shared>>) target_semaphore(%run_scoped3A : memref<!tpu.dma_semaphore, #tpu.memory_space<semaphore_mem>>)
      %dma_wait3A_86 = arith.constant 0 : i32
      %dma_wait3A_87 = tpu.memref_slice %arg10[%add3A_14, %dma_wait3A_86] : memref<10240x128xf32, #tpu.memory_space<vmem_shared>> -> memref<128x128xf32, #tpu.memory_space<vmem_shared>>
      %dma_wait3A_88 = arith.constant 0 : i32
      %dma_wait3A_89 = tpu.memref_slice %arg10[%add3A_14, %dma_wait3A_88] : memref<10240x128xf32, #tpu.memory_space<vmem_shared>> -> memref<128x128xf32, #tpu.memory_space<vmem_shared>>
      tpu.wait_dma2 semaphore(%run_scoped3A : memref<!tpu.dma_semaphore, #tpu.memory_space<semaphore_mem>>) src(%arg8 : memref<128x128xf32, #tpu.memory_space<vmem>>) dst(%dma_wait3A_89 : memref<128x128xf32, #tpu.memory_space<vmem_shared>>)
      tpu.yield
    }) : () -> ()
    %mul3A_15 = arith.constant 640 : i32
    %mul3A_16 = arith.muli %arg1, %mul3A_15 : i32
    %add3A_17 = arith.constant 256 : i32
    %add3A_18 = arith.addi %mul3A_16, %add3A_17 : i32
    "tpu.region"() ({
      %run_scoped3A = tpu.sem_alloc : memref<!tpu.dma_semaphore, #tpu.memory_space<semaphore_mem>>
      %dma_start3A_82 = arith.constant 0 : i32
      %dma_start3A_83 = tpu.memref_slice %arg10[%add3A_18, %dma_start3A_82] : memref<10240x128xf32, #tpu.memory_space<vmem_shared>> -> memref<128x128xf32, #tpu.memory_space<vmem_shared>>
      %dma_start3A_84 = arith.constant 0 : i32
      %dma_start3A_85 = tpu.memref_slice %arg10[%add3A_18, %dma_start3A_84] : memref<10240x128xf32, #tpu.memory_space<vmem_shared>> -> memref<128x128xf32, #tpu.memory_space<vmem_shared>>
      tpu.enqueue_dma source(%arg8 : memref<128x128xf32, #tpu.memory_space<vmem>>) target(%dma_start3A_85 : memref<128x128xf32, #tpu.memory_space<vmem_shared>>) target_semaphore(%run_scoped3A : memref<!tpu.dma_semaphore, #tpu.memory_space<semaphore_mem>>)
      %dma_wait3A_86 = arith.constant 0 : i32
      %dma_wait3A_87 = tpu.memref_slice %arg10[%add3A_18, %dma_wait3A_86] : memref<10240x128xf32, #tpu.memory_space<vmem_shared>> -> memref<128x128xf32, #tpu.memory_space<vmem_shared>>
      %dma_wait3A_88 = arith.constant 0 : i32
      %dma_wait3A_89 = tpu.memref_slice %arg10[%add3A_18, %dma_wait3A_88] : memref<10240x128xf32, #tpu.memory_space<vmem_shared>> -> memref<128x128xf32, #tpu.memory_space<vmem_shared>>
      tpu.wait_dma2 semaphore(%run_scoped3A : memref<!tpu.dma_semaphore, #tpu.memory_space<semaphore_mem>>) src(%arg8 : memref<128x128xf32, #tpu.memory_space<vmem>>) dst(%dma_wait3A_89 : memref<128x128xf32, #tpu.memory_space<vmem_shared>>)
      tpu.yield
    }) : () -> ()
    %mul3A_19 = arith.constant 640 : i32
    %mul3A_20 = arith.muli %arg1, %mul3A_19 : i32
    %add3A_21 = arith.constant 384 : i32
    %add3A_22 = arith.addi %mul3A_20, %add3A_21 : i32
    "tpu.region"() ({
      %run_scoped3A = tpu.sem_alloc : memref<!tpu.dma_semaphore, #tpu.memory_space<semaphore_mem>>
      %dma_start3A_82 = arith.constant 0 : i32
      %dma_start3A_83 = tpu.memref_slice %arg10[%add3A_22, %dma_start3A_82] : memref<10240x128xf32, #tpu.memory_space<vmem_shared>> -> memref<128x128xf32, #tpu.memory_space<vmem_shared>>
      %dma_start3A_84 = arith.constant 0 : i32
      %dma_start3A_85 = tpu.memref_slice %arg10[%add3A_22, %dma_start3A_84] : memref<10240x128xf32, #tpu.memory_space<vmem_shared>> -> memref<128x128xf32, #tpu.memory_space<vmem_shared>>
      tpu.enqueue_dma source(%arg8 : memref<128x128xf32, #tpu.memory_space<vmem>>) target(%dma_start3A_85 : memref<128x128xf32, #tpu.memory_space<vmem_shared>>) target_semaphore(%run_scoped3A : memref<!tpu.dma_semaphore, #tpu.memory_space<semaphore_mem>>)
      %dma_wait3A_86 = arith.constant 0 : i32
      %dma_wait3A_87 = tpu.memref_slice %arg10[%add3A_22, %dma_wait3A_86] : memref<10240x128xf32, #tpu.memory_space<vmem_shared>> -> memref<128x128xf32, #tpu.memory_space<vmem_shared>>
      %dma_wait3A_88 = arith.constant 0 : i32
      %dma_wait3A_89 = tpu.memref_slice %arg10[%add3A_22, %dma_wait3A_88] : memref<10240x128xf32, #tpu.memory_space<vmem_shared>> -> memref<128x128xf32, #tpu.memory_space<vmem_shared>>
      tpu.wait_dma2 semaphore(%run_scoped3A : memref<!tpu.dma_semaphore, #tpu.memory_space<semaphore_mem>>) src(%arg8 : memref<128x128xf32, #tpu.memory_space<vmem>>) dst(%dma_wait3A_89 : memref<128x128xf32, #tpu.memory_space<vmem_shared>>)
      tpu.yield
    }) : () -> ()
    %mul3A_23 = arith.constant 640 : i32
    %mul3A_24 = arith.muli %arg1, %mul3A_23 : i32
    %add3A_25 = arith.constant 512 : i32
    %add3A_26 = arith.addi %mul3A_24, %add3A_25 : i32
    "tpu.region"() ({
      %run_scoped3A = tpu.sem_alloc : memref<!tpu.dma_semaphore, #tpu.memory_space<semaphore_mem>>
      %dma_start3A_82 = arith.constant 0 : i32
      %dma_start3A_83 = tpu.memref_slice %arg10[%add3A_26, %dma_start3A_82] : memref<10240x128xf32, #tpu.memory_space<vmem_shared>> -> memref<128x128xf32, #tpu.memory_space<vmem_shared>>
      %dma_start3A_84 = arith.constant 0 : i32
      %dma_start3A_85 = tpu.memref_slice %arg10[%add3A_26, %dma_start3A_84] : memref<10240x128xf32, #tpu.memory_space<vmem_shared>> -> memref<128x128xf32, #tpu.memory_space<vmem_shared>>
      tpu.enqueue_dma source(%arg8 : memref<128x128xf32, #tpu.memory_space<vmem>>) target(%dma_start3A_85 : memref<128x128xf32, #tpu.memory_space<vmem_shared>>) target_semaphore(%run_scoped3A : memref<!tpu.dma_semaphore, #tpu.memory_space<semaphore_mem>>)
      %dma_wait3A_86 = arith.constant 0 : i32
      %dma_wait3A_87 = tpu.memref_slice %arg10[%add3A_26, %dma_wait3A_86] : memref<10240x128xf32, #tpu.memory_space<vmem_shared>> -> memref<128x128xf32, #tpu.memory_space<vmem_shared>>
      %dma_wait3A_88 = arith.constant 0 : i32
      %dma_wait3A_89 = tpu.memref_slice %arg10[%add3A_26, %dma_wait3A_88] : memref<10240x128xf32, #tpu.memory_space<vmem_shared>> -> memref<128x128xf32, #tpu.memory_space<vmem_shared>>
      tpu.wait_dma2 semaphore(%run_scoped3A : memref<!tpu.dma_semaphore, #tpu.memory_space<semaphore_mem>>) src(%arg8 : memref<128x128xf32, #tpu.memory_space<vmem>>) dst(%dma_wait3A_89 : memref<128x128xf32, #tpu.memory_space<vmem_shared>>)
      tpu.yield
    }) : () -> ()
    %barrier3A = arith.constant 0 : index
    tpu.barrier barrier_id(%barrier3A)
    "tpu.region"() ({
      %run_scoped3A = tpu.sem_alloc : memref<!tpu.dma_semaphore, #tpu.memory_space<semaphore_mem>>
      %dma_start3A_82 = arith.constant 0 : i32
      %dma_start3A_83 = arith.constant 0 : i32
      %dma_start3A_84 = tpu.memref_slice %arg3[%add3A, %dma_start3A_82, %dma_start3A_83] : memref<32x80x125xi32, #tpu.memory_space<hbm>> -> memref<1x40x125xi32, #tpu.memory_space<hbm>>
      %dma_start3A_85 = tpu.memref_squeeze %dma_start3A_84 : memref<1x40x125xi32, #tpu.memory_space<hbm>> -> memref<40x125xi32, #tpu.memory_space<hbm>>
      %dma_start3A_86 = arith.constant 0 : i32
      %dma_start3A_87 = arith.constant 0 : i32
      %dma_start3A_88 = tpu.memref_slice %arg3[%add3A, %dma_start3A_86, %dma_start3A_87] : memref<32x80x125xi32, #tpu.memory_space<hbm>> -> memref<1x40x125xi32, #tpu.memory_space<hbm>>
      %dma_start3A_89 = tpu.memref_squeeze %dma_start3A_88 : memref<1x40x125xi32, #tpu.memory_space<hbm>> -> memref<40x125xi32, #tpu.memory_space<hbm>>
      tpu.enqueue_dma source(%dma_start3A_89 : memref<40x125xi32, #tpu.memory_space<hbm>>) target(%arg6 : memref<40x125xi32, #tpu.memory_space<vmem>>) target_semaphore(%run_scoped3A : memref<!tpu.dma_semaphore, #tpu.memory_space<semaphore_mem>>)
      %dma_wait3A_90 = arith.constant 0 : i32
      %dma_wait3A_91 = arith.constant 0 : i32
      %dma_wait3A_92 = tpu.memref_slice %arg3[%add3A, %dma_wait3A_90, %dma_wait3A_91] : memref<32x80x125xi32, #tpu.memory_space<hbm>> -> memref<1x40x125xi32, #tpu.memory_space<hbm>>
      %dma_wait3A_93 = tpu.memref_squeeze %dma_wait3A_92 : memref<1x40x125xi32, #tpu.memory_space<hbm>> -> memref<40x125xi32, #tpu.memory_space<hbm>>
      %dma_wait3A_94 = arith.constant 0 : i32
      %dma_wait3A_95 = arith.constant 0 : i32
      %dma_wait3A_96 = tpu.memref_slice %arg3[%add3A, %dma_wait3A_94, %dma_wait3A_95] : memref<32x80x125xi32, #tpu.memory_space<hbm>> -> memref<1x40x125xi32, #tpu.memory_space<hbm>>
      %dma_wait3A_97 = tpu.memref_squeeze %dma_wait3A_96 : memref<1x40x125xi32, #tpu.memory_space<hbm>> -> memref<40x125xi32, #tpu.memory_space<hbm>>
      tpu.wait_dma2 semaphore(%run_scoped3A : memref<!tpu.dma_semaphore, #tpu.memory_space<semaphore_mem>>) src(%dma_wait3A_97 : memref<40x125xi32, #tpu.memory_space<hbm>>) dst(%arg6 : memref<40x125xi32, #tpu.memory_space<vmem>>)
      tpu.yield
    }) : () -> ()
    "tpu.region"() ({
      %run_scoped3A = tpu.sem_alloc : memref<!tpu.dma_semaphore, #tpu.memory_space<semaphore_mem>>
      %dma_start3A_82 = arith.constant 0 : i32
      %dma_start3A_83 = arith.constant 0 : i32
      %dma_start3A_84 = tpu.memref_slice %arg4[%add3A, %dma_start3A_82, %dma_start3A_83] : memref<32x80x125xi32, #tpu.memory_space<hbm>> -> memref<1x40x125xi32, #tpu.memory_space<hbm>>
      %dma_start3A_85 = tpu.memref_squeeze %dma_start3A_84 : memref<1x40x125xi32, #tpu.memory_space<hbm>> -> memref<40x125xi32, #tpu.memory_space<hbm>>
      %dma_start3A_86 = arith.constant 0 : i32
      %dma_start3A_87 = arith.constant 0 : i32
      %dma_start3A_88 = tpu.memref_slice %arg4[%add3A, %dma_start3A_86, %dma_start3A_87] : memref<32x80x125xi32, #tpu.memory_space<hbm>> -> memref<1x40x125xi32, #tpu.memory_space<hbm>>
      %dma_start3A_89 = tpu.memref_squeeze %dma_start3A_88 : memref<1x40x125xi32, #tpu.memory_space<hbm>> -> memref<40x125xi32, #tpu.memory_space<hbm>>
      tpu.enqueue_dma source(%dma_start3A_89 : memref<40x125xi32, #tpu.memory_space<hbm>>) target(%arg7 : memref<40x125xi32, #tpu.memory_space<vmem>>) target_semaphore(%run_scoped3A : memref<!tpu.dma_semaphore, #tpu.memory_space<semaphore_mem>>)
      %dma_wait3A_90 = arith.constant 0 : i32
      %dma_wait3A_91 = arith.constant 0 : i32
      %dma_wait3A_92 = tpu.memref_slice %arg4[%add3A, %dma_wait3A_90, %dma_wait3A_91] : memref<32x80x125xi32, #tpu.memory_space<hbm>> -> memref<1x40x125xi32, #tpu.memory_space<hbm>>
      %dma_wait3A_93 = tpu.memref_squeeze %dma_wait3A_92 : memref<1x40x125xi32, #tpu.memory_space<hbm>> -> memref<40x125xi32, #tpu.memory_space<hbm>>
      %dma_wait3A_94 = arith.constant 0 : i32
      %dma_wait3A_95 = arith.constant 0 : i32
      %dma_wait3A_96 = tpu.memref_slice %arg4[%add3A, %dma_wait3A_94, %dma_wait3A_95] : memref<32x80x125xi32, #tpu.memory_space<hbm>> -> memref<1x40x125xi32, #tpu.memory_space<hbm>>
      %dma_wait3A_97 = tpu.memref_squeeze %dma_wait3A_96 : memref<1x40x125xi32, #tpu.memory_space<hbm>> -> memref<40x125xi32, #tpu.memory_space<hbm>>
      tpu.wait_dma2 semaphore(%run_scoped3A : memref<!tpu.dma_semaphore, #tpu.memory_space<semaphore_mem>>) src(%dma_wait3A_97 : memref<40x125xi32, #tpu.memory_space<hbm>>) dst(%arg7 : memref<40x125xi32, #tpu.memory_space<vmem>>)
      tpu.yield
    }) : () -> ()
    %dma_start3A = arith.constant 0 : i32
    %dma_start3A_27 = arith.constant 0 : i32
    %dma_start3A_28 = arith.constant 0 : i32
    %dma_start3A_29 = tpu.memref_slice %arg8[%dma_start3A_27, %dma_start3A_28] : memref<128x128xf32, #tpu.memory_space<vmem>> -> memref<125x128xf32, #tpu.memory_space<vmem>>
    %dma_start3A_30 = arith.constant 0 : i32
    %dma_start3A_31 = tpu.memref_slice %arg6[%dma_start3A, %dma_start3A_30] : memref<40x125xi32, #tpu.memory_space<vmem>> -> memref<1x125xi32, #tpu.memory_space<vmem>>
    %dma_start3A_32 = tpu.memref_squeeze %dma_start3A_31 : memref<1x125xi32, #tpu.memory_space<vmem>> -> memref<125xi32, #tpu.memory_space<vmem>>
    %dma_start3A_33 = arith.constant 0 : i32
    %dma_start3A_34 = arith.constant 0 : i32
    %dma_start3A_35 = tpu.memref_slice %arg2[%dma_start3A_33, %dma_start3A_34] : memref<10240x128xf32, #tpu.memory_space<hbm>> -> memref<10240x128xf32, #tpu.memory_space<hbm>>
    tpu.enqueue_indirect_dma source(%dma_start3A_35 : memref<10240x128xf32, #tpu.memory_space<hbm>>) target(%dma_start3A_29 : memref<125x128xf32, #tpu.memory_space<vmem>>) offsets(%dma_start3A_32 : memref<125xi32, #tpu.memory_space<vmem>>) semaphore(%arg11 : memref<!tpu.dma_semaphore, #tpu.memory_space<semaphore_mem>>)
    %scan3A_36 = arith.constant 0 : i32
    %scan3A_37 = arith.constant 0 : i32
    %scan3A_38 = arith.constant 20 : i32
    %scan3A_39 = arith.addi %scan3A_37, %scan3A_38 : i32
    %scan3A_40 = arith.constant 1 : i32
    scf.for %scan3A_82 = %scan3A_37 to %scan3A_39 step %scan3A_40  : i32 {
      %mul3A_83 = arith.constant 2 : i32
      %mul3A_84 = arith.muli %mul3A_83, %scan3A_82 : i32
      %gt3A = arith.constant 0 : i32
      %gt3A_85 = arith.cmpi sgt, %scan3A_82, %gt3A : i32
      %convert_element_type3A = arith.extui %gt3A_85 : i1 to i32
      %cond3A = arith.constant 0 : i32
      %cond3A_86 = arith.cmpi ne, %convert_element_type3A, %cond3A : i32
      scf.if %cond3A_86 {
        %sub3A = arith.constant 1 : i32
        %sub3A_135 = arith.subi %mul3A_84, %sub3A : i32
        %dma_wait3A_136 = arith.constant 0 : i32
        %dma_wait3A_137 = arith.constant 0 : i32
        %dma_wait3A_138 = tpu.memref_slice %arg9[%dma_wait3A_136, %dma_wait3A_137] : memref<128x128xf32, #tpu.memory_space<vmem>> -> memref<125x128xf32, #tpu.memory_space<vmem>>
        %dma_wait3A_139 = arith.constant 0 : i32
        %dma_wait3A_140 = tpu.memref_slice %arg7[%sub3A_135, %dma_wait3A_139] : memref<40x125xi32, #tpu.memory_space<vmem>> -> memref<1x125xi32, #tpu.memory_space<vmem>>
        %dma_wait3A_141 = tpu.memref_squeeze %dma_wait3A_140 : memref<1x125xi32, #tpu.memory_space<vmem>> -> memref<125xi32, #tpu.memory_space<vmem>>
        %dma_wait3A_142 = arith.constant 0 : i32
        %dma_wait3A_143 = arith.constant 0 : i32
        %dma_wait3A_144 = tpu.memref_slice %arg10[%dma_wait3A_142, %dma_wait3A_143] : memref<10240x128xf32, #tpu.memory_space<vmem_shared>> -> memref<10240x128xf32, #tpu.memory_space<vmem_shared>>
        tpu.wait_indirect_dma semaphore(%arg14 : memref<!tpu.dma_semaphore, #tpu.memory_space<semaphore_mem>>) src(%dma_wait3A_138 : memref<125x128xf32, #tpu.memory_space<vmem>>) dst(%dma_wait3A_144 : memref<10240x128xf32, #tpu.memory_space<vmem_shared>>)
      } else {
      }
      %add3A_87 = arith.constant 1 : i32
      %add3A_88 = arith.addi %mul3A_84, %add3A_87 : i32
      %dma_start3A_89 = arith.constant 0 : i32
      %dma_start3A_90 = arith.constant 0 : i32
      %dma_start3A_91 = tpu.memref_slice %arg9[%dma_start3A_89, %dma_start3A_90] : memref<128x128xf32, #tpu.memory_space<vmem>> -> memref<125x128xf32, #tpu.memory_space<vmem>>
      %dma_start3A_92 = arith.constant 0 : i32
      %dma_start3A_93 = tpu.memref_slice %arg6[%add3A_88, %dma_start3A_92] : memref<40x125xi32, #tpu.memory_space<vmem>> -> memref<1x125xi32, #tpu.memory_space<vmem>>
      %dma_start3A_94 = tpu.memref_squeeze %dma_start3A_93 : memref<1x125xi32, #tpu.memory_space<vmem>> -> memref<125xi32, #tpu.memory_space<vmem>>
      %dma_start3A_95 = arith.constant 0 : i32
      %dma_start3A_96 = arith.constant 0 : i32
      %dma_start3A_97 = tpu.memref_slice %arg2[%dma_start3A_95, %dma_start3A_96] : memref<10240x128xf32, #tpu.memory_space<hbm>> -> memref<10240x128xf32, #tpu.memory_space<hbm>>
      tpu.enqueue_indirect_dma source(%dma_start3A_97 : memref<10240x128xf32, #tpu.memory_space<hbm>>) target(%dma_start3A_91 : memref<125x128xf32, #tpu.memory_space<vmem>>) offsets(%dma_start3A_94 : memref<125xi32, #tpu.memory_space<vmem>>) semaphore(%arg12 : memref<!tpu.dma_semaphore, #tpu.memory_space<semaphore_mem>>)
      %dma_wait3A_98 = arith.constant 0 : i32
      %dma_wait3A_99 = arith.constant 0 : i32
      %dma_wait3A_100 = tpu.memref_slice %arg8[%dma_wait3A_98, %dma_wait3A_99] : memref<128x128xf32, #tpu.memory_space<vmem>> -> memref<125x128xf32, #tpu.memory_space<vmem>>
      %dma_wait3A_101 = arith.constant 0 : i32
      %dma_wait3A_102 = tpu.memref_slice %arg6[%mul3A_84, %dma_wait3A_101] : memref<40x125xi32, #tpu.memory_space<vmem>> -> memref<1x125xi32, #tpu.memory_space<vmem>>
      %dma_wait3A_103 = tpu.memref_squeeze %dma_wait3A_102 : memref<1x125xi32, #tpu.memory_space<vmem>> -> memref<125xi32, #tpu.memory_space<vmem>>
      %dma_wait3A_104 = arith.constant 0 : i32
      %dma_wait3A_105 = arith.constant 0 : i32
      %dma_wait3A_106 = tpu.memref_slice %arg2[%dma_wait3A_104, %dma_wait3A_105] : memref<10240x128xf32, #tpu.memory_space<hbm>> -> memref<10240x128xf32, #tpu.memory_space<hbm>>
      tpu.wait_indirect_dma semaphore(%arg11 : memref<!tpu.dma_semaphore, #tpu.memory_space<semaphore_mem>>) src(%dma_wait3A_106 : memref<10240x128xf32, #tpu.memory_space<hbm>>) dst(%dma_wait3A_100 : memref<125x128xf32, #tpu.memory_space<vmem>>)
      "tpu.region"() ({
        %run_scoped3A = tpu.sem_alloc : memref<!tpu.dma_semaphore, #tpu.memory_space<semaphore_mem>>
        %dma_start3A_135 = arith.constant 0 : i32
        %dma_start3A_136 = arith.constant 0 : i32
        %dma_start3A_137 = tpu.memref_slice %arg8[%dma_start3A_135, %dma_start3A_136] : memref<128x128xf32, #tpu.memory_space<vmem>> -> memref<125x128xf32, #tpu.memory_space<vmem>>
        %dma_start3A_138 = arith.constant 0 : i32
        %dma_start3A_139 = tpu.memref_slice %arg7[%mul3A_84, %dma_start3A_138] : memref<40x125xi32, #tpu.memory_space<vmem>> -> memref<1x125xi32, #tpu.memory_space<vmem>>
        %dma_start3A_140 = tpu.memref_squeeze %dma_start3A_139 : memref<1x125xi32, #tpu.memory_space<vmem>> -> memref<125xi32, #tpu.memory_space<vmem>>
        %dma_start3A_141 = arith.constant 0 : i32
        %dma_start3A_142 = arith.constant 0 : i32
        %dma_start3A_143 = tpu.memref_slice %arg10[%dma_start3A_141, %dma_start3A_142] : memref<10240x128xf32, #tpu.memory_space<vmem_shared>> -> memref<10240x128xf32, #tpu.memory_space<vmem_shared>>
        tpu.enqueue_indirect_dma source(%dma_start3A_137 : memref<125x128xf32, #tpu.memory_space<vmem>>) target(%dma_start3A_143 : memref<10240x128xf32, #tpu.memory_space<vmem_shared>>) offsets(%dma_start3A_140 : memref<125xi32, #tpu.memory_space<vmem>>) semaphore(%run_scoped3A : memref<!tpu.dma_semaphore, #tpu.memory_space<semaphore_mem>>) {add = true}
        %dma_wait3A_144 = arith.constant 0 : i32
        %dma_wait3A_145 = arith.constant 0 : i32
        %dma_wait3A_146 = tpu.memref_slice %arg8[%dma_wait3A_144, %dma_wait3A_145] : memref<128x128xf32, #tpu.memory_space<vmem>> -> memref<125x128xf32, #tpu.memory_space<vmem>>
        %dma_wait3A_147 = arith.constant 0 : i32
        %dma_wait3A_148 = tpu.memref_slice %arg7[%mul3A_84, %dma_wait3A_147] : memref<40x125xi32, #tpu.memory_space<vmem>> -> memref<1x125xi32, #tpu.memory_space<vmem>>
        %dma_wait3A_149 = tpu.memref_squeeze %dma_wait3A_148 : memref<1x125xi32, #tpu.memory_space<vmem>> -> memref<125xi32, #tpu.memory_space<vmem>>
        %dma_wait3A_150 = arith.constant 0 : i32
        %dma_wait3A_151 = arith.constant 0 : i32
        %dma_wait3A_152 = tpu.memref_slice %arg10[%dma_wait3A_150, %dma_wait3A_151] : memref<10240x128xf32, #tpu.memory_space<vmem_shared>> -> memref<10240x128xf32, #tpu.memory_space<vmem_shared>>
        tpu.wait_indirect_dma semaphore(%run_scoped3A : memref<!tpu.dma_semaphore, #tpu.memory_space<semaphore_mem>>) src(%dma_wait3A_146 : memref<125x128xf32, #tpu.memory_space<vmem>>) dst(%dma_wait3A_152 : memref<10240x128xf32, #tpu.memory_space<vmem_shared>>)
        tpu.yield
      }) : () -> ()
      %add3A_107 = arith.constant 2 : i32
      %add3A_108 = arith.addi %mul3A_84, %add3A_107 : i32
      %lt3A = arith.constant 40 : i32
      %lt3A_109 = arith.cmpi slt, %add3A_108, %lt3A : i32
      %convert_element_type3A_110 = arith.extui %lt3A_109 : i1 to i32
      %cond3A_111 = arith.constant 0 : i32
      %cond3A_112 = arith.cmpi ne, %convert_element_type3A_110, %cond3A_111 : i32
      scf.if %cond3A_112 {
        %add3A_135 = arith.constant 2 : i32
        %add3A_136 = arith.addi %mul3A_84, %add3A_135 : i32
        %dma_start3A_137 = arith.constant 0 : i32
        %dma_start3A_138 = arith.constant 0 : i32
        %dma_start3A_139 = tpu.memref_slice %arg8[%dma_start3A_137, %dma_start3A_138] : memref<128x128xf32, #tpu.memory_space<vmem>> -> memref<125x128xf32, #tpu.memory_space<vmem>>
        %dma_start3A_140 = arith.constant 0 : i32
        %dma_start3A_141 = tpu.memref_slice %arg6[%add3A_136, %dma_start3A_140] : memref<40x125xi32, #tpu.memory_space<vmem>> -> memref<1x125xi32, #tpu.memory_space<vmem>>
        %dma_start3A_142 = tpu.memref_squeeze %dma_start3A_141 : memref<1x125xi32, #tpu.memory_space<vmem>> -> memref<125xi32, #tpu.memory_space<vmem>>
        %dma_start3A_143 = arith.constant 0 : i32
        %dma_start3A_144 = arith.constant 0 : i32
        %dma_start3A_145 = tpu.memref_slice %arg2[%dma_start3A_143, %dma_start3A_144] : memref<10240x128xf32, #tpu.memory_space<hbm>> -> memref<10240x128xf32, #tpu.memory_space<hbm>>
        tpu.enqueue_indirect_dma source(%dma_start3A_145 : memref<10240x128xf32, #tpu.memory_space<hbm>>) target(%dma_start3A_139 : memref<125x128xf32, #tpu.memory_space<vmem>>) offsets(%dma_start3A_142 : memref<125xi32, #tpu.memory_space<vmem>>) semaphore(%arg11 : memref<!tpu.dma_semaphore, #tpu.memory_space<semaphore_mem>>)
      } else {
      }
      %add3A_113 = arith.constant 1 : i32
      %add3A_114 = arith.addi %mul3A_84, %add3A_113 : i32
      %dma_wait3A_115 = arith.constant 0 : i32
      %dma_wait3A_116 = arith.constant 0 : i32
      %dma_wait3A_117 = tpu.memref_slice %arg9[%dma_wait3A_115, %dma_wait3A_116] : memref<128x128xf32, #tpu.memory_space<vmem>> -> memref<125x128xf32, #tpu.memory_space<vmem>>
      %dma_wait3A_118 = arith.constant 0 : i32
      %dma_wait3A_119 = tpu.memref_slice %arg6[%add3A_114, %dma_wait3A_118] : memref<40x125xi32, #tpu.memory_space<vmem>> -> memref<1x125xi32, #tpu.memory_space<vmem>>
      %dma_wait3A_120 = tpu.memref_squeeze %dma_wait3A_119 : memref<1x125xi32, #tpu.memory_space<vmem>> -> memref<125xi32, #tpu.memory_space<vmem>>
      %dma_wait3A_121 = arith.constant 0 : i32
      %dma_wait3A_122 = arith.constant 0 : i32
      %dma_wait3A_123 = tpu.memref_slice %arg2[%dma_wait3A_121, %dma_wait3A_122] : memref<10240x128xf32, #tpu.memory_space<hbm>> -> memref<10240x128xf32, #tpu.memory_space<hbm>>
      tpu.wait_indirect_dma semaphore(%arg12 : memref<!tpu.dma_semaphore, #tpu.memory_space<semaphore_mem>>) src(%dma_wait3A_123 : memref<10240x128xf32, #tpu.memory_space<hbm>>) dst(%dma_wait3A_117 : memref<125x128xf32, #tpu.memory_space<vmem>>)
      %add3A_124 = arith.constant 1 : i32
      %add3A_125 = arith.addi %mul3A_84, %add3A_124 : i32
      %dma_start3A_126 = arith.constant 0 : i32
      %dma_start3A_127 = arith.constant 0 : i32
      %dma_start3A_128 = tpu.memref_slice %arg9[%dma_start3A_126, %dma_start3A_127] : memref<128x128xf32, #tpu.memory_space<vmem>> -> memref<125x128xf32, #tpu.memory_space<vmem>>
      %dma_start3A_129 = arith.constant 0 : i32
      %dma_start3A_130 = tpu.memref_slice %arg7[%add3A_125, %dma_start3A_129] : memref<40x125xi32, #tpu.memory_space<vmem>> -> memref<1x125xi32, #tpu.memory_space<vmem>>
      %dma_start3A_131 = tpu.memref_squeeze %dma_start3A_130 : memref<1x125xi32, #tpu.memory_space<vmem>> -> memref<125xi32, #tpu.memory_space<vmem>>
      %dma_start3A_132 = arith.constant 0 : i32
      %dma_start3A_133 = arith.constant 0 : i32
      %dma_start3A_134 = tpu.memref_slice %arg10[%dma_start3A_132, %dma_start3A_133] : memref<10240x128xf32, #tpu.memory_space<vmem_shared>> -> memref<10240x128xf32, #tpu.memory_space<vmem_shared>>
      tpu.enqueue_indirect_dma source(%dma_start3A_128 : memref<125x128xf32, #tpu.memory_space<vmem>>) target(%dma_start3A_134 : memref<10240x128xf32, #tpu.memory_space<vmem_shared>>) offsets(%dma_start3A_131 : memref<125xi32, #tpu.memory_space<vmem>>) semaphore(%arg14 : memref<!tpu.dma_semaphore, #tpu.memory_space<semaphore_mem>>) {add = true}
    }
    %scan3A_41 = arith.constant 20 : i32
    %dma_wait3A = arith.constant 39 : i32
    %dma_wait3A_42 = arith.constant 0 : i32
    %dma_wait3A_43 = arith.constant 0 : i32
    %dma_wait3A_44 = tpu.memref_slice %arg9[%dma_wait3A_42, %dma_wait3A_43] : memref<128x128xf32, #tpu.memory_space<vmem>> -> memref<125x128xf32, #tpu.memory_space<vmem>>
    %dma_wait3A_45 = arith.constant 0 : i32
    %dma_wait3A_46 = tpu.memref_slice %arg7[%dma_wait3A, %dma_wait3A_45] : memref<40x125xi32, #tpu.memory_space<vmem>> -> memref<1x125xi32, #tpu.memory_space<vmem>>
    %dma_wait3A_47 = tpu.memref_squeeze %dma_wait3A_46 : memref<1x125xi32, #tpu.memory_space<vmem>> -> memref<125xi32, #tpu.memory_space<vmem>>
    %dma_wait3A_48 = arith.constant 0 : i32
    %dma_wait3A_49 = arith.constant 0 : i32
    %dma_wait3A_50 = tpu.memref_slice %arg10[%dma_wait3A_48, %dma_wait3A_49] : memref<10240x128xf32, #tpu.memory_space<vmem_shared>> -> memref<10240x128xf32, #tpu.memory_space<vmem_shared>>
    tpu.wait_indirect_dma semaphore(%arg14 : memref<!tpu.dma_semaphore, #tpu.memory_space<semaphore_mem>>) src(%dma_wait3A_44 : memref<125x128xf32, #tpu.memory_space<vmem>>) dst(%dma_wait3A_50 : memref<10240x128xf32, #tpu.memory_space<vmem_shared>>)
    "tpu.region"() ({
      %run_scoped3A = tpu.sem_alloc : memref<!tpu.dma_semaphore, #tpu.memory_space<semaphore_mem>>
      %dma_start3A_82 = arith.constant 40 : i32
      %dma_start3A_83 = arith.constant 0 : i32
      %dma_start3A_84 = tpu.memref_slice %arg3[%add3A, %dma_start3A_82, %dma_start3A_83] : memref<32x80x125xi32, #tpu.memory_space<hbm>> -> memref<1x40x125xi32, #tpu.memory_space<hbm>>
      %dma_start3A_85 = tpu.memref_squeeze %dma_start3A_84 : memref<1x40x125xi32, #tpu.memory_space<hbm>> -> memref<40x125xi32, #tpu.memory_space<hbm>>
      %dma_start3A_86 = arith.constant 40 : i32
      %dma_start3A_87 = arith.constant 0 : i32
      %dma_start3A_88 = tpu.memref_slice %arg3[%add3A, %dma_start3A_86, %dma_start3A_87] : memref<32x80x125xi32, #tpu.memory_space<hbm>> -> memref<1x40x125xi32, #tpu.memory_space<hbm>>
      %dma_start3A_89 = tpu.memref_squeeze %dma_start3A_88 : memref<1x40x125xi32, #tpu.memory_space<hbm>> -> memref<40x125xi32, #tpu.memory_space<hbm>>
      tpu.enqueue_dma source(%dma_start3A_89 : memref<40x125xi32, #tpu.memory_space<hbm>>) target(%arg6 : memref<40x125xi32, #tpu.memory_space<vmem>>) target_semaphore(%run_scoped3A : memref<!tpu.dma_semaphore, #tpu.memory_space<semaphore_mem>>)
      %dma_wait3A_90 = arith.constant 40 : i32
      %dma_wait3A_91 = arith.constant 0 : i32
      %dma_wait3A_92 = tpu.memref_slice %arg3[%add3A, %dma_wait3A_90, %dma_wait3A_91] : memref<32x80x125xi32, #tpu.memory_space<hbm>> -> memref<1x40x125xi32, #tpu.memory_space<hbm>>
      %dma_wait3A_93 = tpu.memref_squeeze %dma_wait3A_92 : memref<1x40x125xi32, #tpu.memory_space<hbm>> -> memref<40x125xi32, #tpu.memory_space<hbm>>
      %dma_wait3A_94 = arith.constant 40 : i32
      %dma_wait3A_95 = arith.constant 0 : i32
      %dma_wait3A_96 = tpu.memref_slice %arg3[%add3A, %dma_wait3A_94, %dma_wait3A_95] : memref<32x80x125xi32, #tpu.memory_space<hbm>> -> memref<1x40x125xi32, #tpu.memory_space<hbm>>
      %dma_wait3A_97 = tpu.memref_squeeze %dma_wait3A_96 : memref<1x40x125xi32, #tpu.memory_space<hbm>> -> memref<40x125xi32, #tpu.memory_space<hbm>>
      tpu.wait_dma2 semaphore(%run_scoped3A : memref<!tpu.dma_semaphore, #tpu.memory_space<semaphore_mem>>) src(%dma_wait3A_97 : memref<40x125xi32, #tpu.memory_space<hbm>>) dst(%arg6 : memref<40x125xi32, #tpu.memory_space<vmem>>)
      tpu.yield
    }) : () -> ()
    "tpu.region"() ({
      %run_scoped3A = tpu.sem_alloc : memref<!tpu.dma_semaphore, #tpu.memory_space<semaphore_mem>>
      %dma_start3A_82 = arith.constant 40 : i32
      %dma_start3A_83 = arith.constant 0 : i32
      %dma_start3A_84 = tpu.memref_slice %arg4[%add3A, %dma_start3A_82, %dma_start3A_83] : memref<32x80x125xi32, #tpu.memory_space<hbm>> -> memref<1x40x125xi32, #tpu.memory_space<hbm>>
      %dma_start3A_85 = tpu.memref_squeeze %dma_start3A_84 : memref<1x40x125xi32, #tpu.memory_space<hbm>> -> memref<40x125xi32, #tpu.memory_space<hbm>>
      %dma_start3A_86 = arith.constant 40 : i32
      %dma_start3A_87 = arith.constant 0 : i32
      %dma_start3A_88 = tpu.memref_slice %arg4[%add3A, %dma_start3A_86, %dma_start3A_87] : memref<32x80x125xi32, #tpu.memory_space<hbm>> -> memref<1x40x125xi32, #tpu.memory_space<hbm>>
      %dma_start3A_89 = tpu.memref_squeeze %dma_start3A_88 : memref<1x40x125xi32, #tpu.memory_space<hbm>> -> memref<40x125xi32, #tpu.memory_space<hbm>>
      tpu.enqueue_dma source(%dma_start3A_89 : memref<40x125xi32, #tpu.memory_space<hbm>>) target(%arg7 : memref<40x125xi32, #tpu.memory_space<vmem>>) target_semaphore(%run_scoped3A : memref<!tpu.dma_semaphore, #tpu.memory_space<semaphore_mem>>)
      %dma_wait3A_90 = arith.constant 40 : i32
      %dma_wait3A_91 = arith.constant 0 : i32
      %dma_wait3A_92 = tpu.memref_slice %arg4[%add3A, %dma_wait3A_90, %dma_wait3A_91] : memref<32x80x125xi32, #tpu.memory_space<hbm>> -> memref<1x40x125xi32, #tpu.memory_space<hbm>>
      %dma_wait3A_93 = tpu.memref_squeeze %dma_wait3A_92 : memref<1x40x125xi32, #tpu.memory_space<hbm>> -> memref<40x125xi32, #tpu.memory_space<hbm>>
      %dma_wait3A_94 = arith.constant 40 : i32
      %dma_wait3A_95 = arith.constant 0 : i32
      %dma_wait3A_96 = tpu.memref_slice %arg4[%add3A, %dma_wait3A_94, %dma_wait3A_95] : memref<32x80x125xi32, #tpu.memory_space<hbm>> -> memref<1x40x125xi32, #tpu.memory_space<hbm>>
      %dma_wait3A_97 = tpu.memref_squeeze %dma_wait3A_96 : memref<1x40x125xi32, #tpu.memory_space<hbm>> -> memref<40x125xi32, #tpu.memory_space<hbm>>
      tpu.wait_dma2 semaphore(%run_scoped3A : memref<!tpu.dma_semaphore, #tpu.memory_space<semaphore_mem>>) src(%dma_wait3A_97 : memref<40x125xi32, #tpu.memory_space<hbm>>) dst(%arg7 : memref<40x125xi32, #tpu.memory_space<vmem>>)
      tpu.yield
    }) : () -> ()
    %dma_start3A_51 = arith.constant 0 : i32
    %dma_start3A_52 = arith.constant 0 : i32
    %dma_start3A_53 = arith.constant 0 : i32
    %dma_start3A_54 = tpu.memref_slice %arg8[%dma_start3A_52, %dma_start3A_53] : memref<128x128xf32, #tpu.memory_space<vmem>> -> memref<125x128xf32, #tpu.memory_space<vmem>>
    %dma_start3A_55 = arith.constant 0 : i32
    %dma_start3A_56 = tpu.memref_slice %arg6[%dma_start3A_51, %dma_start3A_55] : memref<40x125xi32, #tpu.memory_space<vmem>> -> memref<1x125xi32, #tpu.memory_space<vmem>>
    %dma_start3A_57 = tpu.memref_squeeze %dma_start3A_56 : memref<1x125xi32, #tpu.memory_space<vmem>> -> memref<125xi32, #tpu.memory_space<vmem>>
    %dma_start3A_58 = arith.constant 0 : i32
    %dma_start3A_59 = arith.constant 0 : i32
    %dma_start3A_60 = tpu.memref_slice %arg2[%dma_start3A_58, %dma_start3A_59] : memref<10240x128xf32, #tpu.memory_space<hbm>> -> memref<10240x128xf32, #tpu.memory_space<hbm>>
    tpu.enqueue_indirect_dma source(%dma_start3A_60 : memref<10240x128xf32, #tpu.memory_space<hbm>>) target(%dma_start3A_54 : memref<125x128xf32, #tpu.memory_space<vmem>>) offsets(%dma_start3A_57 : memref<125xi32, #tpu.memory_space<vmem>>) semaphore(%arg11 : memref<!tpu.dma_semaphore, #tpu.memory_space<semaphore_mem>>)
    %scan3A_61 = arith.constant 0 : i32
    %scan3A_62 = arith.constant 0 : i32
    %scan3A_63 = arith.constant 20 : i32
    %scan3A_64 = arith.addi %scan3A_62, %scan3A_63 : i32
    %scan3A_65 = arith.constant 1 : i32
    scf.for %scan3A_82 = %scan3A_62 to %scan3A_64 step %scan3A_65  : i32 {
      %mul3A_83 = arith.constant 2 : i32
      %mul3A_84 = arith.muli %mul3A_83, %scan3A_82 : i32
      %gt3A = arith.constant 0 : i32
      %gt3A_85 = arith.cmpi sgt, %scan3A_82, %gt3A : i32
      %convert_element_type3A = arith.extui %gt3A_85 : i1 to i32
      %cond3A = arith.constant 0 : i32
      %cond3A_86 = arith.cmpi ne, %convert_element_type3A, %cond3A : i32
      scf.if %cond3A_86 {
        %sub3A = arith.constant 1 : i32
        %sub3A_135 = arith.subi %mul3A_84, %sub3A : i32
        %dma_wait3A_136 = arith.constant 0 : i32
        %dma_wait3A_137 = arith.constant 0 : i32
        %dma_wait3A_138 = tpu.memref_slice %arg9[%dma_wait3A_136, %dma_wait3A_137] : memref<128x128xf32, #tpu.memory_space<vmem>> -> memref<125x128xf32, #tpu.memory_space<vmem>>
        %dma_wait3A_139 = arith.constant 0 : i32
        %dma_wait3A_140 = tpu.memref_slice %arg7[%sub3A_135, %dma_wait3A_139] : memref<40x125xi32, #tpu.memory_space<vmem>> -> memref<1x125xi32, #tpu.memory_space<vmem>>
        %dma_wait3A_141 = tpu.memref_squeeze %dma_wait3A_140 : memref<1x125xi32, #tpu.memory_space<vmem>> -> memref<125xi32, #tpu.memory_space<vmem>>
        %dma_wait3A_142 = arith.constant 0 : i32
        %dma_wait3A_143 = arith.constant 0 : i32
        %dma_wait3A_144 = tpu.memref_slice %arg10[%dma_wait3A_142, %dma_wait3A_143] : memref<10240x128xf32, #tpu.memory_space<vmem_shared>> -> memref<10240x128xf32, #tpu.memory_space<vmem_shared>>
        tpu.wait_indirect_dma semaphore(%arg14 : memref<!tpu.dma_semaphore, #tpu.memory_space<semaphore_mem>>) src(%dma_wait3A_138 : memref<125x128xf32, #tpu.memory_space<vmem>>) dst(%dma_wait3A_144 : memref<10240x128xf32, #tpu.memory_space<vmem_shared>>)
      } else {
      }
      %add3A_87 = arith.constant 1 : i32
      %add3A_88 = arith.addi %mul3A_84, %add3A_87 : i32
      %dma_start3A_89 = arith.constant 0 : i32
      %dma_start3A_90 = arith.constant 0 : i32
      %dma_start3A_91 = tpu.memref_slice %arg9[%dma_start3A_89, %dma_start3A_90] : memref<128x128xf32, #tpu.memory_space<vmem>> -> memref<125x128xf32, #tpu.memory_space<vmem>>
      %dma_start3A_92 = arith.constant 0 : i32
      %dma_start3A_93 = tpu.memref_slice %arg6[%add3A_88, %dma_start3A_92] : memref<40x125xi32, #tpu.memory_space<vmem>> -> memref<1x125xi32, #tpu.memory_space<vmem>>
      %dma_start3A_94 = tpu.memref_squeeze %dma_start3A_93 : memref<1x125xi32, #tpu.memory_space<vmem>> -> memref<125xi32, #tpu.memory_space<vmem>>
      %dma_start3A_95 = arith.constant 0 : i32
      %dma_start3A_96 = arith.constant 0 : i32
      %dma_start3A_97 = tpu.memref_slice %arg2[%dma_start3A_95, %dma_start3A_96] : memref<10240x128xf32, #tpu.memory_space<hbm>> -> memref<10240x128xf32, #tpu.memory_space<hbm>>
      tpu.enqueue_indirect_dma source(%dma_start3A_97 : memref<10240x128xf32, #tpu.memory_space<hbm>>) target(%dma_start3A_91 : memref<125x128xf32, #tpu.memory_space<vmem>>) offsets(%dma_start3A_94 : memref<125xi32, #tpu.memory_space<vmem>>) semaphore(%arg12 : memref<!tpu.dma_semaphore, #tpu.memory_space<semaphore_mem>>)
      %dma_wait3A_98 = arith.constant 0 : i32
      %dma_wait3A_99 = arith.constant 0 : i32
      %dma_wait3A_100 = tpu.memref_slice %arg8[%dma_wait3A_98, %dma_wait3A_99] : memref<128x128xf32, #tpu.memory_space<vmem>> -> memref<125x128xf32, #tpu.memory_space<vmem>>
      %dma_wait3A_101 = arith.constant 0 : i32
      %dma_wait3A_102 = tpu.memref_slice %arg6[%mul3A_84, %dma_wait3A_101] : memref<40x125xi32, #tpu.memory_space<vmem>> -> memref<1x125xi32, #tpu.memory_space<vmem>>
      %dma_wait3A_103 = tpu.memref_squeeze %dma_wait3A_102 : memref<1x125xi32, #tpu.memory_space<vmem>> -> memref<125xi32, #tpu.memory_space<vmem>>
      %dma_wait3A_104 = arith.constant 0 : i32
      %dma_wait3A_105 = arith.constant 0 : i32
      %dma_wait3A_106 = tpu.memref_slice %arg2[%dma_wait3A_104, %dma_wait3A_105] : memref<10240x128xf32, #tpu.memory_space<hbm>> -> memref<10240x128xf32, #tpu.memory_space<hbm>>
      tpu.wait_indirect_dma semaphore(%arg11 : memref<!tpu.dma_semaphore, #tpu.memory_space<semaphore_mem>>) src(%dma_wait3A_106 : memref<10240x128xf32, #tpu.memory_space<hbm>>) dst(%dma_wait3A_100 : memref<125x128xf32, #tpu.memory_space<vmem>>)
      "tpu.region"() ({
        %run_scoped3A = tpu.sem_alloc : memref<!tpu.dma_semaphore, #tpu.memory_space<semaphore_mem>>
        %dma_start3A_135 = arith.constant 0 : i32
        %dma_start3A_136 = arith.constant 0 : i32
        %dma_start3A_137 = tpu.memref_slice %arg8[%dma_start3A_135, %dma_start3A_136] : memref<128x128xf32, #tpu.memory_space<vmem>> -> memref<125x128xf32, #tpu.memory_space<vmem>>
        %dma_start3A_138 = arith.constant 0 : i32
        %dma_start3A_139 = tpu.memref_slice %arg7[%mul3A_84, %dma_start3A_138] : memref<40x125xi32, #tpu.memory_space<vmem>> -> memref<1x125xi32, #tpu.memory_space<vmem>>
        %dma_start3A_140 = tpu.memref_squeeze %dma_start3A_139 : memref<1x125xi32, #tpu.memory_space<vmem>> -> memref<125xi32, #tpu.memory_space<vmem>>
        %dma_start3A_141 = arith.constant 0 : i32
        %dma_start3A_142 = arith.constant 0 : i32
        %dma_start3A_143 = tpu.memref_slice %arg10[%dma_start3A_141, %dma_start3A_142] : memref<10240x128xf32, #tpu.memory_space<vmem_shared>> -> memref<10240x128xf32, #tpu.memory_space<vmem_shared>>
        tpu.enqueue_indirect_dma source(%dma_start3A_137 : memref<125x128xf32, #tpu.memory_space<vmem>>) target(%dma_start3A_143 : memref<10240x128xf32, #tpu.memory_space<vmem_shared>>) offsets(%dma_start3A_140 : memref<125xi32, #tpu.memory_space<vmem>>) semaphore(%run_scoped3A : memref<!tpu.dma_semaphore, #tpu.memory_space<semaphore_mem>>) {add = true}
        %dma_wait3A_144 = arith.constant 0 : i32
        %dma_wait3A_145 = arith.constant 0 : i32
        %dma_wait3A_146 = tpu.memref_slice %arg8[%dma_wait3A_144, %dma_wait3A_145] : memref<128x128xf32, #tpu.memory_space<vmem>> -> memref<125x128xf32, #tpu.memory_space<vmem>>
        %dma_wait3A_147 = arith.constant 0 : i32
        %dma_wait3A_148 = tpu.memref_slice %arg7[%mul3A_84, %dma_wait3A_147] : memref<40x125xi32, #tpu.memory_space<vmem>> -> memref<1x125xi32, #tpu.memory_space<vmem>>
        %dma_wait3A_149 = tpu.memref_squeeze %dma_wait3A_148 : memref<1x125xi32, #tpu.memory_space<vmem>> -> memref<125xi32, #tpu.memory_space<vmem>>
        %dma_wait3A_150 = arith.constant 0 : i32
        %dma_wait3A_151 = arith.constant 0 : i32
        %dma_wait3A_152 = tpu.memref_slice %arg10[%dma_wait3A_150, %dma_wait3A_151] : memref<10240x128xf32, #tpu.memory_space<vmem_shared>> -> memref<10240x128xf32, #tpu.memory_space<vmem_shared>>
        tpu.wait_indirect_dma semaphore(%run_scoped3A : memref<!tpu.dma_semaphore, #tpu.memory_space<semaphore_mem>>) src(%dma_wait3A_146 : memref<125x128xf32, #tpu.memory_space<vmem>>) dst(%dma_wait3A_152 : memref<10240x128xf32, #tpu.memory_space<vmem_shared>>)
        tpu.yield
      }) : () -> ()
      %add3A_107 = arith.constant 2 : i32
      %add3A_108 = arith.addi %mul3A_84, %add3A_107 : i32
      %lt3A = arith.constant 40 : i32
      %lt3A_109 = arith.cmpi slt, %add3A_108, %lt3A : i32
      %convert_element_type3A_110 = arith.extui %lt3A_109 : i1 to i32
      %cond3A_111 = arith.constant 0 : i32
      %cond3A_112 = arith.cmpi ne, %convert_element_type3A_110, %cond3A_111 : i32
      scf.if %cond3A_112 {
        %add3A_135 = arith.constant 2 : i32
        %add3A_136 = arith.addi %mul3A_84, %add3A_135 : i32
        %dma_start3A_137 = arith.constant 0 : i32
        %dma_start3A_138 = arith.constant 0 : i32
        %dma_start3A_139 = tpu.memref_slice %arg8[%dma_start3A_137, %dma_start3A_138] : memref<128x128xf32, #tpu.memory_space<vmem>> -> memref<125x128xf32, #tpu.memory_space<vmem>>
        %dma_start3A_140 = arith.constant 0 : i32
        %dma_start3A_141 = tpu.memref_slice %arg6[%add3A_136, %dma_start3A_140] : memref<40x125xi32, #tpu.memory_space<vmem>> -> memref<1x125xi32, #tpu.memory_space<vmem>>
        %dma_start3A_142 = tpu.memref_squeeze %dma_start3A_141 : memref<1x125xi32, #tpu.memory_space<vmem>> -> memref<125xi32, #tpu.memory_space<vmem>>
        %dma_start3A_143 = arith.constant 0 : i32
        %dma_start3A_144 = arith.constant 0 : i32
        %dma_start3A_145 = tpu.memref_slice %arg2[%dma_start3A_143, %dma_start3A_144] : memref<10240x128xf32, #tpu.memory_space<hbm>> -> memref<10240x128xf32, #tpu.memory_space<hbm>>
        tpu.enqueue_indirect_dma source(%dma_start3A_145 : memref<10240x128xf32, #tpu.memory_space<hbm>>) target(%dma_start3A_139 : memref<125x128xf32, #tpu.memory_space<vmem>>) offsets(%dma_start3A_142 : memref<125xi32, #tpu.memory_space<vmem>>) semaphore(%arg11 : memref<!tpu.dma_semaphore, #tpu.memory_space<semaphore_mem>>)
      } else {
      }
      %add3A_113 = arith.constant 1 : i32
      %add3A_114 = arith.addi %mul3A_84, %add3A_113 : i32
      %dma_wait3A_115 = arith.constant 0 : i32
      %dma_wait3A_116 = arith.constant 0 : i32
      %dma_wait3A_117 = tpu.memref_slice %arg9[%dma_wait3A_115, %dma_wait3A_116] : memref<128x128xf32, #tpu.memory_space<vmem>> -> memref<125x128xf32, #tpu.memory_space<vmem>>
      %dma_wait3A_118 = arith.constant 0 : i32
      %dma_wait3A_119 = tpu.memref_slice %arg6[%add3A_114, %dma_wait3A_118] : memref<40x125xi32, #tpu.memory_space<vmem>> -> memref<1x125xi32, #tpu.memory_space<vmem>>
      %dma_wait3A_120 = tpu.memref_squeeze %dma_wait3A_119 : memref<1x125xi32, #tpu.memory_space<vmem>> -> memref<125xi32, #tpu.memory_space<vmem>>
      %dma_wait3A_121 = arith.constant 0 : i32
      %dma_wait3A_122 = arith.constant 0 : i32
      %dma_wait3A_123 = tpu.memref_slice %arg2[%dma_wait3A_121, %dma_wait3A_122] : memref<10240x128xf32, #tpu.memory_space<hbm>> -> memref<10240x128xf32, #tpu.memory_space<hbm>>
      tpu.wait_indirect_dma semaphore(%arg12 : memref<!tpu.dma_semaphore, #tpu.memory_space<semaphore_mem>>) src(%dma_wait3A_123 : memref<10240x128xf32, #tpu.memory_space<hbm>>) dst(%dma_wait3A_117 : memref<125x128xf32, #tpu.memory_space<vmem>>)
      %add3A_124 = arith.constant 1 : i32
      %add3A_125 = arith.addi %mul3A_84, %add3A_124 : i32
      %dma_start3A_126 = arith.constant 0 : i32
      %dma_start3A_127 = arith.constant 0 : i32
      %dma_start3A_128 = tpu.memref_slice %arg9[%dma_start3A_126, %dma_start3A_127] : memref<128x128xf32, #tpu.memory_space<vmem>> -> memref<125x128xf32, #tpu.memory_space<vmem>>
      %dma_start3A_129 = arith.constant 0 : i32
      %dma_start3A_130 = tpu.memref_slice %arg7[%add3A_125, %dma_start3A_129] : memref<40x125xi32, #tpu.memory_space<vmem>> -> memref<1x125xi32, #tpu.memory_space<vmem>>
      %dma_start3A_131 = tpu.memref_squeeze %dma_start3A_130 : memref<1x125xi32, #tpu.memory_space<vmem>> -> memref<125xi32, #tpu.memory_space<vmem>>
      %dma_start3A_132 = arith.constant 0 : i32
      %dma_start3A_133 = arith.constant 0 : i32
      %dma_start3A_134 = tpu.memref_slice %arg10[%dma_start3A_132, %dma_start3A_133] : memref<10240x128xf32, #tpu.memory_space<vmem_shared>> -> memref<10240x128xf32, #tpu.memory_space<vmem_shared>>
      tpu.enqueue_indirect_dma source(%dma_start3A_128 : memref<125x128xf32, #tpu.memory_space<vmem>>) target(%dma_start3A_134 : memref<10240x128xf32, #tpu.memory_space<vmem_shared>>) offsets(%dma_start3A_131 : memref<125xi32, #tpu.memory_space<vmem>>) semaphore(%arg14 : memref<!tpu.dma_semaphore, #tpu.memory_space<semaphore_mem>>) {add = true}
    }
    %scan3A_66 = arith.constant 20 : i32
    %dma_wait3A_67 = arith.constant 39 : i32
    %dma_wait3A_68 = arith.constant 0 : i32
    %dma_wait3A_69 = arith.constant 0 : i32
    %dma_wait3A_70 = tpu.memref_slice %arg9[%dma_wait3A_68, %dma_wait3A_69] : memref<128x128xf32, #tpu.memory_space<vmem>> -> memref<125x128xf32, #tpu.memory_space<vmem>>
    %dma_wait3A_71 = arith.constant 0 : i32
    %dma_wait3A_72 = tpu.memref_slice %arg7[%dma_wait3A_67, %dma_wait3A_71] : memref<40x125xi32, #tpu.memory_space<vmem>> -> memref<1x125xi32, #tpu.memory_space<vmem>>
    %dma_wait3A_73 = tpu.memref_squeeze %dma_wait3A_72 : memref<1x125xi32, #tpu.memory_space<vmem>> -> memref<125xi32, #tpu.memory_space<vmem>>
    %dma_wait3A_74 = arith.constant 0 : i32
    %dma_wait3A_75 = arith.constant 0 : i32
    %dma_wait3A_76 = tpu.memref_slice %arg10[%dma_wait3A_74, %dma_wait3A_75] : memref<10240x128xf32, #tpu.memory_space<vmem_shared>> -> memref<10240x128xf32, #tpu.memory_space<vmem_shared>>
    tpu.wait_indirect_dma semaphore(%arg14 : memref<!tpu.dma_semaphore, #tpu.memory_space<semaphore_mem>>) src(%dma_wait3A_70 : memref<125x128xf32, #tpu.memory_space<vmem>>) dst(%dma_wait3A_76 : memref<10240x128xf32, #tpu.memory_space<vmem_shared>>)
    %barrier3A_77 = arith.constant 0 : index
    tpu.barrier barrier_id(%barrier3A_77)
    %mul3A_78 = arith.constant 640 : i32
    %mul3A_79 = arith.muli %arg1, %mul3A_78 : i32
    %mul3A_80 = arith.constant 640 : i32
    %mul3A_81 = arith.muli %arg1, %mul3A_80 : i32
    "tpu.region"() ({
      %run_scoped3A = tpu.sem_alloc : memref<!tpu.dma_semaphore, #tpu.memory_space<semaphore_mem>>
      %dma_start3A_82 = arith.constant 0 : i32
      %dma_start3A_83 = tpu.memref_slice %arg5[%arg0, %mul3A_81, %dma_start3A_82] : memref<2x10240x128xf32, #tpu.memory_space<hbm>> -> memref<1x640x128xf32, #tpu.memory_space<hbm>>
      %dma_start3A_84 = tpu.memref_squeeze %dma_start3A_83 : memref<1x640x128xf32, #tpu.memory_space<hbm>> -> memref<640x128xf32, #tpu.memory_space<hbm>>
      %dma_start3A_85 = arith.constant 0 : i32
      %dma_start3A_86 = tpu.memref_slice %arg10[%mul3A_79, %dma_start3A_85] : memref<10240x128xf32, #tpu.memory_space<vmem_shared>> -> memref<640x128xf32, #tpu.memory_space<vmem_shared>>
      tpu.enqueue_dma source(%dma_start3A_86 : memref<640x128xf32, #tpu.memory_space<vmem_shared>>) target(%dma_start3A_84 : memref<640x128xf32, #tpu.memory_space<hbm>>) target_semaphore(%run_scoped3A : memref<!tpu.dma_semaphore, #tpu.memory_space<semaphore_mem>>)
      %dma_wait3A_87 = arith.constant 0 : i32
      %dma_wait3A_88 = tpu.memref_slice %arg5[%arg0, %mul3A_81, %dma_wait3A_87] : memref<2x10240x128xf32, #tpu.memory_space<hbm>> -> memref<1x640x128xf32, #tpu.memory_space<hbm>>
      %dma_wait3A_89 = tpu.memref_squeeze %dma_wait3A_88 : memref<1x640x128xf32, #tpu.memory_space<hbm>> -> memref<640x128xf32, #tpu.memory_space<hbm>>
      %dma_wait3A_90 = arith.constant 0 : i32
      %dma_wait3A_91 = tpu.memref_slice %arg10[%mul3A_79, %dma_wait3A_90] : memref<10240x128xf32, #tpu.memory_space<vmem_shared>> -> memref<640x128xf32, #tpu.memory_space<vmem_shared>>
      tpu.wait_dma2 semaphore(%run_scoped3A : memref<!tpu.dma_semaphore, #tpu.memory_space<semaphore_mem>>) src(%dma_wait3A_91 : memref<640x128xf32, #tpu.memory_space<vmem_shared>>) dst(%dma_wait3A_89 : memref<640x128xf32, #tpu.memory_space<hbm>>)
      tpu.yield
    }) : () -> ()
    return
  }
}

module attributes {stable_mosaic.version = 14 : i64} {
  func.func @_norm_body(%arg0: i32, %arg1: memref<32x2560xf32, #tpu.memory_space<vmem>>, %arg2: memref<32x2560xf32, #tpu.memory_space<vmem>>, %arg3: memref<2560x128xf32, #tpu.memory_space<vmem>>, %arg4: memref<2560x1xf32, #tpu.memory_space<vmem>>, %arg5: memref<2560x1xf32, #tpu.memory_space<vmem>>, %arg6: memref<2560x128xf32, #tpu.memory_space<vmem>>) attributes {dimension_semantics = [#tpu.dimension_semantics<arbitrary>], iteration_bounds = array<i64: 4>, scalar_prefetch = 0 : i64, scratch_operands = 0 : i64, tpu.core_type = #tpu.core_type<tc>, window_params = [{transform_indices = @transform_0, window_bounds = array<i64: 32, 2560>}, {transform_indices = @transform_1, window_bounds = array<i64: 32, 2560>}, {transform_indices = @transform_2, window_bounds = array<i64: 2560, 128>}, {transform_indices = @transform_3, window_bounds = array<i64: 2560, 1>}, {transform_indices = @transform_4, window_bounds = array<i64: 2560, 1>}, {transform_indices = @transform_5, window_bounds = array<i64: 2560, 128>}]} {
    %broadcast_in_dim3A = arith.constant 1.000000e+00 : f32
    %broadcast_in_dim3A_0 = vector.broadcast %broadcast_in_dim3A : f32 to vector<32x1xf32>
    %get3A = arith.constant 0 : index
    %get3A_1 = arith.constant 0 : index
    %get3A_2 = vector.load %arg1[%get3A, %get3A_1] : memref<32x2560xf32, #tpu.memory_space<vmem>>, vector<32x2560xf32>
    %dot_general3A = arith.constant dense<0.000000e+00> : vector<2560x1xf32>
    %dot_general3A_3 = tpu.matmul %get3A_2, %broadcast_in_dim3A_0, %dot_general3A {dimension_numbers = #tpu.dot_dimension_numbers<[0], [0], [1], [1], [0, 1, 1, 1], [], []>, transpose_lhs_hint = false} : vector<32x2560xf32>, vector<32x1xf32>, vector<2560x1xf32> -> vector<2560x1xf32>
    %get3A_4 = arith.constant 0 : index
    %get3A_5 = arith.constant 0 : index
    %get3A_6 = vector.load %arg2[%get3A_4, %get3A_5] : memref<32x2560xf32, #tpu.memory_space<vmem>>, vector<32x2560xf32>
    %dot_general3A_7 = arith.constant dense<0.000000e+00> : vector<2560x1xf32>
    %dot_general3A_8 = tpu.matmul %get3A_6, %broadcast_in_dim3A_0, %dot_general3A_7 {dimension_numbers = #tpu.dot_dimension_numbers<[0], [0], [1], [1], [0, 1, 1, 1], [], []>, transpose_lhs_hint = false} : vector<32x2560xf32>, vector<32x1xf32>, vector<2560x1xf32> -> vector<2560x1xf32>
    %max3A = arith.constant 1.000000e+00 : f32
    %max3A_9 = vector.broadcast %max3A : f32 to vector<2560x1xf32>
    %max3A_10 = arith.maximumf %dot_general3A_3, %max3A_9 : vector<2560x1xf32>
    %rsqrt3A = math.rsqrt %max3A_10 : vector<2560x1xf32>
    %max3A_11 = arith.constant 1.000000e+00 : f32
    %max3A_12 = vector.broadcast %max3A_11 : f32 to vector<2560x1xf32>
    %max3A_13 = arith.maximumf %dot_general3A_8, %max3A_12 : vector<2560x1xf32>
    %rsqrt3A_14 = math.rsqrt %max3A_13 : vector<2560x1xf32>
    %swap3A = arith.constant 0 : index
    %swap3A_15 = arith.constant 0 : index
    %swap3A_16 = vector.load %arg4[%swap3A, %swap3A_15] : memref<2560x1xf32, #tpu.memory_space<vmem>>, vector<2560x1xf32>
    tpu.vector_store %arg4[%swap3A, %swap3A_15], %rsqrt3A {strides = array<i32>} : memref<2560x1xf32, #tpu.memory_space<vmem>>, vector<2560x1xf32>,
    %swap3A_17 = arith.constant 0 : index
    %swap3A_18 = arith.constant 0 : index
    %swap3A_19 = vector.load %arg5[%swap3A_17, %swap3A_18] : memref<2560x1xf32, #tpu.memory_space<vmem>>, vector<2560x1xf32>
    tpu.vector_store %arg5[%swap3A_17, %swap3A_18], %rsqrt3A_14 {strides = array<i32>} : memref<2560x1xf32, #tpu.memory_space<vmem>>, vector<2560x1xf32>,
    %get3A_20 = arith.constant 0 : index
    %get3A_21 = arith.constant 0 : index
    %get3A_22 = vector.load %arg3[%get3A_20, %get3A_21] : memref<2560x128xf32, #tpu.memory_space<vmem>>, vector<2560x128xf32>
    %mul3A = vector.broadcast %rsqrt3A : vector<2560x1xf32> to vector<2560x128xf32>
    %mul3A_23 = arith.mulf %get3A_22, %mul3A : vector<2560x128xf32>
    %swap3A_24 = arith.constant 0 : index
    %swap3A_25 = arith.constant 0 : index
    %swap3A_26 = vector.load %arg6[%swap3A_24, %swap3A_25] : memref<2560x128xf32, #tpu.memory_space<vmem>>, vector<2560x128xf32>
    tpu.vector_store %arg6[%swap3A_24, %swap3A_25], %mul3A_23 {strides = array<i32>} : memref<2560x128xf32, #tpu.memory_space<vmem>>, vector<2560x128xf32>,
    return
  }
  func.func @transform_0(%arg0: i32) -> (i32, i32) {
    %c0_i32 = arith.constant 0 : i32
    %c0_i32_0 = arith.constant 0 : i32
    return %c0_i32, %arg0 : i32, i32
  }
  func.func @transform_1(%arg0: i32) -> (i32, i32) {
    %c0_i32 = arith.constant 0 : i32
    %c0_i32_0 = arith.constant 0 : i32
    return %c0_i32, %arg0 : i32, i32
  }
  func.func @transform_2(%arg0: i32) -> (i32, i32) {
    %c0_i32 = arith.constant 0 : i32
    %c0_i32_0 = arith.constant 0 : i32
    return %arg0, %c0_i32 : i32, i32
  }
  func.func @transform_3(%arg0: i32) -> (i32, i32) {
    %c0_i32 = arith.constant 0 : i32
    %c0_i32_0 = arith.constant 0 : i32
    return %arg0, %c0_i32 : i32, i32
  }
  func.func @transform_4(%arg0: i32) -> (i32, i32) {
    %c0_i32 = arith.constant 0 : i32
    %c0_i32_0 = arith.constant 0 : i32
    return %arg0, %c0_i32 : i32, i32
  }
  func.func @transform_5(%arg0: i32) -> (i32, i32) {
    %c0_i32 = arith.constant 0 : i32
    %c0_i32_0 = arith.constant 0 : i32
    return %arg0, %c0_i32 : i32, i32
  }
}

module attributes {stable_mosaic.version = 14 : i64} {
  func.func @_layer_body(%arg0: i32, %arg1: memref<1x2560x128xf32, #tpu.memory_space<vmem>>, %arg2: memref<1x2560x128xf32, #tpu.memory_space<vmem>>, %arg3: memref<2560x1xf32, #tpu.memory_space<vmem>>, %arg4: memref<2560x1xf32, #tpu.memory_space<vmem>>, %arg5: memref<128x128xf32, #tpu.memory_space<vmem>>, %arg6: memref<1x128xf32, #tpu.memory_space<vmem>>, %arg7: memref<2560x128xf32, #tpu.memory_space<vmem>>) attributes {dimension_semantics = [#tpu.dimension_semantics<arbitrary>], iteration_bounds = array<i64: 4>, scalar_prefetch = 0 : i64, scratch_operands = 0 : i64, tpu.core_type = #tpu.core_type<tc>, window_params = [{transform_indices = @transform_0, window_bounds = array<i64: 1, 2560, 128>}, {transform_indices = @transform_1, window_bounds = array<i64: 1, 2560, 128>}, {transform_indices = @transform_2, window_bounds = array<i64: 2560, 1>}, {transform_indices = @transform_3, window_bounds = array<i64: 2560, 1>}, {pipeline_mode = #tpu.pipeline_mode<synchronous>, transform_indices = @transform_4, window_bounds = array<i64: 128, 128>}, {pipeline_mode = #tpu.pipeline_mode<synchronous>, transform_indices = @transform_5, window_bounds = array<i64: 1, 128>}, {transform_indices = @transform_6, window_bounds = array<i64: 2560, 128>}]} {
    %get3A = arith.constant 0 : index
    %get3A_0 = arith.constant 0 : index
    %get3A_1 = arith.constant 0 : index
    %get3A_2 = vector.load %arg1[%get3A, %get3A_0, %get3A_1] : memref<1x2560x128xf32, #tpu.memory_space<vmem>>, vector<1x2560x128xf32>
    %get3A_3 = vector.shape_cast %get3A_2 : vector<1x2560x128xf32> to vector<2560x128xf32>
    %get3A_4 = arith.constant 0 : index
    %get3A_5 = arith.constant 0 : index
    %get3A_6 = arith.constant 0 : index
    %get3A_7 = vector.load %arg2[%get3A_4, %get3A_5, %get3A_6] : memref<1x2560x128xf32, #tpu.memory_space<vmem>>, vector<1x2560x128xf32>
    %get3A_8 = vector.shape_cast %get3A_7 : vector<1x2560x128xf32> to vector<2560x128xf32>
    %add3A = arith.addf %get3A_3, %get3A_8 : vector<2560x128xf32>
    %get3A_9 = arith.constant 0 : index
    %get3A_10 = arith.constant 0 : index
    %get3A_11 = vector.load %arg3[%get3A_9, %get3A_10] : memref<2560x1xf32, #tpu.memory_space<vmem>>, vector<2560x1xf32>
    %mul3A = vector.broadcast %get3A_11 : vector<2560x1xf32> to vector<2560x128xf32>
    %mul3A_12 = arith.mulf %add3A, %mul3A : vector<2560x128xf32>
    %get3A_13 = arith.constant 0 : index
    %get3A_14 = arith.constant 0 : index
    %get3A_15 = vector.load %arg5[%get3A_13, %get3A_14] : memref<128x128xf32, #tpu.memory_space<vmem>>, vector<128x128xf32>
    %dot_general3A = arith.constant dense<0.000000e+00> : vector<2560x128xf32>
    %dot_general3A_16 = tpu.matmul %mul3A_12, %get3A_15, %dot_general3A {dimension_numbers = #tpu.dot_dimension_numbers<[1], [0], [0], [1], [0, 0, 1, 1], [], []>, transpose_lhs_hint = false} : vector<2560x128xf32>, vector<128x128xf32>, vector<2560x128xf32> -> vector<2560x128xf32>
    %get3A_17 = arith.constant 0 : index
    %get3A_18 = arith.constant 0 : index
    %get3A_19 = vector.load %arg6[%get3A_17, %get3A_18] : memref<1x128xf32, #tpu.memory_space<vmem>>, vector<1x128xf32>
    %add3A_20 = vector.broadcast %get3A_19 : vector<1x128xf32> to vector<2560x128xf32>
    %add3A_21 = arith.addf %dot_general3A_16, %add3A_20 : vector<2560x128xf32>
    %max3A = arith.constant 0.000000e+00 : f32
    %max3A_22 = vector.broadcast %max3A : f32 to vector<2560x128xf32>
    %max3A_23 = arith.maximumf %add3A_21, %max3A_22 : vector<2560x128xf32>
    %get3A_24 = arith.constant 0 : index
    %get3A_25 = arith.constant 0 : index
    %get3A_26 = vector.load %arg4[%get3A_24, %get3A_25] : memref<2560x1xf32, #tpu.memory_space<vmem>>, vector<2560x1xf32>
    %mul3A_27 = vector.broadcast %get3A_26 : vector<2560x1xf32> to vector<2560x128xf32>
    %mul3A_28 = arith.mulf %max3A_23, %mul3A_27 : vector<2560x128xf32>
    %swap3A = arith.constant 0 : index
    %swap3A_29 = arith.constant 0 : index
    %swap3A_30 = vector.load %arg7[%swap3A, %swap3A_29] : memref<2560x128xf32, #tpu.memory_space<vmem>>, vector<2560x128xf32>
    tpu.vector_store %arg7[%swap3A, %swap3A_29], %mul3A_28 {strides = array<i32>} : memref<2560x128xf32, #tpu.memory_space<vmem>>, vector<2560x128xf32>,
    return
  }
  func.func @transform_0(%arg0: i32) -> (i32, i32, i32) {
    %c0_i32 = arith.constant 0 : i32
    %c0_i32_0 = arith.constant 0 : i32
    %c0_i32_1 = arith.constant 0 : i32
    return %c0_i32, %arg0, %c0_i32_0 : i32, i32, i32
  }
  func.func @transform_1(%arg0: i32) -> (i32, i32, i32) {
    %c1_i32 = arith.constant 1 : i32
    %c0_i32 = arith.constant 0 : i32
    %c0_i32_0 = arith.constant 0 : i32
    return %c1_i32, %arg0, %c0_i32 : i32, i32, i32
  }
  func.func @transform_2(%arg0: i32) -> (i32, i32) {
    %c0_i32 = arith.constant 0 : i32
    %c0_i32_0 = arith.constant 0 : i32
    return %arg0, %c0_i32 : i32, i32
  }
  func.func @transform_3(%arg0: i32) -> (i32, i32) {
    %c0_i32 = arith.constant 0 : i32
    %c0_i32_0 = arith.constant 0 : i32
    return %arg0, %c0_i32 : i32, i32
  }
  func.func @transform_4(%arg0: i32) -> (i32, i32) {
    %c0_i32 = arith.constant 0 : i32
    %c0_i32_0 = arith.constant 0 : i32
    %c0_i32_1 = arith.constant 0 : i32
    return %c0_i32, %c0_i32_0 : i32, i32
  }
  func.func @transform_5(%arg0: i32) -> (i32, i32) {
    %c0_i32 = arith.constant 0 : i32
    %c0_i32_0 = arith.constant 0 : i32
    %c0_i32_1 = arith.constant 0 : i32
    return %c0_i32, %c0_i32_0 : i32, i32
  }
  func.func @transform_6(%arg0: i32) -> (i32, i32) {
    %c0_i32 = arith.constant 0 : i32
    %c0_i32_0 = arith.constant 0 : i32
    return %arg0, %c0_i32 : i32, i32
  }
}

module attributes {stable_mosaic.version = 14 : i64} {
  func.func @_head_body(%arg0: i32, %arg1: memref<1x2560x128xf32, #tpu.memory_space<vmem>>, %arg2: memref<1x2560x128xf32, #tpu.memory_space<vmem>>, %arg3: memref<2560x1xf32, #tpu.memory_space<vmem>>, %arg4: memref<128x128xf32, #tpu.memory_space<vmem>>, %arg5: memref<1x128xf32, #tpu.memory_space<vmem>>, %arg6: memref<128x50xf32, #tpu.memory_space<vmem>>, %arg7: memref<1x50xf32, #tpu.memory_space<vmem>>, %arg8: memref<1x50xf32, #tpu.memory_space<vmem>>, %arg9: memref<1x128xf32, #tpu.memory_space<vmem>>) attributes {dimension_semantics = [#tpu.dimension_semantics<arbitrary>], iteration_bounds = array<i64: 4>, scalar_prefetch = 0 : i64, scratch_operands = 1 : i64, tpu.core_type = #tpu.core_type<tc>, window_params = [{transform_indices = @transform_0, window_bounds = array<i64: 1, 2560, 128>}, {transform_indices = @transform_1, window_bounds = array<i64: 1, 2560, 128>}, {transform_indices = @transform_2, window_bounds = array<i64: 2560, 1>}, {pipeline_mode = #tpu.pipeline_mode<synchronous>, transform_indices = @transform_3, window_bounds = array<i64: 128, 128>}, {pipeline_mode = #tpu.pipeline_mode<synchronous>, transform_indices = @transform_4, window_bounds = array<i64: 1, 128>}, {pipeline_mode = #tpu.pipeline_mode<synchronous>, transform_indices = @transform_5, window_bounds = array<i64: 128, 50>}, {pipeline_mode = #tpu.pipeline_mode<synchronous>, transform_indices = @transform_6, window_bounds = array<i64: 1, 50>}, {pipeline_mode = #tpu.pipeline_mode<synchronous>, transform_indices = @transform_7, window_bounds = array<i64: 1, 50>}]} {
    %get3A = arith.constant 0 : index
    %get3A_0 = arith.constant 0 : index
    %get3A_1 = arith.constant 0 : index
    %get3A_2 = vector.load %arg1[%get3A, %get3A_0, %get3A_1] : memref<1x2560x128xf32, #tpu.memory_space<vmem>>, vector<1x2560x128xf32>
    %get3A_3 = vector.shape_cast %get3A_2 : vector<1x2560x128xf32> to vector<2560x128xf32>
    %get3A_4 = arith.constant 0 : index
    %get3A_5 = arith.constant 0 : index
    %get3A_6 = arith.constant 0 : index
    %get3A_7 = vector.load %arg2[%get3A_4, %get3A_5, %get3A_6] : memref<1x2560x128xf32, #tpu.memory_space<vmem>>, vector<1x2560x128xf32>
    %get3A_8 = vector.shape_cast %get3A_7 : vector<1x2560x128xf32> to vector<2560x128xf32>
    %add3A = arith.addf %get3A_3, %get3A_8 : vector<2560x128xf32>
    %get3A_9 = arith.constant 0 : index
    %get3A_10 = arith.constant 0 : index
    %get3A_11 = vector.load %arg3[%get3A_9, %get3A_10] : memref<2560x1xf32, #tpu.memory_space<vmem>>, vector<2560x1xf32>
    %mul3A = vector.broadcast %get3A_11 : vector<2560x1xf32> to vector<2560x128xf32>
    %mul3A_12 = arith.mulf %add3A, %mul3A : vector<2560x128xf32>
    %get3A_13 = arith.constant 0 : index
    %get3A_14 = arith.constant 0 : index
    %get3A_15 = vector.load %arg4[%get3A_13, %get3A_14] : memref<128x128xf32, #tpu.memory_space<vmem>>, vector<128x128xf32>
    %dot_general3A = arith.constant dense<0.000000e+00> : vector<2560x128xf32>
    %dot_general3A_16 = tpu.matmul %mul3A_12, %get3A_15, %dot_general3A {dimension_numbers = #tpu.dot_dimension_numbers<[1], [0], [0], [1], [0, 0, 1, 1], [], []>, transpose_lhs_hint = false} : vector<2560x128xf32>, vector<128x128xf32>, vector<2560x128xf32> -> vector<2560x128xf32>
    %get3A_17 = arith.constant 0 : index
    %get3A_18 = arith.constant 0 : index
    %get3A_19 = vector.load %arg5[%get3A_17, %get3A_18] : memref<1x128xf32, #tpu.memory_space<vmem>>, vector<1x128xf32>
    %add3A_20 = vector.broadcast %get3A_19 : vector<1x128xf32> to vector<2560x128xf32>
    %add3A_21 = arith.addf %dot_general3A_16, %add3A_20 : vector<2560x128xf32>
    %max3A = arith.constant 0.000000e+00 : f32
    %max3A_22 = vector.broadcast %max3A : f32 to vector<2560x128xf32>
    %max3A_23 = arith.maximumf %add3A_21, %max3A_22 : vector<2560x128xf32>
    %iota3A = tpu.iota {dimensions = array<i32: 0>} : vector<2560x1xi32>
    %mul3A_24 = arith.constant 2560 : i32
    %mul3A_25 = arith.muli %arg0, %mul3A_24 : i32
    %add3A_26 = vector.broadcast %mul3A_25 : i32 to vector<2560x1xi32>
    %add3A_27 = arith.addi %iota3A, %add3A_26 : vector<2560x1xi32>
    %lt3A = arith.constant 10000 : i32
    %lt3A_28 = vector.broadcast %lt3A : i32 to vector<2560x1xi32>
    %lt3A_29 = arith.cmpi slt, %add3A_27, %lt3A_28 : vector<2560x1xi32>
    %jit3A = arith.constant 0.000000e+00 : f32
    %broadcast_in_dim3A = vector.shape_cast %lt3A_29 : vector<2560x1xi1> to vector<2560x1xi1>
    %broadcast_in_dim3A_30 = vector.broadcast %broadcast_in_dim3A : vector<2560x1xi1> to vector<2560x128xi1>
    %broadcast_in_dim3A_31 = vector.broadcast %jit3A : f32 to vector<2560x128xf32>
    %select_n3A = arith.select %broadcast_in_dim3A_30, %max3A_23, %broadcast_in_dim3A_31 : vector<2560x128xi1>, vector<2560x128xf32>
    %reduce_sum3A = arith.constant dense<0.000000e+00> : vector<128xf32>
    %reduce_sum3A_32 = vector.multi_reduction <add>, %select_n3A, %reduce_sum3A [0] : vector<2560x128xf32> to vector<128xf32>
    %broadcast_in_dim3A_33 = vector.shape_cast %reduce_sum3A_32 : vector<128xf32> to vector<1x128xf32>
    %eq3A = arith.constant 0 : i32
    %eq3A_34 = arith.cmpi eq, %arg0, %eq3A : i32
    %convert_element_type3A = arith.extui %eq3A_34 : i1 to i32
    %cond3A = arith.constant 0 : i32
    %cond3A_35 = arith.cmpi ne, %convert_element_type3A, %cond3A : i32
    scf.if %cond3A_35 {
      %swap3A = arith.constant 0 : index
      %swap3A_45 = arith.constant 0 : index
      %swap3A_46 = vector.load %arg9[%swap3A, %swap3A_45] : memref<1x128xf32, #tpu.memory_space<vmem>>, vector<1x128xf32>
      tpu.vector_store %arg9[%swap3A, %swap3A_45], %broadcast_in_dim3A_33 {strides = array<i32>} : memref<1x128xf32, #tpu.memory_space<vmem>>, vector<1x128xf32>,
    } else {
    }
    %gt3A = arith.constant 0 : i32
    %gt3A_36 = arith.cmpi sgt, %arg0, %gt3A : i32
    %convert_element_type3A_37 = arith.extui %gt3A_36 : i1 to i32
    %cond3A_38 = arith.constant 0 : i32
    %cond3A_39 = arith.cmpi ne, %convert_element_type3A_37, %cond3A_38 : i32
    scf.if %cond3A_39 {
      %get3A_45 = arith.constant 0 : index
      %get3A_46 = arith.constant 0 : index
      %get3A_47 = vector.load %arg9[%get3A_45, %get3A_46] : memref<1x128xf32, #tpu.memory_space<vmem>>, vector<1x128xf32>
      %add3A_48 = arith.addf %get3A_47, %broadcast_in_dim3A_33 : vector<1x128xf32>
      %swap3A = arith.constant 0 : index
      %swap3A_49 = arith.constant 0 : index
      %swap3A_50 = vector.load %arg9[%swap3A, %swap3A_49] : memref<1x128xf32, #tpu.memory_space<vmem>>, vector<1x128xf32>
      tpu.vector_store %arg9[%swap3A, %swap3A_49], %add3A_48 {strides = array<i32>} : memref<1x128xf32, #tpu.memory_space<vmem>>, vector<1x128xf32>,
    } else {
    }
    %eq3A_40 = arith.constant 3 : i32
    %eq3A_41 = arith.cmpi eq, %arg0, %eq3A_40 : i32
    %convert_element_type3A_42 = arith.extui %eq3A_41 : i1 to i32
    %cond3A_43 = arith.constant 0 : i32
    %cond3A_44 = arith.cmpi ne, %convert_element_type3A_42, %cond3A_43 : i32
    scf.if %cond3A_44 {
      %get3A_45 = arith.constant 0 : index
      %get3A_46 = arith.constant 0 : index
      %get3A_47 = vector.load %arg9[%get3A_45, %get3A_46] : memref<1x128xf32, #tpu.memory_space<vmem>>, vector<1x128xf32>
      %mul3A_48 = arith.constant 9.99999974E-5 : f32
      %mul3A_49 = vector.broadcast %mul3A_48 : f32 to vector<1x128xf32>
      %mul3A_50 = arith.mulf %get3A_47, %mul3A_49 : vector<1x128xf32>
      %get3A_51 = arith.constant 0 : index
      %get3A_52 = arith.constant 0 : index
      %get3A_53 = vector.load %arg6[%get3A_51, %get3A_52] : memref<128x50xf32, #tpu.memory_space<vmem>>, vector<128x50xf32>
      %dot_general3A_54 = arith.constant dense<0.000000e+00> : vector<1x50xf32>
      %dot_general3A_55 = tpu.matmul %mul3A_50, %get3A_53, %dot_general3A_54 {dimension_numbers = #tpu.dot_dimension_numbers<[1], [0], [0], [1], [0, 0, 1, 1], [], []>, transpose_lhs_hint = false} : vector<1x128xf32>, vector<128x50xf32>, vector<1x50xf32> -> vector<1x50xf32>
      %get3A_56 = arith.constant 0 : index
      %get3A_57 = arith.constant 0 : index
      %get3A_58 = vector.load %arg7[%get3A_56, %get3A_57] : memref<1x50xf32, #tpu.memory_space<vmem>>, vector<1x50xf32>
      %add3A_59 = arith.addf %dot_general3A_55, %get3A_58 : vector<1x50xf32>
      %swap3A = arith.constant 0 : index
      %swap3A_60 = arith.constant 0 : index
      %swap3A_61 = vector.load %arg8[%swap3A, %swap3A_60] : memref<1x50xf32, #tpu.memory_space<vmem>>, vector<1x50xf32>
      tpu.vector_store %arg8[%swap3A, %swap3A_60], %add3A_59 {strides = array<i32>} : memref<1x50xf32, #tpu.memory_space<vmem>>, vector<1x50xf32>,
    } else {
    }
    return
  }
  func.func @transform_0(%arg0: i32) -> (i32, i32, i32) {
    %c0_i32 = arith.constant 0 : i32
    %c0_i32_0 = arith.constant 0 : i32
    %c0_i32_1 = arith.constant 0 : i32
    return %c0_i32, %arg0, %c0_i32_0 : i32, i32, i32
  }
  func.func @transform_1(%arg0: i32) -> (i32, i32, i32) {
    %c1_i32 = arith.constant 1 : i32
    %c0_i32 = arith.constant 0 : i32
    %c0_i32_0 = arith.constant 0 : i32
    return %c1_i32, %arg0, %c0_i32 : i32, i32, i32
  }
  func.func @transform_2(%arg0: i32) -> (i32, i32) {
    %c0_i32 = arith.constant 0 : i32
    %c0_i32_0 = arith.constant 0 : i32
    return %arg0, %c0_i32 : i32, i32
  }
  func.func @transform_3(%arg0: i32) -> (i32, i32) {
    %c0_i32 = arith.constant 0 : i32
    %c0_i32_0 = arith.constant 0 : i32
    %c0_i32_1 = arith.constant 0 : i32
    return %c0_i32, %c0_i32_0 : i32, i32
  }
  func.func @transform_4(%arg0: i32) -> (i32, i32) {
    %c0_i32 = arith.constant 0 : i32
    %c0_i32_0 = arith.constant 0 : i32
    %c0_i32_1 = arith.constant 0 : i32
    return %c0_i32, %c0_i32_0 : i32, i32
  }
  func.func @transform_5(%arg0: i32) -> (i32, i32) {
    %c0_i32 = arith.constant 0 : i32
    %c0_i32_0 = arith.constant 0 : i32
    %c0_i32_1 = arith.constant 0 : i32
    return %c0_i32, %c0_i32_0 : i32, i32
  }
  func.func @transform_6(%arg0: i32) -> (i32, i32) {
    %c0_i32 = arith.constant 0 : i32
    %c0_i32_0 = arith.constant 0 : i32
    %c0_i32_1 = arith.constant 0 : i32
    return %c0_i32, %c0_i32_0 : i32, i32
  }
  func.func @transform_7(%arg0: i32) -> (i32, i32) {
    %c0_i32 = arith.constant 0 : i32
    %c0_i32_0 = arith.constant 0 : i32
    %c0_i32_1 = arith.constant 0 : i32
    return %c0_i32, %c0_i32_0 : i32, i32
  }
}

</mosaic_0001>

<sc_bundles>
// kernel: kernel.10.cloned.1.call-start
scs
__scs_entry_jumppad:
0x0: {  	(pc) =	sbr.rel $0x88, $3  }
0x1: {  	(tag) =	ssettag $0x0;
	lr =	simm.s32 $0x1  }
0x2: {  	[smem:$0x3F97] =	sst lr;
	_ =	strace $0xD0000000  }
0x3: {  	_ = 	snop  }
0x4: {  	_ = 	snop  }
0x5: {  	_ = 	snop  }
0x6: {  	_ = 	snop  }
0x7: {  	_ = 	snop  }
__scs_overlays_trampoline_lowered:
0x8: {  	[smem:$0x3FA6] =	sst s0  }
0x9: {  	[smem:$0x3FA7] =	sst s1  }
0xa: {  	[smem:$0x3FA8] =	sst s2  }
0xb: {  	[smem:$0x3FA9] =	sst s3  }
0xc: {  	[smem:$0x3FAA] =	sst s4  }
0xd: {  	[smem:$0x3FAB] =	sst s5  }
0xe: {  	[smem:$0x3FAC] =	sst s6  }
0xf: {  	[smem:$0x3FAD] =	sst s7  }
0x10: {  	[smem:$0x3FAE] =	sst s8  }
0x11: {  	[smem:$0x3FAF] =	sst s9;
	s0 =	simm.s32 @!p0 $0x0  }
0x12: {  	s1 =	sld [smem:$0x3F95];
	s0 =	simm.s32 @p0 $0x1  }
0x13: {  	[smem:$0x3FB0] =	sst s0;
	s0 =	simm.s32 @!p1 $0x0  }
0x14: {  	s2 =	sld [smem:$0x3F94];
	s0 =	simm.s32 @p1 $0x1  }
0x15: {  	[smem:$0x3FB1] =	sst s0;
	s0 =	simm.s32 @!p2 $0x0  }
0x16: {  	s3 =	sld [smem:$0x3FDB];
	s0 =	simm.s32 @p2 $0x1  }
0x17: {  	s4 =	simm.s32 $0x1BF5;
	[smem:$0x3FB3] =	sst s0  }
0x18: {  	s0 =	sld [smem:$0x3F96];
	_ =	swait.ge [sflag:s4], $0x0  }
0x19: {  	s7 =	sld [smem:$0x3F97]  }
0x1a: {  	s8 =	sadd.s32 $0xFFFFE003, lr  }
0x1b: {  	s9 =	sadd.s32 $0xFFFFFEF7, lr;
	s5 =	simm.s32 $0xFFFFFFFF;
	p2 =	slt.u32 s8, $0xFFFFF086  }
0x1c: {  	p1 =	slt.u32 s9, $0xF7A;
	s5 =	simm.s32 @!p2 $0x0  }
0x1d: {  	s5 =	simm.s32 @p1 $0x1;
	p0 =	seq.s32 s7, s2  }
0x1e: {  	s7 =	smul.u32 @!p0 $0xF7A, s2;
	p2 =	seq.s32 @!p0 s5, $0x0  }
0x1f: {  	s9 =	smul.u32 $0xF7A, s1;
	s8 =	simm.s32 @!p0 $0x1BF5;
	p2 =	por !p2, p0  }
0x20: {  	[sflag:s8] =	ssyncset.s32 @!p0 $0xFFFFF086;
	s6 =	sadd.s32 @!p0 s3, s7;
	s7 =	simm.s32 @!p0 $0x108  }
0x21: {  	s3 =	sadd.s32 s3, s9;
	s6 =	sadd.s32 @!p0 $0x88, s6;
	s7 =	simm.s32 @p2 $0x1082  }
0x22: {  	[simem:s7], [sflag:s8] =	dma.local @!p0 [hbm:s6], $0xF7A  }
0x23: {  	s9 =	sor.u32 $0xD0000000, s2;
	s6 =	simm.s32 $0x108;
	_ =	swait.ge @!p0 [sflag:s8], $0x0  }
0x24: {  	s3 =	sadd.s32 $0x88, s3;
	s6 =	simm.s32 @!p1 $0x1082;
	[sflag:s4] =	ssyncset.s32 $0xFFFFF086  }
0x25: {  	[simem:s6], [sflag:s4] =	dma.local [hbm:s3], $0xF7A  }
0x26: {  	[smem:$0x3F97] =	sst s1;
	(tag) =	ssettag s2;
	_ =	strace s9  }
0x27: {  	s1 =	sld [smem:$0x3FA7]  }
0x28: {  	s2 =	sld [smem:$0x3FA8]  }
0x29: {  	s4 =	sld [smem:$0x3FAA]  }
0x2a: {  	p0 =	seq.s32 s5, $0x0;
	s5 =	sld [smem:$0x3FAB]  }
0x2b: {  	s6 =	sld [smem:$0x3FAC]  }
0x2c: {  	s7 =	sld [smem:$0x3FAD]  }
0x2d: {  	s3 =	simm.s32 $0x108;
	s8 =	sld [smem:$0x3FAE]  }
0x2e: {  	s3 =	simm.s32 @!p0 $0x1082;
	s9 =	sld [smem:$0x3FAF]  }
0x2f: {  	lr =	sadd.s32 s0, s3;
	s0 =	sld [smem:$0x3FA6]  }
0x30: {  	s3 =	sld [smem:$0x3FA9]  }
0x31: {  	[smem:$0x3FB2] =	sst s10  }
0x32: {  	s10 =	sld [smem:$0x3FB0];
	_ =	sdelay $0x3  }
0x33: {  	p0 =	seq.s32 s10, $0x1;
	s10 =	sld [smem:$0x3FB2];
	_ =	sdelay $0x3  }
0x34: {  	[smem:$0x3FB2] =	sst s10  }
0x35: {  	s10 =	sld [smem:$0x3FB1];
	_ =	sdelay $0x3  }
0x36: {  	p1 =	seq.s32 s10, $0x1;
	s10 =	sld [smem:$0x3FB2];
	_ =	sdelay $0x3  }
0x37: {  	[smem:$0x3FB2] =	sst s10  }
0x38: {  	s10 =	sld [smem:$0x3FB3]  }
0x39: {  	_ = 	snop;
	(pc) =	sbr.ind lr, $3  }
0x3a: {  	_ = 	snop  }
0x3b: {  	_ = 	snop  }
0x3c: {  	p2 =	seq.s32 s10, $0x1;
	s10 =	sld [smem:$0x3FB2]  }
0x3d: {  	_ =	shalt  }
0x3e: {  	_ =	shalt  }
0x3f: {  	_ =	shalt  }
0x40: {  	_ =	shalt  }
0x41: {  	_ =	shalt  }
0x42: {  	_ =	shalt  }
0x43: {  	_ =	shalt  }
0x44: {  	_ =	shalt  }
0x45: {  	_ =	shalt  }
0x46: {  	_ =	shalt  }
0x47: {  	_ =	shalt  }
0x48: {  	_ =	shalt  }
0x49: {  	_ =	shalt  }
0x4a: {  	_ =	shalt  }
0x4b: {  	_ =	shalt  }
0x4c: {  	_ =	shalt  }
0x4d: {  	_ =	shalt  }
0x4e: {  	_ =	shalt  }
0x4f: {  	_ =	shalt  }
0x50: {  	_ =	shalt  }
0x51: {  	_ =	shalt  }
0x52: {  	_ =	shalt  }
0x53: {  	_ =	shalt  }
0x54: {  	_ =	shalt  }
0x55: {  	_ =	shalt  }
0x56: {  	_ =	shalt  }
0x57: {  	_ =	shalt  }
0x58: {  	_ =	shalt  }
0x59: {  	_ =	shalt  }
0x5a: {  	_ =	shalt  }
0x5b: {  	_ =	shalt  }
0x5c: {  	_ =	shalt  }
0x5d: {  	_ =	shalt  }
0x5e: {  	_ =	shalt  }
0x5f: {  	_ =	shalt  }
0x60: {  	_ =	shalt  }
0x61: {  	_ =	shalt  }
0x62: {  	_ =	shalt  }
0x63: {  	_ =	shalt  }
0x64: {  	_ =	shalt  }
0x65: {  	_ =	shalt  }
0x66: {  	_ =	shalt  }
0x67: {  	_ =	shalt  }
0x68: {  	_ =	shalt  }
0x69: {  	_ =	shalt  }
0x6a: {  	_ =	shalt  }
0x6b: {  	_ =	shalt  }
0x6c: {  	_ =	shalt  }
0x6d: {  	_ =	shalt  }
0x6e: {  	_ =	shalt  }
0x6f: {  	_ =	shalt  }
0x70: {  	_ =	shalt  }
0x71: {  	_ =	shalt  }
0x72: {  	_ =	shalt  }
0x73: {  	_ =	shalt  }
0x74: {  	_ =	shalt  }
0x75: {  	_ =	shalt  }
0x76: {  	_ =	shalt  }
0x77: {  	_ =	shalt  }
0x78: {  	_ =	shalt  }
0x79: {  	_ =	shalt  }
0x7a: {  	_ =	shalt  }
0x7b: {  	_ =	shalt  }
0x7c: {  	_ =	shalt  }
0x7d: {  	_ =	shalt  }
0x7e: {  	_ =	shalt  }
0x7f: {  	_ =	shalt  }
0x80: {  	_ =	shalt  }
0x81: {  	_ =	shalt  }
0x82: {  	_ =	shalt  }
0x83: {  	_ =	shalt  }
0x84: {  	_ =	shalt  }
0x85: {  	_ =	shalt  }
0x86: {  	_ =	shalt  }
0x87: {  	_ =	shalt  }
.Lfunc_end0:
.L_simem_size_0:
called_computation_lowered:
.L_overlay_start_0:
0x88: {  	s2 =	sld [smem:$0x3FD9]  }
0x89: {  	s3 =	sld [smem:$0x3FFE];
	_ =	sdelay $0x1  }
0x8a: {  	s1 =	srdreg.scid  }
0x8b: {  	s0 =	sand.u32 $0x1, s1  }
0x8c: {  	s16 =	sshll.u32 s0, $0xA;
	s2 =	sadd.s32 s3, s2  }
0x8d: {  	s2 =	sadd.s32 s2, s16  }
0x8e: {  	[smem:$0x3FBE] =	sst s2  }
0x8f: {  	_ = 	snop  }
0x90: {  	(tm) =	ssettm $0x1  }
0x91: {  	s17 =	sld [smem:$0x3FFB];
	_ =	sdelay $0x3  }
0x92: {  	_ =	strace s17  }
0x93: {  	s2 =	sld [smem:$0x3FFC];
	_ =	sdelay $0x3  }
0x94: {  	_ =	strace s2  }
0x95: {  	s2 =	sld [smem:$0x3FFD];
	_ =	sdelay $0x3  }
0x96: {  	_ =	strace s2  }
0x97: {  	_ =	strace $0x8FFFFFFF  }
0x98: {  	s18 =	sld [smem:$0x3FDB];
	_ =	sdelay $0x1  }
0x99: {  	s19 =	simm.s32 $_scs_section_size  }
0x9a: {  	s4 =	simm.s32 $_size__tile_overlayer_lowered;
	s5 =	simm.s32 $_tile_overlayer_lowered  }
0x9b: {  	s22 =	simm.s32 $0x1BFF;
	s21 =	sshll.u32 s5, $0x1;
	s2 =	sadd.s32 s19, s18  }
0x9c: {  	s6 =	simm.s32 $0x0;
	s20 =	sshll.u32 s4, $0x1;
	s4 =	sadd.s32 s21, s2  }
0x9d: {  	[timem:s6], [sflag:s22] =	dma.local [hbm:s4], s20  }
0x9e: {  	_ =	swait.ge [sflag:s22], s20  }
0x9f: {  	s3 =	ssub.s32 $0x0, s20;
	[sflag:s22] =	ssyncset.done $0x0  }
0xa0: {  	[sflag:s22] =	ssyncadd.s32 s3;
	_ =	sdelay $0x1  }
0xa1: {  	s23 =	simm.s32 $0x1B8B  }
0xa2: {  	_ =	swait.ge [sflag:s23], $0x1  }
0xa3: {  	[sflag:s23] =	ssyncset.done $0x0  }
0xa4: {  	s25 =	simm.s32 $0x1B8E;
	s24 =	sld [smem:$0x3FFE];
	[sflag:s23] =	ssyncadd.s32 $0xFFFFFFFF  }
0xa5: {  	s26 =	simm.s32 $execute0_lowered;
	[smem:$0x3FD2] =	sst s25  }
0xa6: {  	s4 =	sshll.u32 s26, $0x1;
	_ =	strace $0x80000046;
	[dreg:$0x1] =	wrdreg $0xFFFFFFFF  }
0xa7: {  	s28 =	simm.s32 $_size_execute0_lowered;
	s2 =	sadd.s32 s2, s4;
	[dreg:$0x0] =	wrdreg $0x0  }
0xa8: {  	s4 =	sshll.u32 s28, $0x1;
	[dreg:$0x2] =	wrdreg s2  }
0xa9: {  	[dreg:$0x3] =	wrdreg s4  }
0xaa: {  	[dreg:$0x4] =	wrdreg $0xC0  }
0xab: {  	_ =	task [dreg:s6], $0x5FFFF  }
0xac: {  	[dreg:$0x1] =	wrdreg $0xFFFFFFFF  }
0xad: {  	[dreg:$0x0] =	wrdreg $0x60  }
0xae: {  	[dreg:$0x2] =	wrdreg s24  }
0xaf: {  	[dreg:$0x3] =	wrdreg $0x9  }
0xb0: {  	_ =	task.clear_ibuf [dreg:s6], $0x4FFFF;
	_ =	strace $0x90000046  }
0xb1: {  	s29 =	simm.s32 $0x9;
	_ =	strace $0x80000048  }
0xb2: {  	_ =	swait.ge [sflag:s29], $0x1  }
0xb3: {  	[sflag:s29] =	ssyncadd.s32 $0xFFFFFFFF  }
0xb4: {  	_ =	strace $0x90000048  }
0xb5: {  	_ =	sfence  }
0xb6: {  	s30 =	sld [smem:$0x0];
	_ =	sdelay $0x2  }
0xb7: {  	s31 =	sshll.u32 s1, $0xD;
	s1 =	sshrl.u32 s1, $0x2  }
0xb8: {  	s3 =	sand.u32 $0x4000, s31;
	s1 =	sadd.s32 s1, s30  }
0xb9: {  	s0 =	sor.u32 s3, s0;
	s1 =	sshll.u32 s1, $0x11  }
0xba: {  	s0 =	sor.u32 s1, s0  }
0xbb: {  	s0 =	sadd.s32 $0x8F2B, s0  }
0xbc: {  	[sflag:s0] =	ssyncadd.remote.s32 $0x1  }
0xbd: {  	_ =	sfence.sel $0xFFFF  }
0xbe: {  	[dreg:$0x0] =	wrdreg $0xFFFFFFFF;
	(pc) =	sbr.abs _section_cstart, $3  }
0xbf: {  	[dreg:$0x1] =	wrdreg $0xFFFFFFFF  }
0xc0: {  	_ =	task.clear_ibuf [dreg:s6], $0x2FFFF;
	_ =	strace $0x9FFFFFFF  }
0xc1: {  	(tm) =	ssettm $0x7FFFFFFF  }
tec
execute0_lowered:
.L_overlay_start_1:
0x0: {  	(tag) =	ssettag $0x1  }
0x1: {  	s0 =	srdreg.scid;
	s4 =	rddreg [dreg:$0x0];
	s2 =	simm.s32 $0x0  }
0x2: {  	s9 =	simm.s32 $0x2780;
	s10 =	simm.s32 $0x4F00;
	s3 =	sand.u32 $0x1, s0  }
0x3: {  	s11 =	simm.s32 $0x7700;
	s0 =	stileid.u32;
	s1 =	sshll.u32 s3, $0x4  }
0x4: {  	s12 =	simm.s32 $0x0;
	s3 =	ssub.s32 $0x2, s3;
	s5 =	sor.u32 s0, s1  }
0x5: {  	[smem:$0x7FF] =	sst s2;
	s7 =	sshrl.u32 s3, $0x1;
	s6 =	smul.u32 $0x4E2, s5  }
0x6: {  	s1 =	rddreg [dreg:$0x1];
	s5 =	smul.u32 $0x500, s5;
	s7 =	ssub.s32 s3, s7  }
0x7: {  	_ =	strace $0x80000047;
	s7 =	smax.u32 s7, $0x1;
	s6 =	sadd.s32 s6, s4  }
0x8: {  	s8 =	sadd.s32 s5, s4;
	s3 =	sadd.s32 $0xD200, s6;
	s4 =	sadd.s32 $0x3400, s6  }
0x9: {  	v0 =	vimm.f32 $0.0e+00;
	v1 =	vimm.f32 $1.000000000e+00;
	s5 =	sadd.s32 $0x17000, s8;
	s6 =	sadd.s32 $0x21000, s8;
	s8 =	simm.s32 $0x1  }
.LBB2_1:
0xa: {  	[tilespmem:s2], [sflag:$0x1] =	stream.linear.gather [hbm4b:s3+s2], $0x2710, $0x38;
	[tilespmem:$0x9F00] =	vst v63  }
0xb: {  	_ =	swait.ge [sflag:s8], $0x2710  }
0xc: {  	[sflag:s8] =	ssyncset.done $0x0  }
0xd: {  	[sflag:s8] =	ssyncadd.s32 $0xFFFFD8F0  }
0xe: {  	[tilespmem:s9], [sflag:$0x1] =	stream.linear.gather [hbm4b:s4+s2], $0x2710, $0x38;
	[tilespmem:$0x9F00] =	vst v63  }
0xf: {  	_ =	swait.ge [sflag:s8], $0x2710  }
0x10: {  	[sflag:s8] =	ssyncset.done $0x0  }
0x11: {  	s13 =	simm.s32 $0x0;
	[sflag:s8] =	ssyncadd.s32 $0xFFFFD8F0  }
.LBB2_2:
0x12: {  	p0 =	sne.s32 s13, $0x9FC0  }
.Ltmp0:
0x13: {  	_ = 	snop;
	(pc) =	sbr.rel @p0 .LBB2_2-.Ltmp0, $4  }
0x14: {  	_ = 	snop  }
0x15: {  	s14 =	sshra.s32 s13, $0x2  }
0x16: {  	[tilespmem:s14+$0x4F00] =	vst v0  }
0x17: {  	s13 =	sadd.s32 $0x40, s13;
	[tilespmem:s14+$0x7700] =	vst v0  }
0x18: {  	s13 =	simm.s32 $0x0  }
.LBB2_4:
0x19: {  	s14 =	sshra.s32 s13, $0x2  }
0x1a: {  	v2 =	vld [tilespmem:s14+$0x0];
	_ =	sdelay $0x7  }
0x1b: {  	[tilespmem:v2+s10+$0x0] =	vst.idx.add.f32.msk $0xffff, v1  }
0x1c: {  	v2 =	vld [tilespmem:s14+$0x2780];
	_ =	sdelay $0x7  }
0x1d: {  	[tilespmem:v2+s11+$0x0] =	vst.idx.add.f32.msk $0xffff, v1  }
0x1e: {  	v2 =	vld [tilespmem:s14+$0x10];
	_ =	sdelay $0x7  }
0x1f: {  	[tilespmem:v2+s10+$0x0] =	vst.idx.add.f32.msk $0xffff, v1  }
0x20: {  	v2 =	vld [tilespmem:s14+$0x2790];
	_ =	sdelay $0x7  }
0x21: {  	[tilespmem:v2+s11+$0x0] =	vst.idx.add.f32.msk $0xffff, v1  }
0x22: {  	v2 =	vld [tilespmem:s14+$0x20];
	_ =	sdelay $0x7  }
0x23: {  	[tilespmem:v2+s10+$0x0] =	vst.idx.add.f32.msk $0xffff, v1  }
0x24: {  	v2 =	vld [tilespmem:s14+$0x27A0];
	_ =	sdelay $0x7  }
0x25: {  	[tilespmem:v2+s11+$0x0] =	vst.idx.add.f32.msk $0xffff, v1  }
0x26: {  	v2 =	vld [tilespmem:s14+$0x30];
	_ =	sdelay $0x7  }
0x27: {  	[tilespmem:v2+s10+$0x0] =	vst.idx.add.f32.msk $0xffff, v1  }
0x28: {  	v2 =	vld [tilespmem:s14+$0x27B0];
	_ =	sdelay $0x2  }
0x29: {  	p0 =	sne.s32 s13, $0x9B00  }
.Ltmp1:
0x2a: {  	_ = 	snop;
	(pc) =	sbr.rel @p0 .LBB2_4-.Ltmp1, $2  }
0x2b: {  	_ =	sdelay $0x2  }
0x2c: {  	s13 =	sadd.s32 $0x100, s13;
	[tilespmem:v2+s11+$0x0] =	vst.idx.add.f32.msk $0xffff, v1  }
0x2d: {  	[hbm4b:s5+s2] =	stream.linear.scatter [tilespmem:s10], [sflag:$0x1], $0x2800, $0x38;
	[tilespmem:$0x9F00] =	vst v63  }
0x2e: {  	s12 =	sadd.s32 $0x1, s12;
	_ =	swait.ge [sflag:s8], $0x2800  }
0x2f: {  	p0 =	sne.s32 s12, s7;
	[sflag:s8] =	ssyncset.done $0x0  }
.Ltmp2:
0x30: {  	[sflag:s8] =	ssyncadd.s32 $0xFFFFD800;
	(pc) =	sbr.rel @p0 .LBB2_1-.Ltmp2, $4  }
0x31: {  	[hbm4b:s6+s2] =	stream.linear.scatter [tilespmem:s11], [sflag:$0x1], $0x2800, $0x38;
	[tilespmem:$0x9F00] =	vst v63  }
0x32: {  	_ =	swait.ge [sflag:s8], $0x2800  }
0x33: {  	[sflag:s8] =	ssyncset.done $0x0  }
0x34: {  	[sflag:s8] =	ssyncadd.s32 $0xFFFFD800  }
0x35: {  	_ =	sfence.sel $0x180000  }
0x36: {  	[bflag:$0x0] =	sbarrier.arrive $0xFFFF  }
0x37: {  	p0 =	sne.s32 s0, $0x0;
	_ =	strace $0x90000047  }
0x38: {  	s0 =	sadd.s32 @!p0 $0x100000, s1;
	[bflag:$0x2] =	sbarrier.arrive $0xFFFF  }
0x39: {  	[sflag:s0] =	ssyncadd.tile.s32 @!p0 $0x1;
	_ =	shalt  }
.Lfunc_end2:
_tile_overlayer_lowered:
.L_overlay_start_2:
0x3a: {  	(tag) =	ssettag $0x2  }
0x3b: {  	s0 =	rddreg [dreg:$0x0];
	s2 =	stileid.u32  }
0x3c: {  	s1 =	rddreg [dreg:$0x1];
	p0 =	sne.s32 s2, $0x0  }
0x3d: {  	s3 =	rddreg [dreg:$0x2];
	[bflag:$0x3] =	sbarrier.arrive $0xFFFF;
	s2 =	simm.s32 @!p0 $0x1C01  }
0x3e: {  	[timem:s3], [sflag:s2] =	dma.local @!p0 [hbm:s0], s1  }
0x3f: {  	s0 =	simm.s32 @!p0 $0x1  }
0x40: {  	_ =	swait.ge @!p0 [sflag:s0], s1  }
0x41: {  	s1 =	ssub.s32 @!p0 $0x0, s1;
	[sflag:s0] =	ssyncset.done @!p0 $0x0  }
0x42: {  	[sflag:s0] =	ssyncadd.s32 @!p0 s1  }
0x43: {  	[bflag:$0x3] =	sbarrier.arrive $0xFFFF  }
0x44: {  	_ =	shalt  }

// kernel: kernel.13.cloned.1.call-start
scs
__scs_entry_jumppad:
0x0: {  	(pc) =	sbr.rel $0x88, $3  }
0x1: {  	(tag) =	ssettag $0x0;
	lr =	simm.s32 $0x1  }
0x2: {  	[smem:$0x3F97] =	sst lr;
	_ =	strace $0xD0000000  }
0x3: {  	_ = 	snop  }
0x4: {  	_ = 	snop  }
0x5: {  	_ = 	snop  }
0x6: {  	_ = 	snop  }
0x7: {  	_ = 	snop  }
__scs_overlays_trampoline_lowered:
0x8: {  	[smem:$0x3FA6] =	sst s0  }
0x9: {  	[smem:$0x3FA7] =	sst s1  }
0xa: {  	[smem:$0x3FA8] =	sst s2  }
0xb: {  	[smem:$0x3FA9] =	sst s3  }
0xc: {  	[smem:$0x3FAA] =	sst s4  }
0xd: {  	[smem:$0x3FAB] =	sst s5  }
0xe: {  	[smem:$0x3FAC] =	sst s6  }
0xf: {  	[smem:$0x3FAD] =	sst s7  }
0x10: {  	[smem:$0x3FAE] =	sst s8  }
0x11: {  	[smem:$0x3FAF] =	sst s9;
	s0 =	simm.s32 @!p0 $0x0  }
0x12: {  	s1 =	sld [smem:$0x3F95];
	s0 =	simm.s32 @p0 $0x1  }
0x13: {  	[smem:$0x3FB0] =	sst s0;
	s0 =	simm.s32 @!p1 $0x0  }
0x14: {  	s2 =	sld [smem:$0x3F94];
	s0 =	simm.s32 @p1 $0x1  }
0x15: {  	[smem:$0x3FB1] =	sst s0;
	s0 =	simm.s32 @!p2 $0x0  }
0x16: {  	s3 =	sld [smem:$0x3FDB];
	s0 =	simm.s32 @p2 $0x1  }
0x17: {  	s4 =	simm.s32 $0x1BF5;
	[smem:$0x3FB3] =	sst s0  }
0x18: {  	s0 =	sld [smem:$0x3F96];
	_ =	swait.ge [sflag:s4], $0x0  }
0x19: {  	s7 =	sld [smem:$0x3F97]  }
0x1a: {  	s8 =	sadd.s32 $0xFFFFE003, lr  }
0x1b: {  	s9 =	sadd.s32 $0xFFFFFEF7, lr;
	s5 =	simm.s32 $0xFFFFFFFF;
	p2 =	slt.u32 s8, $0xFFFFF086  }
0x1c: {  	p1 =	slt.u32 s9, $0xF7A;
	s5 =	simm.s32 @!p2 $0x0  }
0x1d: {  	s5 =	simm.s32 @p1 $0x1;
	p0 =	seq.s32 s7, s2  }
0x1e: {  	s7 =	smul.u32 @!p0 $0xF7A, s2;
	p2 =	seq.s32 @!p0 s5, $0x0  }
0x1f: {  	s9 =	smul.u32 $0xF7A, s1;
	s8 =	simm.s32 @!p0 $0x1BF5;
	p2 =	por !p2, p0  }
0x20: {  	[sflag:s8] =	ssyncset.s32 @!p0 $0xFFFFF086;
	s6 =	sadd.s32 @!p0 s3, s7;
	s7 =	simm.s32 @!p0 $0x108  }
0x21: {  	s3 =	sadd.s32 s3, s9;
	s6 =	sadd.s32 @!p0 $0x88, s6;
	s7 =	simm.s32 @p2 $0x1082  }
0x22: {  	[simem:s7], [sflag:s8] =	dma.local @!p0 [hbm:s6], $0xF7A  }
0x23: {  	s9 =	sor.u32 $0xD0000000, s2;
	s6 =	simm.s32 $0x108;
	_ =	swait.ge @!p0 [sflag:s8], $0x0  }
0x24: {  	s3 =	sadd.s32 $0x88, s3;
	s6 =	simm.s32 @!p1 $0x1082;
	[sflag:s4] =	ssyncset.s32 $0xFFFFF086  }
0x25: {  	[simem:s6], [sflag:s4] =	dma.local [hbm:s3], $0xF7A  }
0x26: {  	[smem:$0x3F97] =	sst s1;
	(tag) =	ssettag s2;
	_ =	strace s9  }
0x27: {  	s1 =	sld [smem:$0x3FA7]  }
0x28: {  	s2 =	sld [smem:$0x3FA8]  }
0x29: {  	s4 =	sld [smem:$0x3FAA]  }
0x2a: {  	p0 =	seq.s32 s5, $0x0;
	s5 =	sld [smem:$0x3FAB]  }
0x2b: {  	s6 =	sld [smem:$0x3FAC]  }
0x2c: {  	s7 =	sld [smem:$0x3FAD]  }
0x2d: {  	s3 =	simm.s32 $0x108;
	s8 =	sld [smem:$0x3FAE]  }
0x2e: {  	s3 =	simm.s32 @!p0 $0x1082;
	s9 =	sld [smem:$0x3FAF]  }
0x2f: {  	lr =	sadd.s32 s0, s3;
	s0 =	sld [smem:$0x3FA6]  }
0x30: {  	s3 =	sld [smem:$0x3FA9]  }
0x31: {  	[smem:$0x3FB2] =	sst s10  }
0x32: {  	s10 =	sld [smem:$0x3FB0];
	_ =	sdelay $0x3  }
0x33: {  	p0 =	seq.s32 s10, $0x1;
	s10 =	sld [smem:$0x3FB2];
	_ =	sdelay $0x3  }
0x34: {  	[smem:$0x3FB2] =	sst s10  }
0x35: {  	s10 =	sld [smem:$0x3FB1];
	_ =	sdelay $0x3  }
0x36: {  	p1 =	seq.s32 s10, $0x1;
	s10 =	sld [smem:$0x3FB2];
	_ =	sdelay $0x3  }
0x37: {  	[smem:$0x3FB2] =	sst s10  }
0x38: {  	s10 =	sld [smem:$0x3FB3]  }
0x39: {  	_ = 	snop;
	(pc) =	sbr.ind lr, $3  }
0x3a: {  	_ = 	snop  }
0x3b: {  	_ = 	snop  }
0x3c: {  	p2 =	seq.s32 s10, $0x1;
	s10 =	sld [smem:$0x3FB2]  }
0x3d: {  	_ =	shalt  }
0x3e: {  	_ =	shalt  }
0x3f: {  	_ =	shalt  }
0x40: {  	_ =	shalt  }
0x41: {  	_ =	shalt  }
0x42: {  	_ =	shalt  }
0x43: {  	_ =	shalt  }
0x44: {  	_ =	shalt  }
0x45: {  	_ =	shalt  }
0x46: {  	_ =	shalt  }
0x47: {  	_ =	shalt  }
0x48: {  	_ =	shalt  }
0x49: {  	_ =	shalt  }
0x4a: {  	_ =	shalt  }
0x4b: {  	_ =	shalt  }
0x4c: {  	_ =	shalt  }
0x4d: {  	_ =	shalt  }
0x4e: {  	_ =	shalt  }
0x4f: {  	_ =	shalt  }
0x50: {  	_ =	shalt  }
0x51: {  	_ =	shalt  }
0x52: {  	_ =	shalt  }
0x53: {  	_ =	shalt  }
0x54: {  	_ =	shalt  }
0x55: {  	_ =	shalt  }
0x56: {  	_ =	shalt  }
0x57: {  	_ =	shalt  }
0x58: {  	_ =	shalt  }
0x59: {  	_ =	shalt  }
0x5a: {  	_ =	shalt  }
0x5b: {  	_ =	shalt  }
0x5c: {  	_ =	shalt  }
0x5d: {  	_ =	shalt  }
0x5e: {  	_ =	shalt  }
0x5f: {  	_ =	shalt  }
0x60: {  	_ =	shalt  }
0x61: {  	_ =	shalt  }
0x62: {  	_ =	shalt  }
0x63: {  	_ =	shalt  }
0x64: {  	_ =	shalt  }
0x65: {  	_ =	shalt  }
0x66: {  	_ =	shalt  }
0x67: {  	_ =	shalt  }
0x68: {  	_ =	shalt  }
0x69: {  	_ =	shalt  }
0x6a: {  	_ =	shalt  }
0x6b: {  	_ =	shalt  }
0x6c: {  	_ =	shalt  }
0x6d: {  	_ =	shalt  }
0x6e: {  	_ =	shalt  }
0x6f: {  	_ =	shalt  }
0x70: {  	_ =	shalt  }
0x71: {  	_ =	shalt  }
0x72: {  	_ =	shalt  }
0x73: {  	_ =	shalt  }
0x74: {  	_ =	shalt  }
0x75: {  	_ =	shalt  }
0x76: {  	_ =	shalt  }
0x77: {  	_ =	shalt  }
0x78: {  	_ =	shalt  }
0x79: {  	_ =	shalt  }
0x7a: {  	_ =	shalt  }
0x7b: {  	_ =	shalt  }
0x7c: {  	_ =	shalt  }
0x7d: {  	_ =	shalt  }
0x7e: {  	_ =	shalt  }
0x7f: {  	_ =	shalt  }
0x80: {  	_ =	shalt  }
0x81: {  	_ =	shalt  }
0x82: {  	_ =	shalt  }
0x83: {  	_ =	shalt  }
0x84: {  	_ =	shalt  }
0x85: {  	_ =	shalt  }
0x86: {  	_ =	shalt  }
0x87: {  	_ =	shalt  }
.Lfunc_end0:
.L_simem_size_0:
called_computation.1_lowered:
.L_overlay_start_0:
0x88: {  	s2 =	sld [smem:$0x3FD9]  }
0x89: {  	s3 =	sld [smem:$0x3FFE];
	_ =	sdelay $0x1  }
0x8a: {  	s1 =	srdreg.scid  }
0x8b: {  	s0 =	sand.u32 $0x1, s1  }
0x8c: {  	s16 =	sshll.u32 s0, $0xA;
	s2 =	sadd.s32 s3, s2  }
0x8d: {  	s2 =	sadd.s32 s2, s16  }
0x8e: {  	[smem:$0x3FBE] =	sst s2  }
0x8f: {  	_ = 	snop  }
0x90: {  	(tm) =	ssettm $0x1  }
0x91: {  	s17 =	sld [smem:$0x3FFB];
	_ =	sdelay $0x3  }
0x92: {  	_ =	strace s17  }
0x93: {  	s2 =	sld [smem:$0x3FFC];
	_ =	sdelay $0x3  }
0x94: {  	_ =	strace s2  }
0x95: {  	s2 =	sld [smem:$0x3FFD];
	_ =	sdelay $0x3  }
0x96: {  	_ =	strace s2  }
0x97: {  	_ =	strace $0x8FFFFFFF  }
0x98: {  	s18 =	sld [smem:$0x3FDB];
	_ =	sdelay $0x1  }
0x99: {  	s19 =	simm.s32 $_scs_section_size  }
0x9a: {  	s4 =	simm.s32 $_size__tile_overlayer_lowered;
	s5 =	simm.s32 $_tile_overlayer_lowered  }
0x9b: {  	s22 =	simm.s32 $0x1BFF;
	s21 =	sshll.u32 s5, $0x1;
	s2 =	sadd.s32 s19, s18  }
0x9c: {  	s6 =	simm.s32 $0x0;
	s20 =	sshll.u32 s4, $0x1;
	s4 =	sadd.s32 s21, s2  }
0x9d: {  	[timem:s6], [sflag:s22] =	dma.local [hbm:s4], s20  }
0x9e: {  	_ =	swait.ge [sflag:s22], s20  }
0x9f: {  	s3 =	ssub.s32 $0x0, s20;
	[sflag:s22] =	ssyncset.done $0x0  }
0xa0: {  	[sflag:s22] =	ssyncadd.s32 s3;
	_ =	sdelay $0x1  }
0xa1: {  	s23 =	simm.s32 $0x1B8B  }
0xa2: {  	_ =	swait.ge [sflag:s23], $0x1  }
0xa3: {  	[sflag:s23] =	ssyncset.done $0x0  }
0xa4: {  	s25 =	simm.s32 $0x1B8E;
	s24 =	sld [smem:$0x3FFE];
	[sflag:s23] =	ssyncadd.s32 $0xFFFFFFFF  }
0xa5: {  	s26 =	simm.s32 $execute0_lowered;
	[smem:$0x3FD2] =	sst s25  }
0xa6: {  	s4 =	sshll.u32 s26, $0x1;
	_ =	strace $0x80000049;
	[dreg:$0x1] =	wrdreg $0xFFFFFFFF  }
0xa7: {  	s28 =	simm.s32 $_size_execute0_lowered;
	s2 =	sadd.s32 s2, s4;
	[dreg:$0x0] =	wrdreg $0x0  }
0xa8: {  	s4 =	sshll.u32 s28, $0x1;
	[dreg:$0x2] =	wrdreg s2  }
0xa9: {  	[dreg:$0x3] =	wrdreg s4  }
0xaa: {  	[dreg:$0x4] =	wrdreg $0xC0  }
0xab: {  	_ =	task [dreg:s6], $0x5FFFF  }
0xac: {  	[dreg:$0x1] =	wrdreg $0xFFFFFFFF  }
0xad: {  	[dreg:$0x0] =	wrdreg $0x60  }
0xae: {  	[dreg:$0x2] =	wrdreg s24  }
0xaf: {  	[dreg:$0x3] =	wrdreg $0xA8000  }
0xb0: {  	[dreg:$0x4] =	wrdreg $0x9  }
0xb1: {  	_ =	task.clear_ibuf [dreg:s6], $0x5FFFF;
	_ =	strace $0x90000049  }
0xb2: {  	s29 =	simm.s32 $0x9;
	_ =	strace $0x8000004B  }
0xb3: {  	_ =	swait.ge [sflag:s29], $0x1  }
0xb4: {  	[sflag:s29] =	ssyncadd.s32 $0xFFFFFFFF  }
0xb5: {  	_ =	strace $0x9000004B  }
0xb6: {  	_ =	sfence  }
0xb7: {  	s30 =	sld [smem:$0x0];
	_ =	sdelay $0x2  }
0xb8: {  	s31 =	sshll.u32 s1, $0xD;
	s1 =	sshrl.u32 s1, $0x2  }
0xb9: {  	s3 =	sand.u32 $0x4000, s31;
	s1 =	sadd.s32 s1, s30  }
0xba: {  	s0 =	sor.u32 s3, s0;
	s1 =	sshll.u32 s1, $0x11  }
0xbb: {  	s0 =	sor.u32 s1, s0  }
0xbc: {  	s0 =	sadd.s32 $0x8F2B, s0  }
0xbd: {  	[sflag:s0] =	ssyncadd.remote.s32 $0x1  }
0xbe: {  	_ =	sfence.sel $0xFFFF  }
0xbf: {  	[dreg:$0x0] =	wrdreg $0xFFFFFFFF;
	(pc) =	sbr.abs _section_cstart, $3  }
0xc0: {  	[dreg:$0x1] =	wrdreg $0xFFFFFFFF  }
0xc1: {  	_ =	task.clear_ibuf [dreg:s6], $0x2FFFF;
	_ =	strace $0x9FFFFFFF  }
0xc2: {  	(tm) =	ssettm $0x7FFFFFFF  }
0xc3: {  	_ =	shalt  }
tec
execute0_lowered:
.L_overlay_start_1:
0x0: {  	(tag) =	ssettag $0x1  }
0x1: {  	s0 =	rddreg [dreg:$0x0]  }
0x2: {  	s1 =	rddreg [dreg:$0x1]  }
0x3: {  	s3 =	simm.s32 $0x0;
	s2 =	srdreg.scid;
	s8 =	stileid.u32  }
0x4: {  	s16 =	simm.s32 $0x2800;
	s17 =	simm.s32 $0x4;
	s18 =	simm.s32 $0x1400  }
0x5: {  	s19 =	simm.s32 $0x7D;
	s20 =	simm.s32 $0x80;
	s21 =	simm.s32 $0x6800  }
0x6: {  	s22 =	simm.s32 $0x1;
	s23 =	simm.s32 $0x100;
	s28 =	simm.s32 $0x1380  }
0x7: {  	s29 =	simm.s32 $0x2700;
	s30 =	simm.s32 $0x2780;
	s31 =	simm.s32 $0x0  }
0x8: {  	[smem:$0x7FF] =	sst s3;
	s2 =	sand.u32 $0x1, s2;
	s6 =	smul.u32 $0x14000, s8  }
0x9: {  	s4 =	sadd.s32 $0x3F000, s0;
	s12 =	sadd.s32 $0x2B000, s0;
	s7 =	smul.u32 $0x50000, s8  }
0xa: {  	s5 =	smul.u32 $0x140000, s2;
	s24 =	sshll.u32 s2, $0x4;
	s2 =	ssub.s32 $0x2, s2  }
0xb: {  	s13 =	sadd.s32 $0x35000, s0;
	_ =	strace $0x8000004A;
	s25 =	sshrl.u32 s2, $0x1  }
0xc: {  	s7 =	sshrl.u32 s7, $0x2;
	s5 =	sadd.s32 s6, s5;
	s6 =	sor.u32 s8, s24  }
0xd: {  	s2 =	ssub.s32 s2, s25;
	s24 =	simm.s32 $0x2;
	s5 =	sshrl.u32 s5, $0x3  }
0xe: {  	s9 =	smul.u32 $0x2800, s6;
	s0 =	sadd.s32 s5, s0;
	s5 =	sadd.s32 s7, s1  }
0xf: {  	s25 =	simm.s32 $0x1480;
	s15 =	smax.u32 s2, $0x1;
	s26 =	sadd.s32 $0x4000, s5  }
0x10: {  	s7 =	sadd.s32 $0x8000, s5;
	s11 =	sshrl.u32 s9, $0x3;
	s8 =	sadd.s32 $0xC000, s5  }
0x11: {  	s9 =	sadd.s32 $0x10000, s5;
	[dreg:$0x3] =	wrdreg s26;
	s14 =	sadd.s32 $0x280, s11  }
0x12: {  	s10 =	sadd.s32 s12, s11;
	s11 =	sadd.s32 s13, s11;
	s26 =	simm.s32 $0x3  }
0x13: {  	v0 =	vimm.f32 $0.0e+00;
	s12 =	sadd.s32 s12, s14;
	s13 =	sadd.s32 s13, s14;
	s14 =	sadd.s32 $0x67000, s0  }
.LBB2_1:
0x14: {  	s0 =	simm.s32 $0x0;
	s2 =	simm.s32 $0x200  }
.LBB2_2:
0x15: {  	p0 =	sne.s32 s2, $0xFE00;
	[tilespmem:s0+$0x2870] =	vst v0  }
0x16: {  	[tilespmem:s0+$0x2800] =	vst v0  }
0x17: {  	[tilespmem:s0+$0x2810] =	vst v0  }
.Ltmp0:
0x18: {  	[tilespmem:s0+$0x2820] =	vst v0;
	(pc) =	sbr.rel @p0 .LBB2_2-.Ltmp0, $4  }
0x19: {  	[tilespmem:s0+$0x2830] =	vst v0  }
0x1a: {  	[tilespmem:s0+$0x2840] =	vst v0  }
0x1b: {  	[tilespmem:s0+$0x2850] =	vst v0  }
0x1c: {  	[tilespmem:s0+$0x2860] =	vst v0;
	s0 =	sshra.s32 s2, $0x2;
	s2 =	sadd.s32 $0x200, s2  }
0x1d: {  	[tilespmem:s0+$0x2870] =	vst v0  }
0x1e: {  	[tilespmem:s0+$0x2800] =	vst v0  }
0x1f: {  	[tilespmem:s0+$0x2810] =	vst v0  }
0x20: {  	[tilespmem:s0+$0x2820] =	vst v0  }
0x21: {  	[tilespmem:s0+$0x2830] =	vst v0  }
0x22: {  	[tilespmem:s0+$0x2840] =	vst v0  }
0x23: {  	[tilespmem:s0+$0x2850] =	vst v0  }
0x24: {  	[tilespmem:s0+$0x2860] =	vst v0  }
0x25: {  	[spmem:s5] =	stream.linear.scatter [tilespmem:s16], [sflag:$0x4], $0x4000, $0x38;
	[tilespmem:$0x1E800] =	vst v63  }
0x26: {  	_ =	swait.ge [sflag:s17], $0x4000  }
0x27: {  	[sflag:s17] =	ssyncset.done $0x0  }
0x28: {  	s2 =	rddreg [dreg:$0x3];
	[sflag:s17] =	ssyncadd.s32 $0xFFFFC000  }
0x29: {  	[spmem:s2] =	stream.linear.scatter [tilespmem:s16], [sflag:$0x4], $0x4000, $0x38;
	[tilespmem:$0x1E800] =	vst v63  }
0x2a: {  	_ =	swait.ge [sflag:s17], $0x4000  }
0x2b: {  	[sflag:s17] =	ssyncset.done $0x0  }
0x2c: {  	[sflag:s17] =	ssyncadd.s32 $0xFFFFC000  }
0x2d: {  	[spmem:s7] =	stream.linear.scatter [tilespmem:s16], [sflag:$0x4], $0x4000, $0x38;
	[tilespmem:$0x1E800] =	vst v63  }
0x2e: {  	_ =	swait.ge [sflag:s17], $0x4000  }
0x2f: {  	[sflag:s17] =	ssyncset.done $0x0  }
0x30: {  	[sflag:s17] =	ssyncadd.s32 $0xFFFFC000  }
0x31: {  	[spmem:s8] =	stream.linear.scatter [tilespmem:s16], [sflag:$0x4], $0x4000, $0x38;
	[tilespmem:$0x1E800] =	vst v63  }
0x32: {  	_ =	swait.ge [sflag:s17], $0x4000  }
0x33: {  	[sflag:s17] =	ssyncset.done $0x0  }
0x34: {  	[sflag:s17] =	ssyncadd.s32 $0xFFFFC000  }
0x35: {  	[spmem:s9] =	stream.linear.scatter [tilespmem:s16], [sflag:$0x4], $0x4000, $0x38;
	[tilespmem:$0x1E800] =	vst v63  }
0x36: {  	_ =	swait.ge [sflag:s17], $0x4000  }
0x37: {  	[sflag:s17] =	ssyncset.done $0x0  }
0x38: {  	[sflag:s17] =	ssyncadd.s32 $0xFFFFC000  }
0x39: {  	[bflag:$0x0] =	sbarrier.arrive $0xFFFF  }
0x3a: {  	[tilespmem:s3], [sflag:$0x4] =	stream.linear.gather [hbm4b:s10+s3], $0x1400, $0x38;
	[tilespmem:$0x1E800] =	vst v63  }
0x3b: {  	_ =	swait.ge [sflag:s17], $0x1400  }
0x3c: {  	[sflag:s17] =	ssyncset.done $0x0  }
0x3d: {  	[sflag:s17] =	ssyncadd.s32 $0xFFFFEC00  }
0x3e: {  	[tilespmem:s18], [sflag:$0x4] =	stream.linear.gather [hbm4b:s11+s3], $0x1400, $0x38;
	[tilespmem:$0x1E800] =	vst v63  }
0x3f: {  	_ =	swait.ge [sflag:s17], $0x1400  }
0x40: {  	[sflag:s17] =	ssyncset.done $0x0  }
0x41: {  	[sflag:s17] =	ssyncadd.s32 $0xFFFFEC00  }
0x42: {  	[tilespmem:s16], [sflag:$0x1] =	stream.indirect.gather [hbm4b:s4+s19], $0x80, s3, s19, $0xb8;
	[tilespmem:$0x1E800] =	vst v63  }
0x43: {  	_ = 	snop  }
0x44: {  	[tilespmem:s21], [sflag:$0x2] =	stream.indirect.gather [hbm4b:s4+s19], $0x80, s20, s19, $0xb8;
	[tilespmem:$0x1E800] =	vst v63  }
0x45: {  	_ =	swait.ge [sflag:s22], $0x3E80  }
0x46: {  	[sflag:s22] =	ssyncset.done $0x0  }
0x47: {  	[sflag:s22] =	ssyncadd.s32 $0xFFFFC180  }
0x48: {  	[spmem:s1] =	stream.indirect.scatter.add.f32 [tilespmem:s16], [sflag:$0x4], $0x80, s18, s19, $0xb8;
	[tilespmem:$0x1E800] =	vst v63  }
0x49: {  	_ =	swait.ge [sflag:s17], $0x3E80  }
0x4a: {  	[sflag:s17] =	ssyncset.done $0x0  }
0x4b: {  	[sflag:s17] =	ssyncadd.s32 $0xFFFFC180  }
0x4c: {  	[tilespmem:s16], [sflag:$0x1] =	stream.indirect.gather [hbm4b:s4+s19], $0x80, s23, s19, $0xb8;
	[tilespmem:$0x1E800] =	vst v63  }
0x4d: {  	_ =	swait.ge [sflag:s24], $0x3E80  }
0x4e: {  	[sflag:s24] =	ssyncset.done $0x0  }
0x4f: {  	[sflag:s24] =	ssyncadd.s32 $0xFFFFC180  }
0x50: {  	[spmem:s1] =	stream.indirect.scatter.add.f32 [tilespmem:s21], [sflag:$0x3], $0x80, s25, s19, $0xb8;
	[tilespmem:$0x1E800] =	vst v63  }
0x51: {  	_ =	swait.ge [sflag:s26], $0x3E80  }
0x52: {  	[sflag:s26] =	ssyncset.done $0x0  }
0x53: {  	s6 =	simm.s32 $0x180;
	[sflag:s26] =	ssyncadd.s32 $0xFFFFC180  }
0x54: {  	[tilespmem:s21], [sflag:$0x2] =	stream.indirect.gather [hbm4b:s4+s19], $0x80, s6, s19, $0xb8;
	[tilespmem:$0x1E800] =	vst v63  }
0x55: {  	_ =	swait.ge [sflag:s22], $0x3E80  }
0x56: {  	[sflag:s22] =	ssyncset.done $0x0  }
0x57: {  	s2 =	simm.s32 $0x1500;
	[sflag:s22] =	ssyncadd.s32 $0xFFFFC180  }
0x58: {  	[spmem:s1] =	stream.indirect.scatter.add.f32 [tilespmem:s16], [sflag:$0x4], $0x80, s2, s19, $0xb8;
	[tilespmem:$0x1E800] =	vst v63  }
0x59: {  	_ =	swait.ge [sflag:s17], $0x3E80  }
0x5a: {  	[sflag:s17] =	ssyncset.done $0x0  }
0x5b: {  	s6 =	simm.s32 $0x200;
	[sflag:s17] =	ssyncadd.s32 $0xFFFFC180  }
0x5c: {  	[tilespmem:s16], [sflag:$0x1] =	stream.indirect.gather [hbm4b:s4+s19], $0x80, s6, s19, $0xb8;
	[tilespmem:$0x1E800] =	vst v63  }
0x5d: {  	_ =	swait.ge [sflag:s24], $0x3E80  }
0x5e: {  	[sflag:s24] =	ssyncset.done $0x0  }
0x5f: {  	s0 =	simm.s32 $0xFFFFBC00;
	s2 =	simm.s32 $0x1580;
	[sflag:s24] =	ssyncadd.s32 $0xFFFFC180  }
.LBB2_4:
0x60: {  	[spmem:s1] =	stream.indirect.scatter.add.f32 [tilespmem:s21], [sflag:$0x3], $0x80, s2, s19, $0xb8;
	[tilespmem:$0x1E800] =	vst v63  }
0x61: {  	s2 =	smov.u32 s0  }
0x62: {  	p0 =	sne.s32 s0, $0xFFFFFC00;
	s0 =	sadd.s32 $0x400, s0;
	_ =	swait.ge [sflag:s26], $0x3E80  }
0x63: {  	s2 =	sshra.s32 s2, $0x2;
	[sflag:s26] =	ssyncset.done $0x0  }
0x64: {  	s6 =	sadd.s32 $0x1380, s2;
	[sflag:s26] =	ssyncadd.s32 $0xFFFFC180  }
0x65: {  	[tilespmem:s21], [sflag:$0x2] =	stream.indirect.gather [hbm4b:s4+s19], $0x80, s6, s19, $0xb8;
	[tilespmem:$0x1E800] =	vst v63  }
0x66: {  	_ =	swait.ge [sflag:s22], $0x3E80  }
0x67: {  	[sflag:s22] =	ssyncset.done $0x0  }
0x68: {  	s6 =	sadd.s32 $0x2700, s2;
	[sflag:s22] =	ssyncadd.s32 $0xFFFFC180  }
0x69: {  	[spmem:s1] =	stream.indirect.scatter.add.f32 [tilespmem:s16], [sflag:$0x4], $0x80, s6, s19, $0xb8;
	[tilespmem:$0x1E800] =	vst v63  }
0x6a: {  	_ =	swait.ge [sflag:s17], $0x3E80  }
0x6b: {  	[sflag:s17] =	ssyncset.done $0x0  }
.Ltmp1:
0x6c: {  	s6 =	sadd.s32 $0x1400, s2;
	[sflag:s17] =	ssyncadd.s32 $0xFFFFC180;
	(pc) =	sbr.rel @p0 .LBB2_4-.Ltmp1, $4  }
0x6d: {  	[tilespmem:s16], [sflag:$0x1] =	stream.indirect.gather [hbm4b:s4+s19], $0x80, s6, s19, $0xb8;
	[tilespmem:$0x1E800] =	vst v63  }
0x6e: {  	_ =	swait.ge [sflag:s24], $0x3E80  }
0x6f: {  	[sflag:s24] =	ssyncset.done $0x0  }
0x70: {  	s2 =	sadd.s32 $0x2780, s2;
	[sflag:s24] =	ssyncadd.s32 $0xFFFFC180  }
0x71: {  	[spmem:s1] =	stream.indirect.scatter.add.f32 [tilespmem:s21], [sflag:$0x3], $0x80, s2, s19, $0xb8;
	[tilespmem:$0x1E800] =	vst v63  }
0x72: {  	_ =	swait.ge [sflag:s26], $0x3E80  }
0x73: {  	[sflag:s26] =	ssyncset.done $0x0  }
0x74: {  	[sflag:s26] =	ssyncadd.s32 $0xFFFFC180  }
0x75: {  	[tilespmem:s21], [sflag:$0x2] =	stream.indirect.gather [hbm4b:s4+s19], $0x80, s28, s19, $0xb8;
	[tilespmem:$0x1E800] =	vst v63  }
0x76: {  	_ =	swait.ge [sflag:s22], $0x3E80  }
0x77: {  	[sflag:s22] =	ssyncset.done $0x0  }
0x78: {  	[sflag:s22] =	ssyncadd.s32 $0xFFFFC180  }
0x79: {  	[spmem:s1] =	stream.indirect.scatter.add.f32 [tilespmem:s16], [sflag:$0x4], $0x80, s29, s19, $0xb8;
	[tilespmem:$0x1E800] =	vst v63  }
0x7a: {  	_ =	swait.ge [sflag:s17], $0x3E80  }
0x7b: {  	[sflag:s17] =	ssyncset.done $0x0  }
0x7c: {  	[sflag:s17] =	ssyncadd.s32 $0xFFFFC180  }
0x7d: {  	_ =	swait.ge [sflag:s24], $0x3E80  }
0x7e: {  	[sflag:s24] =	ssyncset.done $0x0  }
0x7f: {  	[sflag:s24] =	ssyncadd.s32 $0xFFFFC180  }
0x80: {  	[spmem:s1] =	stream.indirect.scatter.add.f32 [tilespmem:s21], [sflag:$0x3], $0x80, s30, s19, $0xb8;
	[tilespmem:$0x1E800] =	vst v63  }
0x81: {  	_ =	swait.ge [sflag:s26], $0x3E80  }
0x82: {  	[sflag:s26] =	ssyncset.done $0x0  }
0x83: {  	[sflag:s26] =	ssyncadd.s32 $0xFFFFC180  }
0x84: {  	[tilespmem:s3], [sflag:$0x4] =	stream.linear.gather [hbm4b:s12+s3], $0x1400, $0x38;
	[tilespmem:$0x1E800] =	vst v63  }
0x85: {  	_ =	swait.ge [sflag:s17], $0x1400  }
0x86: {  	[sflag:s17] =	ssyncset.done $0x0  }
0x87: {  	[sflag:s17] =	ssyncadd.s32 $0xFFFFEC00  }
0x88: {  	[tilespmem:s18], [sflag:$0x4] =	stream.linear.gather [hbm4b:s13+s3], $0x1400, $0x38;
	[tilespmem:$0x1E800] =	vst v63  }
0x89: {  	_ =	swait.ge [sflag:s17], $0x1400  }
0x8a: {  	[sflag:s17] =	ssyncset.done $0x0  }
0x8b: {  	[sflag:s17] =	ssyncadd.s32 $0xFFFFEC00  }
0x8c: {  	[tilespmem:s16], [sflag:$0x1] =	stream.indirect.gather [hbm4b:s4+s19], $0x80, s3, s19, $0xb8;
	[tilespmem:$0x1E800] =	vst v63  }
0x8d: {  	_ = 	snop  }
0x8e: {  	[tilespmem:s21], [sflag:$0x2] =	stream.indirect.gather [hbm4b:s4+s19], $0x80, s20, s19, $0xb8;
	[tilespmem:$0x1E800] =	vst v63  }
0x8f: {  	_ =	swait.ge [sflag:s22], $0x3E80  }
0x90: {  	[sflag:s22] =	ssyncset.done $0x0  }
0x91: {  	[sflag:s22] =	ssyncadd.s32 $0xFFFFC180  }
0x92: {  	[spmem:s1] =	stream.indirect.scatter.add.f32 [tilespmem:s16], [sflag:$0x4], $0x80, s18, s19, $0xb8;
	[tilespmem:$0x1E800] =	vst v63  }
0x93: {  	_ =	swait.ge [sflag:s17], $0x3E80  }
0x94: {  	[sflag:s17] =	ssyncset.done $0x0  }
0x95: {  	[sflag:s17] =	ssyncadd.s32 $0xFFFFC180  }
0x96: {  	[tilespmem:s16], [sflag:$0x1] =	stream.indirect.gather [hbm4b:s4+s19], $0x80, s23, s19, $0xb8;
	[tilespmem:$0x1E800] =	vst v63  }
0x97: {  	_ =	swait.ge [sflag:s24], $0x3E80  }
0x98: {  	[sflag:s24] =	ssyncset.done $0x0  }
0x99: {  	[sflag:s24] =	ssyncadd.s32 $0xFFFFC180  }
0x9a: {  	[spmem:s1] =	stream.indirect.scatter.add.f32 [tilespmem:s21], [sflag:$0x3], $0x80, s25, s19, $0xb8;
	[tilespmem:$0x1E800] =	vst v63  }
0x9b: {  	_ =	swait.ge [sflag:s26], $0x3E80  }
0x9c: {  	[sflag:s26] =	ssyncset.done $0x0  }
0x9d: {  	s0 =	simm.s32 $0x180;
	[sflag:s26] =	ssyncadd.s32 $0xFFFFC180  }
0x9e: {  	[tilespmem:s21], [sflag:$0x2] =	stream.indirect.gather [hbm4b:s4+s19], $0x80, s0, s19, $0xb8;
	[tilespmem:$0x1E800] =	vst v63  }
0x9f: {  	_ =	swait.ge [sflag:s22], $0x3E80  }
0xa0: {  	[sflag:s22] =	ssyncset.done $0x0  }
0xa1: {  	s2 =	simm.s32 $0x1500;
	[sflag:s22] =	ssyncadd.s32 $0xFFFFC180  }
0xa2: {  	[spmem:s1] =	stream.indirect.scatter.add.f32 [tilespmem:s16], [sflag:$0x4], $0x80, s2, s19, $0xb8;
	[tilespmem:$0x1E800] =	vst v63  }
0xa3: {  	_ =	swait.ge [sflag:s17], $0x3E80  }
0xa4: {  	[sflag:s17] =	ssyncset.done $0x0  }
0xa5: {  	s6 =	simm.s32 $0x200;
	[sflag:s17] =	ssyncadd.s32 $0xFFFFC180  }
0xa6: {  	[tilespmem:s16], [sflag:$0x1] =	stream.indirect.gather [hbm4b:s4+s19], $0x80, s6, s19, $0xb8;
	[tilespmem:$0x1E800] =	vst v63  }
0xa7: {  	_ =	swait.ge [sflag:s24], $0x3E80  }
0xa8: {  	[sflag:s24] =	ssyncset.done $0x0  }
0xa9: {  	s0 =	simm.s32 $0xFFFFBC00;
	s2 =	simm.s32 $0x1580;
	[sflag:s24] =	ssyncadd.s32 $0xFFFFC180  }
.LBB2_6:
0xaa: {  	[spmem:s1] =	stream.indirect.scatter.add.f32 [tilespmem:s21], [sflag:$0x3], $0x80, s2, s19, $0xb8;
	[tilespmem:$0x1E800] =	vst v63  }
0xab: {  	s2 =	smov.u32 s0  }
0xac: {  	p0 =	sne.s32 s0, $0xFFFFFC00;
	s0 =	sadd.s32 $0x400, s0;
	_ =	swait.ge [sflag:s26], $0x3E80  }
0xad: {  	s2 =	sshra.s32 s2, $0x2;
	[sflag:s26] =	ssyncset.done $0x0  }
0xae: {  	s6 =	sadd.s32 $0x1380, s2;
	[sflag:s26] =	ssyncadd.s32 $0xFFFFC180  }
0xaf: {  	[tilespmem:s21], [sflag:$0x2] =	stream.indirect.gather [hbm4b:s4+s19], $0x80, s6, s19, $0xb8;
	[tilespmem:$0x1E800] =	vst v63  }
0xb0: {  	_ =	swait.ge [sflag:s22], $0x3E80  }
0xb1: {  	[sflag:s22] =	ssyncset.done $0x0  }
0xb2: {  	s6 =	sadd.s32 $0x2700, s2;
	[sflag:s22] =	ssyncadd.s32 $0xFFFFC180  }
0xb3: {  	[spmem:s1] =	stream.indirect.scatter.add.f32 [tilespmem:s16], [sflag:$0x4], $0x80, s6, s19, $0xb8;
	[tilespmem:$0x1E800] =	vst v63  }
0xb4: {  	_ =	swait.ge [sflag:s17], $0x3E80  }
0xb5: {  	[sflag:s17] =	ssyncset.done $0x0  }
.Ltmp2:
0xb6: {  	s6 =	sadd.s32 $0x1400, s2;
	[sflag:s17] =	ssyncadd.s32 $0xFFFFC180;
	(pc) =	sbr.rel @p0 .LBB2_6-.Ltmp2, $4  }
0xb7: {  	[tilespmem:s16], [sflag:$0x1] =	stream.indirect.gather [hbm4b:s4+s19], $0x80, s6, s19, $0xb8;
	[tilespmem:$0x1E800] =	vst v63  }
0xb8: {  	_ =	swait.ge [sflag:s24], $0x3E80  }
0xb9: {  	[sflag:s24] =	ssyncset.done $0x0  }
0xba: {  	s2 =	sadd.s32 $0x2780, s2;
	[sflag:s24] =	ssyncadd.s32 $0xFFFFC180  }
0xbb: {  	[spmem:s1] =	stream.indirect.scatter.add.f32 [tilespmem:s21], [sflag:$0x3], $0x80, s2, s19, $0xb8;
	[tilespmem:$0x1E800] =	vst v63  }
0xbc: {  	_ =	swait.ge [sflag:s26], $0x3E80  }
0xbd: {  	[sflag:s26] =	ssyncset.done $0x0  }
0xbe: {  	[sflag:s26] =	ssyncadd.s32 $0xFFFFC180  }
0xbf: {  	[tilespmem:s21], [sflag:$0x2] =	stream.indirect.gather [hbm4b:s4+s19], $0x80, s28, s19, $0xb8;
	[tilespmem:$0x1E800] =	vst v63  }
0xc0: {  	_ =	swait.ge [sflag:s22], $0x3E80  }
0xc1: {  	[sflag:s22] =	ssyncset.done $0x0  }
0xc2: {  	[sflag:s22] =	ssyncadd.s32 $0xFFFFC180  }
0xc3: {  	[spmem:s1] =	stream.indirect.scatter.add.f32 [tilespmem:s16], [sflag:$0x4], $0x80, s29, s19, $0xb8;
	[tilespmem:$0x1E800] =	vst v63  }
0xc4: {  	_ =	swait.ge [sflag:s17], $0x3E80  }
0xc5: {  	[sflag:s17] =	ssyncset.done $0x0  }
0xc6: {  	[sflag:s17] =	ssyncadd.s32 $0xFFFFC180  }
0xc7: {  	_ =	swait.ge [sflag:s24], $0x3E80  }
0xc8: {  	[sflag:s24] =	ssyncset.done $0x0  }
0xc9: {  	[sflag:s24] =	ssyncadd.s32 $0xFFFFC180  }
0xca: {  	[spmem:s1] =	stream.indirect.scatter.add.f32 [tilespmem:s21], [sflag:$0x3], $0x80, s30, s19, $0xb8;
	[tilespmem:$0x1E800] =	vst v63  }
0xcb: {  	s0 =	stileid.u32;
	_ =	swait.ge [sflag:s26], $0x3E80  }
0xcc: {  	s6 =	sshrl.u32 s5, $0x3;
	s31 =	sadd.s32 $0x1, s31;
	[sflag:s26] =	ssyncset.done $0x0  }
0xcd: {  	s0 =	sshll.u32 s0, $0x6;
	p0 =	sne.s32 s31, s15;
	[sflag:s26] =	ssyncadd.s32 $0xFFFFC180  }
.Ltmp3:
0xce: {  	s0 =	sor.u32 $0x1C04, s0;
	[bflag:$0x0] =	sbarrier.arrive $0xFFFF;
	(pc) =	sbr.rel @p0 .LBB2_1-.Ltmp3, $4  }
0xcf: {  	[hbm:s14], [sflag:s0] =	dma.local [spmem:s6], $0x2800  }
0xd0: {  	_ =	swait.ge [sflag:s17], $0x2800  }
0xd1: {  	[sflag:s17] =	ssyncset.done $0x0  }
0xd2: {  	[sflag:s17] =	ssyncadd.s32 $0xFFFFD800  }
0xd3: {  	_ =	sfence.sel $0x180000  }
0xd4: {  	[bflag:$0x0] =	sbarrier.arrive $0xFFFF  }
0xd5: {  	_ =	strace $0x9000004A  }
0xd6: {  	s0 =	stileid.u32;
	[bflag:$0x2] =	sbarrier.arrive $0xFFFF  }
0xd7: {  	p0 =	sne.s32 s0, $0x0;
	s0 =	rddreg [dreg:$0x2]  }
0xd8: {  	s0 =	sadd.s32 @!p0 $0x100000, s0  }
0xd9: {  	[sflag:s0] =	ssyncadd.tile.s32 @!p0 $0x1;
	_ =	shalt  }
.Lfunc_end2:
_tile_overlayer_lowered:
.L_overlay_start_2:
0xda: {  	(tag) =	ssettag $0x2  }
0xdb: {  	s0 =	rddreg [dreg:$0x0];
	s2 =	stileid.u32  }
0xdc: {  	s1 =	rddreg [dreg:$0x1];
	p0 =	sne.s32 s2, $0x0  }
0xdd: {  	s3 =	rddreg [dreg:$0x2];
	[bflag:$0x3] =	sbarrier.arrive $0xFFFF;
	s2 =	simm.s32 @!p0 $0x1C04  }
0xde: {  	[timem:s3], [sflag:s2] =	dma.local @!p0 [hbm:s0], s1  }
0xdf: {  	s0 =	simm.s32 @!p0 $0x4  }
0xe0: {  	_ =	swait.ge @!p0 [sflag:s0], s1  }
0xe1: {  	s1 =	ssub.s32 @!p0 $0x0, s1;
	[sflag:s0] =	ssyncset.done @!p0 $0x0  }
0xe2: {  	[sflag:s0] =	ssyncadd.s32 @!p0 s1  }
0xe3: {  	[bflag:$0x3] =	sbarrier.arrive $0xFFFF  }
0xe4: {  	_ =	shalt  }

// kernel: kernel.16.cloned.1.call-start
scs
__scs_entry_jumppad:
0x0: {  	(pc) =	sbr.rel $0x88, $3  }
0x1: {  	(tag) =	ssettag $0x0;
	lr =	simm.s32 $0x1  }
0x2: {  	[smem:$0x3F97] =	sst lr;
	_ =	strace $0xD0000000  }
0x3: {  	_ = 	snop  }
0x4: {  	_ = 	snop  }
0x5: {  	_ = 	snop  }
0x6: {  	_ = 	snop  }
0x7: {  	_ = 	snop  }
__scs_overlays_trampoline_lowered:
0x8: {  	[smem:$0x3FA6] =	sst s0  }
0x9: {  	[smem:$0x3FA7] =	sst s1  }
0xa: {  	[smem:$0x3FA8] =	sst s2  }
0xb: {  	[smem:$0x3FA9] =	sst s3  }
0xc: {  	[smem:$0x3FAA] =	sst s4  }
0xd: {  	[smem:$0x3FAB] =	sst s5  }
0xe: {  	[smem:$0x3FAC] =	sst s6  }
0xf: {  	[smem:$0x3FAD] =	sst s7  }
0x10: {  	[smem:$0x3FAE] =	sst s8  }
0x11: {  	[smem:$0x3FAF] =	sst s9;
	s0 =	simm.s32 @!p0 $0x0  }
0x12: {  	s1 =	sld [smem:$0x3F95];
	s0 =	simm.s32 @p0 $0x1  }
0x13: {  	[smem:$0x3FB0] =	sst s0;
	s0 =	simm.s32 @!p1 $0x0  }
0x14: {  	s2 =	sld [smem:$0x3F94];
	s0 =	simm.s32 @p1 $0x1  }
0x15: {  	[smem:$0x3FB1] =	sst s0;
	s0 =	simm.s32 @!p2 $0x0  }
0x16: {  	s3 =	sld [smem:$0x3FDB];
	s0 =	simm.s32 @p2 $0x1  }
0x17: {  	s4 =	simm.s32 $0x1BF5;
	[smem:$0x3FB3] =	sst s0  }
0x18: {  	s0 =	sld [smem:$0x3F96];
	_ =	swait.ge [sflag:s4], $0x0  }
0x19: {  	s7 =	sld [smem:$0x3F97]  }
0x1a: {  	s8 =	sadd.s32 $0xFFFFE003, lr  }
0x1b: {  	s9 =	sadd.s32 $0xFFFFFEF7, lr;
	s5 =	simm.s32 $0xFFFFFFFF;
	p2 =	slt.u32 s8, $0xFFFFF086  }
0x1c: {  	p1 =	slt.u32 s9, $0xF7A;
	s5 =	simm.s32 @!p2 $0x0  }
0x1d: {  	s5 =	simm.s32 @p1 $0x1;
	p0 =	seq.s32 s7, s2  }
0x1e: {  	s7 =	smul.u32 @!p0 $0xF7A, s2;
	p2 =	seq.s32 @!p0 s5, $0x0  }
0x1f: {  	s9 =	smul.u32 $0xF7A, s1;
	s8 =	simm.s32 @!p0 $0x1BF5;
	p2 =	por !p2, p0  }
0x20: {  	[sflag:s8] =	ssyncset.s32 @!p0 $0xFFFFF086;
	s6 =	sadd.s32 @!p0 s3, s7;
	s7 =	simm.s32 @!p0 $0x108  }
0x21: {  	s3 =	sadd.s32 s3, s9;
	s6 =	sadd.s32 @!p0 $0x88, s6;
	s7 =	simm.s32 @p2 $0x1082  }
0x22: {  	[simem:s7], [sflag:s8] =	dma.local @!p0 [hbm:s6], $0xF7A  }
0x23: {  	s9 =	sor.u32 $0xD0000000, s2;
	s6 =	simm.s32 $0x108;
	_ =	swait.ge @!p0 [sflag:s8], $0x0  }
0x24: {  	s3 =	sadd.s32 $0x88, s3;
	s6 =	simm.s32 @!p1 $0x1082;
	[sflag:s4] =	ssyncset.s32 $0xFFFFF086  }
0x25: {  	[simem:s6], [sflag:s4] =	dma.local [hbm:s3], $0xF7A  }
0x26: {  	[smem:$0x3F97] =	sst s1;
	(tag) =	ssettag s2;
	_ =	strace s9  }
0x27: {  	s1 =	sld [smem:$0x3FA7]  }
0x28: {  	s2 =	sld [smem:$0x3FA8]  }
0x29: {  	s4 =	sld [smem:$0x3FAA]  }
0x2a: {  	p0 =	seq.s32 s5, $0x0;
	s5 =	sld [smem:$0x3FAB]  }
0x2b: {  	s6 =	sld [smem:$0x3FAC]  }
0x2c: {  	s7 =	sld [smem:$0x3FAD]  }
0x2d: {  	s3 =	simm.s32 $0x108;
	s8 =	sld [smem:$0x3FAE]  }
0x2e: {  	s3 =	simm.s32 @!p0 $0x1082;
	s9 =	sld [smem:$0x3FAF]  }
0x2f: {  	lr =	sadd.s32 s0, s3;
	s0 =	sld [smem:$0x3FA6]  }
0x30: {  	s3 =	sld [smem:$0x3FA9]  }
0x31: {  	[smem:$0x3FB2] =	sst s10  }
0x32: {  	s10 =	sld [smem:$0x3FB0];
	_ =	sdelay $0x3  }
0x33: {  	p0 =	seq.s32 s10, $0x1;
	s10 =	sld [smem:$0x3FB2];
	_ =	sdelay $0x3  }
0x34: {  	[smem:$0x3FB2] =	sst s10  }
0x35: {  	s10 =	sld [smem:$0x3FB1];
	_ =	sdelay $0x3  }
0x36: {  	p1 =	seq.s32 s10, $0x1;
	s10 =	sld [smem:$0x3FB2];
	_ =	sdelay $0x3  }
0x37: {  	[smem:$0x3FB2] =	sst s10  }
0x38: {  	s10 =	sld [smem:$0x3FB3]  }
0x39: {  	_ = 	snop;
	(pc) =	sbr.ind lr, $3  }
0x3a: {  	_ = 	snop  }
0x3b: {  	_ = 	snop  }
0x3c: {  	p2 =	seq.s32 s10, $0x1;
	s10 =	sld [smem:$0x3FB2]  }
0x3d: {  	_ =	shalt  }
0x3e: {  	_ =	shalt  }
0x3f: {  	_ =	shalt  }
0x40: {  	_ =	shalt  }
0x41: {  	_ =	shalt  }
0x42: {  	_ =	shalt  }
0x43: {  	_ =	shalt  }
0x44: {  	_ =	shalt  }
0x45: {  	_ =	shalt  }
0x46: {  	_ =	shalt  }
0x47: {  	_ =	shalt  }
0x48: {  	_ =	shalt  }
0x49: {  	_ =	shalt  }
0x4a: {  	_ =	shalt  }
0x4b: {  	_ =	shalt  }
0x4c: {  	_ =	shalt  }
0x4d: {  	_ =	shalt  }
0x4e: {  	_ =	shalt  }
0x4f: {  	_ =	shalt  }
0x50: {  	_ =	shalt  }
0x51: {  	_ =	shalt  }
0x52: {  	_ =	shalt  }
0x53: {  	_ =	shalt  }
0x54: {  	_ =	shalt  }
0x55: {  	_ =	shalt  }
0x56: {  	_ =	shalt  }
0x57: {  	_ =	shalt  }
0x58: {  	_ =	shalt  }
0x59: {  	_ =	shalt  }
0x5a: {  	_ =	shalt  }
0x5b: {  	_ =	shalt  }
0x5c: {  	_ =	shalt  }
0x5d: {  	_ =	shalt  }
0x5e: {  	_ =	shalt  }
0x5f: {  	_ =	shalt  }
0x60: {  	_ =	shalt  }
0x61: {  	_ =	shalt  }
0x62: {  	_ =	shalt  }
0x63: {  	_ =	shalt  }
0x64: {  	_ =	shalt  }
0x65: {  	_ =	shalt  }
0x66: {  	_ =	shalt  }
0x67: {  	_ =	shalt  }
0x68: {  	_ =	shalt  }
0x69: {  	_ =	shalt  }
0x6a: {  	_ =	shalt  }
0x6b: {  	_ =	shalt  }
0x6c: {  	_ =	shalt  }
0x6d: {  	_ =	shalt  }
0x6e: {  	_ =	shalt  }
0x6f: {  	_ =	shalt  }
0x70: {  	_ =	shalt  }
0x71: {  	_ =	shalt  }
0x72: {  	_ =	shalt  }
0x73: {  	_ =	shalt  }
0x74: {  	_ =	shalt  }
0x75: {  	_ =	shalt  }
0x76: {  	_ =	shalt  }
0x77: {  	_ =	shalt  }
0x78: {  	_ =	shalt  }
0x79: {  	_ =	shalt  }
0x7a: {  	_ =	shalt  }
0x7b: {  	_ =	shalt  }
0x7c: {  	_ =	shalt  }
0x7d: {  	_ =	shalt  }
0x7e: {  	_ =	shalt  }
0x7f: {  	_ =	shalt  }
0x80: {  	_ =	shalt  }
0x81: {  	_ =	shalt  }
0x82: {  	_ =	shalt  }
0x83: {  	_ =	shalt  }
0x84: {  	_ =	shalt  }
0x85: {  	_ =	shalt  }
0x86: {  	_ =	shalt  }
0x87: {  	_ =	shalt  }
.Lfunc_end0:
.L_simem_size_0:
called_computation.2_lowered:
.L_overlay_start_0:
0x88: {  	s2 =	sld [smem:$0x3FD9]  }
0x89: {  	s3 =	sld [smem:$0x3FFE];
	_ =	sdelay $0x1  }
0x8a: {  	s1 =	srdreg.scid  }
0x8b: {  	s0 =	sand.u32 $0x1, s1  }
0x8c: {  	s16 =	sshll.u32 s0, $0xA;
	s2 =	sadd.s32 s3, s2  }
0x8d: {  	s2 =	sadd.s32 s2, s16  }
0x8e: {  	[smem:$0x3FBE] =	sst s2  }
0x8f: {  	_ = 	snop  }
0x90: {  	(tm) =	ssettm $0x1  }
0x91: {  	s17 =	sld [smem:$0x3FFB];
	_ =	sdelay $0x3  }
0x92: {  	_ =	strace s17  }
0x93: {  	s2 =	sld [smem:$0x3FFC];
	_ =	sdelay $0x3  }
0x94: {  	_ =	strace s2  }
0x95: {  	s2 =	sld [smem:$0x3FFD];
	_ =	sdelay $0x3  }
0x96: {  	_ =	strace s2  }
0x97: {  	_ =	strace $0x8FFFFFFF  }
0x98: {  	s18 =	sld [smem:$0x3FDB];
	_ =	sdelay $0x1  }
0x99: {  	s19 =	simm.s32 $_scs_section_size  }
0x9a: {  	s4 =	simm.s32 $_size__tile_overlayer_lowered;
	s5 =	simm.s32 $_tile_overlayer_lowered  }
0x9b: {  	s22 =	simm.s32 $0x1BFF;
	s21 =	sshll.u32 s5, $0x1;
	s2 =	sadd.s32 s19, s18  }
0x9c: {  	s6 =	simm.s32 $0x0;
	s20 =	sshll.u32 s4, $0x1;
	s4 =	sadd.s32 s21, s2  }
0x9d: {  	[timem:s6], [sflag:s22] =	dma.local [hbm:s4], s20  }
0x9e: {  	_ =	swait.ge [sflag:s22], s20  }
0x9f: {  	s3 =	ssub.s32 $0x0, s20;
	[sflag:s22] =	ssyncset.done $0x0  }
0xa0: {  	[sflag:s22] =	ssyncadd.s32 s3;
	_ =	sdelay $0x1  }
0xa1: {  	s23 =	simm.s32 $0x1B8B  }
0xa2: {  	_ =	swait.ge [sflag:s23], $0x1  }
0xa3: {  	[sflag:s23] =	ssyncset.done $0x0  }
0xa4: {  	s25 =	simm.s32 $0x1B8E;
	s24 =	sld [smem:$0x3FFE];
	[sflag:s23] =	ssyncadd.s32 $0xFFFFFFFF  }
0xa5: {  	s26 =	simm.s32 $execute0_lowered;
	[smem:$0x3FD2] =	sst s25  }
0xa6: {  	s4 =	sshll.u32 s26, $0x1;
	_ =	strace $0x8000004C;
	[dreg:$0x1] =	wrdreg $0xFFFFFFFF  }
0xa7: {  	s28 =	simm.s32 $_size_execute0_lowered;
	s2 =	sadd.s32 s2, s4;
	[dreg:$0x0] =	wrdreg $0x0  }
0xa8: {  	s4 =	sshll.u32 s28, $0x1;
	[dreg:$0x2] =	wrdreg s2  }
0xa9: {  	[dreg:$0x3] =	wrdreg s4  }
0xaa: {  	[dreg:$0x4] =	wrdreg $0xC0  }
0xab: {  	_ =	task [dreg:s6], $0x5FFFF  }
0xac: {  	[dreg:$0x1] =	wrdreg $0xFFFFFFFF  }
0xad: {  	[dreg:$0x0] =	wrdreg $0x60  }
0xae: {  	[dreg:$0x2] =	wrdreg s24  }
0xaf: {  	[dreg:$0x3] =	wrdreg $0xA8000  }
0xb0: {  	[dreg:$0x4] =	wrdreg $0x9  }
0xb1: {  	_ =	task.clear_ibuf [dreg:s6], $0x5FFFF;
	_ =	strace $0x9000004C  }
0xb2: {  	s29 =	simm.s32 $0x9;
	_ =	strace $0x8000004E  }
0xb3: {  	_ =	swait.ge [sflag:s29], $0x1  }
0xb4: {  	[sflag:s29] =	ssyncadd.s32 $0xFFFFFFFF  }
0xb5: {  	_ =	strace $0x9000004E  }
0xb6: {  	_ =	sfence  }
0xb7: {  	s30 =	sld [smem:$0x0];
	_ =	sdelay $0x2  }
0xb8: {  	s31 =	sshll.u32 s1, $0xD;
	s1 =	sshrl.u32 s1, $0x2  }
0xb9: {  	s3 =	sand.u32 $0x4000, s31;
	s1 =	sadd.s32 s1, s30  }
0xba: {  	s0 =	sor.u32 s3, s0;
	s1 =	sshll.u32 s1, $0x11  }
0xbb: {  	s0 =	sor.u32 s1, s0  }
0xbc: {  	s0 =	sadd.s32 $0x8F2B, s0  }
0xbd: {  	[sflag:s0] =	ssyncadd.remote.s32 $0x1  }
0xbe: {  	_ =	sfence.sel $0xFFFF  }
0xbf: {  	[dreg:$0x0] =	wrdreg $0xFFFFFFFF;
	(pc) =	sbr.abs _section_cstart, $3  }
0xc0: {  	[dreg:$0x1] =	wrdreg $0xFFFFFFFF  }
0xc1: {  	_ =	task.clear_ibuf [dreg:s6], $0x2FFFF;
	_ =	strace $0x9FFFFFFF  }
0xc2: {  	(tm) =	ssettm $0x7FFFFFFF  }
0xc3: {  	_ =	shalt  }
tec
execute0_lowered:
.L_overlay_start_1:
0x0: {  	(tag) =	ssettag $0x1  }
0x1: {  	s0 =	rddreg [dreg:$0x0]  }
0x2: {  	s1 =	rddreg [dreg:$0x1]  }
0x3: {  	s3 =	simm.s32 $0x0;
	s2 =	srdreg.scid;
	s8 =	stileid.u32  }
0x4: {  	s16 =	simm.s32 $0x2800;
	s17 =	simm.s32 $0x4;
	s18 =	simm.s32 $0x1400  }
0x5: {  	s19 =	simm.s32 $0x7D;
	s20 =	simm.s32 $0x80;
	s21 =	simm.s32 $0x6800  }
0x6: {  	s22 =	simm.s32 $0x1;
	s23 =	simm.s32 $0x100;
	s28 =	simm.s32 $0x1380  }
0x7: {  	s29 =	simm.s32 $0x2700;
	s30 =	simm.s32 $0x2780;
	s31 =	simm.s32 $0x0  }
0x8: {  	[smem:$0x7FF] =	sst s3;
	s2 =	sand.u32 $0x1, s2;
	s6 =	smul.u32 $0x14000, s8  }
0x9: {  	s4 =	sadd.s32 $0x3F000, s0;
	s12 =	sadd.s32 $0x2B000, s0;
	s7 =	smul.u32 $0x50000, s8  }
0xa: {  	s5 =	smul.u32 $0x140000, s2;
	s24 =	sshll.u32 s2, $0x4;
	s2 =	ssub.s32 $0x2, s2  }
0xb: {  	s13 =	sadd.s32 $0x35000, s0;
	_ =	strace $0x8000004D;
	s25 =	sshrl.u32 s2, $0x1  }
0xc: {  	s7 =	sshrl.u32 s7, $0x2;
	s5 =	sadd.s32 s6, s5;
	s6 =	sor.u32 s8, s24  }
0xd: {  	s2 =	ssub.s32 s2, s25;
	s24 =	simm.s32 $0x2;
	s5 =	sshrl.u32 s5, $0x3  }
0xe: {  	s9 =	smul.u32 $0x2800, s6;
	s0 =	sadd.s32 s5, s0;
	s5 =	sadd.s32 s7, s1  }
0xf: {  	s25 =	simm.s32 $0x1480;
	s15 =	smax.u32 s2, $0x1;
	s26 =	sadd.s32 $0x4000, s5  }
0x10: {  	s7 =	sadd.s32 $0x8000, s5;
	s11 =	sshrl.u32 s9, $0x3;
	s8 =	sadd.s32 $0xC000, s5  }
0x11: {  	s9 =	sadd.s32 $0x10000, s5;
	[dreg:$0x3] =	wrdreg s26;
	s14 =	sadd.s32 $0x280, s11  }
0x12: {  	s10 =	sadd.s32 s12, s11;
	s11 =	sadd.s32 s13, s11;
	s26 =	simm.s32 $0x3  }
0x13: {  	v0 =	vimm.f32 $0.0e+00;
	s12 =	sadd.s32 s12, s14;
	s13 =	sadd.s32 s13, s14;
	s14 =	sadd.s32 $0x67000, s0  }
.LBB2_1:
0x14: {  	s0 =	simm.s32 $0x0;
	s2 =	simm.s32 $0x200  }
.LBB2_2:
0x15: {  	p0 =	sne.s32 s2, $0xFE00;
	[tilespmem:s0+$0x2870] =	vst v0  }
0x16: {  	[tilespmem:s0+$0x2800] =	vst v0  }
0x17: {  	[tilespmem:s0+$0x2810] =	vst v0  }
.Ltmp0:
0x18: {  	[tilespmem:s0+$0x2820] =	vst v0;
	(pc) =	sbr.rel @p0 .LBB2_2-.Ltmp0, $4  }
0x19: {  	[tilespmem:s0+$0x2830] =	vst v0  }
0x1a: {  	[tilespmem:s0+$0x2840] =	vst v0  }
0x1b: {  	[tilespmem:s0+$0x2850] =	vst v0  }
0x1c: {  	[tilespmem:s0+$0x2860] =	vst v0;
	s0 =	sshra.s32 s2, $0x2;
	s2 =	sadd.s32 $0x200, s2  }
0x1d: {  	[tilespmem:s0+$0x2870] =	vst v0  }
0x1e: {  	[tilespmem:s0+$0x2800] =	vst v0  }
0x1f: {  	[tilespmem:s0+$0x2810] =	vst v0  }
0x20: {  	[tilespmem:s0+$0x2820] =	vst v0  }
0x21: {  	[tilespmem:s0+$0x2830] =	vst v0  }
0x22: {  	[tilespmem:s0+$0x2840] =	vst v0  }
0x23: {  	[tilespmem:s0+$0x2850] =	vst v0  }
0x24: {  	[tilespmem:s0+$0x2860] =	vst v0  }
0x25: {  	[spmem:s5] =	stream.linear.scatter [tilespmem:s16], [sflag:$0x4], $0x4000, $0x38;
	[tilespmem:$0x1E800] =	vst v63  }
0x26: {  	_ =	swait.ge [sflag:s17], $0x4000  }
0x27: {  	[sflag:s17] =	ssyncset.done $0x0  }
0x28: {  	s2 =	rddreg [dreg:$0x3];
	[sflag:s17] =	ssyncadd.s32 $0xFFFFC000  }
0x29: {  	[spmem:s2] =	stream.linear.scatter [tilespmem:s16], [sflag:$0x4], $0x4000, $0x38;
	[tilespmem:$0x1E800] =	vst v63  }
0x2a: {  	_ =	swait.ge [sflag:s17], $0x4000  }
0x2b: {  	[sflag:s17] =	ssyncset.done $0x0  }
0x2c: {  	[sflag:s17] =	ssyncadd.s32 $0xFFFFC000  }
0x2d: {  	[spmem:s7] =	stream.linear.scatter [tilespmem:s16], [sflag:$0x4], $0x4000, $0x38;
	[tilespmem:$0x1E800] =	vst v63  }
0x2e: {  	_ =	swait.ge [sflag:s17], $0x4000  }
0x2f: {  	[sflag:s17] =	ssyncset.done $0x0  }
0x30: {  	[sflag:s17] =	ssyncadd.s32 $0xFFFFC000  }
0x31: {  	[spmem:s8] =	stream.linear.scatter [tilespmem:s16], [sflag:$0x4], $0x4000, $0x38;
	[tilespmem:$0x1E800] =	vst v63  }
0x32: {  	_ =	swait.ge [sflag:s17], $0x4000  }
0x33: {  	[sflag:s17] =	ssyncset.done $0x0  }
0x34: {  	[sflag:s17] =	ssyncadd.s32 $0xFFFFC000  }
0x35: {  	[spmem:s9] =	stream.linear.scatter [tilespmem:s16], [sflag:$0x4], $0x4000, $0x38;
	[tilespmem:$0x1E800] =	vst v63  }
0x36: {  	_ =	swait.ge [sflag:s17], $0x4000  }
0x37: {  	[sflag:s17] =	ssyncset.done $0x0  }
0x38: {  	[sflag:s17] =	ssyncadd.s32 $0xFFFFC000  }
0x39: {  	[bflag:$0x0] =	sbarrier.arrive $0xFFFF  }
0x3a: {  	[tilespmem:s3], [sflag:$0x4] =	stream.linear.gather [hbm4b:s10+s3], $0x1400, $0x38;
	[tilespmem:$0x1E800] =	vst v63  }
0x3b: {  	_ =	swait.ge [sflag:s17], $0x1400  }
0x3c: {  	[sflag:s17] =	ssyncset.done $0x0  }
0x3d: {  	[sflag:s17] =	ssyncadd.s32 $0xFFFFEC00  }
0x3e: {  	[tilespmem:s18], [sflag:$0x4] =	stream.linear.gather [hbm4b:s11+s3], $0x1400, $0x38;
	[tilespmem:$0x1E800] =	vst v63  }
0x3f: {  	_ =	swait.ge [sflag:s17], $0x1400  }
0x40: {  	[sflag:s17] =	ssyncset.done $0x0  }
0x41: {  	[sflag:s17] =	ssyncadd.s32 $0xFFFFEC00  }
0x42: {  	[tilespmem:s16], [sflag:$0x1] =	stream.indirect.gather [hbm4b:s4+s19], $0x80, s3, s19, $0xb8;
	[tilespmem:$0x1E800] =	vst v63  }
0x43: {  	_ = 	snop  }
0x44: {  	[tilespmem:s21], [sflag:$0x2] =	stream.indirect.gather [hbm4b:s4+s19], $0x80, s20, s19, $0xb8;
	[tilespmem:$0x1E800] =	vst v63  }
0x45: {  	_ =	swait.ge [sflag:s22], $0x3E80  }
0x46: {  	[sflag:s22] =	ssyncset.done $0x0  }
0x47: {  	[sflag:s22] =	ssyncadd.s32 $0xFFFFC180  }
0x48: {  	[spmem:s1] =	stream.indirect.scatter.add.f32 [tilespmem:s16], [sflag:$0x4], $0x80, s18, s19, $0xb8;
	[tilespmem:$0x1E800] =	vst v63  }
0x49: {  	_ =	swait.ge [sflag:s17], $0x3E80  }
0x4a: {  	[sflag:s17] =	ssyncset.done $0x0  }
0x4b: {  	[sflag:s17] =	ssyncadd.s32 $0xFFFFC180  }
0x4c: {  	[tilespmem:s16], [sflag:$0x1] =	stream.indirect.gather [hbm4b:s4+s19], $0x80, s23, s19, $0xb8;
	[tilespmem:$0x1E800] =	vst v63  }
0x4d: {  	_ =	swait.ge [sflag:s24], $0x3E80  }
0x4e: {  	[sflag:s24] =	ssyncset.done $0x0  }
0x4f: {  	[sflag:s24] =	ssyncadd.s32 $0xFFFFC180  }
0x50: {  	[spmem:s1] =	stream.indirect.scatter.add.f32 [tilespmem:s21], [sflag:$0x3], $0x80, s25, s19, $0xb8;
	[tilespmem:$0x1E800] =	vst v63  }
0x51: {  	_ =	swait.ge [sflag:s26], $0x3E80  }
0x52: {  	[sflag:s26] =	ssyncset.done $0x0  }
0x53: {  	s6 =	simm.s32 $0x180;
	[sflag:s26] =	ssyncadd.s32 $0xFFFFC180  }
0x54: {  	[tilespmem:s21], [sflag:$0x2] =	stream.indirect.gather [hbm4b:s4+s19], $0x80, s6, s19, $0xb8;
	[tilespmem:$0x1E800] =	vst v63  }
0x55: {  	_ =	swait.ge [sflag:s22], $0x3E80  }
0x56: {  	[sflag:s22] =	ssyncset.done $0x0  }
0x57: {  	s2 =	simm.s32 $0x1500;
	[sflag:s22] =	ssyncadd.s32 $0xFFFFC180  }
0x58: {  	[spmem:s1] =	stream.indirect.scatter.add.f32 [tilespmem:s16], [sflag:$0x4], $0x80, s2, s19, $0xb8;
	[tilespmem:$0x1E800] =	vst v63  }
0x59: {  	_ =	swait.ge [sflag:s17], $0x3E80  }
0x5a: {  	[sflag:s17] =	ssyncset.done $0x0  }
0x5b: {  	s6 =	simm.s32 $0x200;
	[sflag:s17] =	ssyncadd.s32 $0xFFFFC180  }
0x5c: {  	[tilespmem:s16], [sflag:$0x1] =	stream.indirect.gather [hbm4b:s4+s19], $0x80, s6, s19, $0xb8;
	[tilespmem:$0x1E800] =	vst v63  }
0x5d: {  	_ =	swait.ge [sflag:s24], $0x3E80  }
0x5e: {  	[sflag:s24] =	ssyncset.done $0x0  }
0x5f: {  	s0 =	simm.s32 $0xFFFFBC00;
	s2 =	simm.s32 $0x1580;
	[sflag:s24] =	ssyncadd.s32 $0xFFFFC180  }
.LBB2_4:
0x60: {  	[spmem:s1] =	stream.indirect.scatter.add.f32 [tilespmem:s21], [sflag:$0x3], $0x80, s2, s19, $0xb8;
	[tilespmem:$0x1E800] =	vst v63  }
0x61: {  	s2 =	smov.u32 s0  }
0x62: {  	p0 =	sne.s32 s0, $0xFFFFFC00;
	s0 =	sadd.s32 $0x400, s0;
	_ =	swait.ge [sflag:s26], $0x3E80  }
0x63: {  	s2 =	sshra.s32 s2, $0x2;
	[sflag:s26] =	ssyncset.done $0x0  }
0x64: {  	s6 =	sadd.s32 $0x1380, s2;
	[sflag:s26] =	ssyncadd.s32 $0xFFFFC180  }
0x65: {  	[tilespmem:s21], [sflag:$0x2] =	stream.indirect.gather [hbm4b:s4+s19], $0x80, s6, s19, $0xb8;
	[tilespmem:$0x1E800] =	vst v63  }
0x66: {  	_ =	swait.ge [sflag:s22], $0x3E80  }
0x67: {  	[sflag:s22] =	ssyncset.done $0x0  }
0x68: {  	s6 =	sadd.s32 $0x2700, s2;
	[sflag:s22] =	ssyncadd.s32 $0xFFFFC180  }
0x69: {  	[spmem:s1] =	stream.indirect.scatter.add.f32 [tilespmem:s16], [sflag:$0x4], $0x80, s6, s19, $0xb8;
	[tilespmem:$0x1E800] =	vst v63  }
0x6a: {  	_ =	swait.ge [sflag:s17], $0x3E80  }
0x6b: {  	[sflag:s17] =	ssyncset.done $0x0  }
.Ltmp1:
0x6c: {  	s6 =	sadd.s32 $0x1400, s2;
	[sflag:s17] =	ssyncadd.s32 $0xFFFFC180;
	(pc) =	sbr.rel @p0 .LBB2_4-.Ltmp1, $4  }
0x6d: {  	[tilespmem:s16], [sflag:$0x1] =	stream.indirect.gather [hbm4b:s4+s19], $0x80, s6, s19, $0xb8;
	[tilespmem:$0x1E800] =	vst v63  }
0x6e: {  	_ =	swait.ge [sflag:s24], $0x3E80  }
0x6f: {  	[sflag:s24] =	ssyncset.done $0x0  }
0x70: {  	s2 =	sadd.s32 $0x2780, s2;
	[sflag:s24] =	ssyncadd.s32 $0xFFFFC180  }
0x71: {  	[spmem:s1] =	stream.indirect.scatter.add.f32 [tilespmem:s21], [sflag:$0x3], $0x80, s2, s19, $0xb8;
	[tilespmem:$0x1E800] =	vst v63  }
0x72: {  	_ =	swait.ge [sflag:s26], $0x3E80  }
0x73: {  	[sflag:s26] =	ssyncset.done $0x0  }
0x74: {  	[sflag:s26] =	ssyncadd.s32 $0xFFFFC180  }
0x75: {  	[tilespmem:s21], [sflag:$0x2] =	stream.indirect.gather [hbm4b:s4+s19], $0x80, s28, s19, $0xb8;
	[tilespmem:$0x1E800] =	vst v63  }
0x76: {  	_ =	swait.ge [sflag:s22], $0x3E80  }
0x77: {  	[sflag:s22] =	ssyncset.done $0x0  }
0x78: {  	[sflag:s22] =	ssyncadd.s32 $0xFFFFC180  }
0x79: {  	[spmem:s1] =	stream.indirect.scatter.add.f32 [tilespmem:s16], [sflag:$0x4], $0x80, s29, s19, $0xb8;
	[tilespmem:$0x1E800] =	vst v63  }
0x7a: {  	_ =	swait.ge [sflag:s17], $0x3E80  }
0x7b: {  	[sflag:s17] =	ssyncset.done $0x0  }
0x7c: {  	[sflag:s17] =	ssyncadd.s32 $0xFFFFC180  }
0x7d: {  	_ =	swait.ge [sflag:s24], $0x3E80  }
0x7e: {  	[sflag:s24] =	ssyncset.done $0x0  }
0x7f: {  	[sflag:s24] =	ssyncadd.s32 $0xFFFFC180  }
0x80: {  	[spmem:s1] =	stream.indirect.scatter.add.f32 [tilespmem:s21], [sflag:$0x3], $0x80, s30, s19, $0xb8;
	[tilespmem:$0x1E800] =	vst v63  }
0x81: {  	_ =	swait.ge [sflag:s26], $0x3E80  }
0x82: {  	[sflag:s26] =	ssyncset.done $0x0  }
0x83: {  	[sflag:s26] =	ssyncadd.s32 $0xFFFFC180  }
0x84: {  	[tilespmem:s3], [sflag:$0x4] =	stream.linear.gather [hbm4b:s12+s3], $0x1400, $0x38;
	[tilespmem:$0x1E800] =	vst v63  }
0x85: {  	_ =	swait.ge [sflag:s17], $0x1400  }
0x86: {  	[sflag:s17] =	ssyncset.done $0x0  }
0x87: {  	[sflag:s17] =	ssyncadd.s32 $0xFFFFEC00  }
0x88: {  	[tilespmem:s18], [sflag:$0x4] =	stream.linear.gather [hbm4b:s13+s3], $0x1400, $0x38;
	[tilespmem:$0x1E800] =	vst v63  }
0x89: {  	_ =	swait.ge [sflag:s17], $0x1400  }
0x8a: {  	[sflag:s17] =	ssyncset.done $0x0  }
0x8b: {  	[sflag:s17] =	ssyncadd.s32 $0xFFFFEC00  }
0x8c: {  	[tilespmem:s16], [sflag:$0x1] =	stream.indirect.gather [hbm4b:s4+s19], $0x80, s3, s19, $0xb8;
	[tilespmem:$0x1E800] =	vst v63  }
0x8d: {  	_ = 	snop  }
0x8e: {  	[tilespmem:s21], [sflag:$0x2] =	stream.indirect.gather [hbm4b:s4+s19], $0x80, s20, s19, $0xb8;
	[tilespmem:$0x1E800] =	vst v63  }
0x8f: {  	_ =	swait.ge [sflag:s22], $0x3E80  }
0x90: {  	[sflag:s22] =	ssyncset.done $0x0  }
0x91: {  	[sflag:s22] =	ssyncadd.s32 $0xFFFFC180  }
0x92: {  	[spmem:s1] =	stream.indirect.scatter.add.f32 [tilespmem:s16], [sflag:$0x4], $0x80, s18, s19, $0xb8;
	[tilespmem:$0x1E800] =	vst v63  }
0x93: {  	_ =	swait.ge [sflag:s17], $0x3E80  }
0x94: {  	[sflag:s17] =	ssyncset.done $0x0  }
0x95: {  	[sflag:s17] =	ssyncadd.s32 $0xFFFFC180  }
0x96: {  	[tilespmem:s16], [sflag:$0x1] =	stream.indirect.gather [hbm4b:s4+s19], $0x80, s23, s19, $0xb8;
	[tilespmem:$0x1E800] =	vst v63  }
0x97: {  	_ =	swait.ge [sflag:s24], $0x3E80  }
0x98: {  	[sflag:s24] =	ssyncset.done $0x0  }
0x99: {  	[sflag:s24] =	ssyncadd.s32 $0xFFFFC180  }
0x9a: {  	[spmem:s1] =	stream.indirect.scatter.add.f32 [tilespmem:s21], [sflag:$0x3], $0x80, s25, s19, $0xb8;
	[tilespmem:$0x1E800] =	vst v63  }
0x9b: {  	_ =	swait.ge [sflag:s26], $0x3E80  }
0x9c: {  	[sflag:s26] =	ssyncset.done $0x0  }
0x9d: {  	s0 =	simm.s32 $0x180;
	[sflag:s26] =	ssyncadd.s32 $0xFFFFC180  }
0x9e: {  	[tilespmem:s21], [sflag:$0x2] =	stream.indirect.gather [hbm4b:s4+s19], $0x80, s0, s19, $0xb8;
	[tilespmem:$0x1E800] =	vst v63  }
0x9f: {  	_ =	swait.ge [sflag:s22], $0x3E80  }
0xa0: {  	[sflag:s22] =	ssyncset.done $0x0  }
0xa1: {  	s2 =	simm.s32 $0x1500;
	[sflag:s22] =	ssyncadd.s32 $0xFFFFC180  }
0xa2: {  	[spmem:s1] =	stream.indirect.scatter.add.f32 [tilespmem:s16], [sflag:$0x4], $0x80, s2, s19, $0xb8;
	[tilespmem:$0x1E800] =	vst v63  }
0xa3: {  	_ =	swait.ge [sflag:s17], $0x3E80  }
0xa4: {  	[sflag:s17] =	ssyncset.done $0x0  }
0xa5: {  	s6 =	simm.s32 $0x200;
	[sflag:s17] =	ssyncadd.s32 $0xFFFFC180  }
0xa6: {  	[tilespmem:s16], [sflag:$0x1] =	stream.indirect.gather [hbm4b:s4+s19], $0x80, s6, s19, $0xb8;
	[tilespmem:$0x1E800] =	vst v63  }
0xa7: {  	_ =	swait.ge [sflag:s24], $0x3E80  }
0xa8: {  	[sflag:s24] =	ssyncset.done $0x0  }
0xa9: {  	s0 =	simm.s32 $0xFFFFBC00;
	s2 =	simm.s32 $0x1580;
	[sflag:s24] =	ssyncadd.s32 $0xFFFFC180  }
.LBB2_6:
0xaa: {  	[spmem:s1] =	stream.indirect.scatter.add.f32 [tilespmem:s21], [sflag:$0x3], $0x80, s2, s19, $0xb8;
	[tilespmem:$0x1E800] =	vst v63  }
0xab: {  	s2 =	smov.u32 s0  }
0xac: {  	p0 =	sne.s32 s0, $0xFFFFFC00;
	s0 =	sadd.s32 $0x400, s0;
	_ =	swait.ge [sflag:s26], $0x3E80  }
0xad: {  	s2 =	sshra.s32 s2, $0x2;
	[sflag:s26] =	ssyncset.done $0x0  }
0xae: {  	s6 =	sadd.s32 $0x1380, s2;
	[sflag:s26] =	ssyncadd.s32 $0xFFFFC180  }
0xaf: {  	[tilespmem:s21], [sflag:$0x2] =	stream.indirect.gather [hbm4b:s4+s19], $0x80, s6, s19, $0xb8;
	[tilespmem:$0x1E800] =	vst v63  }
0xb0: {  	_ =	swait.ge [sflag:s22], $0x3E80  }
0xb1: {  	[sflag:s22] =	ssyncset.done $0x0  }
0xb2: {  	s6 =	sadd.s32 $0x2700, s2;
	[sflag:s22] =	ssyncadd.s32 $0xFFFFC180  }
0xb3: {  	[spmem:s1] =	stream.indirect.scatter.add.f32 [tilespmem:s16], [sflag:$0x4], $0x80, s6, s19, $0xb8;
	[tilespmem:$0x1E800] =	vst v63  }
0xb4: {  	_ =	swait.ge [sflag:s17], $0x3E80  }
0xb5: {  	[sflag:s17] =	ssyncset.done $0x0  }
.Ltmp2:
0xb6: {  	s6 =	sadd.s32 $0x1400, s2;
	[sflag:s17] =	ssyncadd.s32 $0xFFFFC180;
	(pc) =	sbr.rel @p0 .LBB2_6-.Ltmp2, $4  }
0xb7: {  	[tilespmem:s16], [sflag:$0x1] =	stream.indirect.gather [hbm4b:s4+s19], $0x80, s6, s19, $0xb8;
	[tilespmem:$0x1E800] =	vst v63  }
0xb8: {  	_ =	swait.ge [sflag:s24], $0x3E80  }
0xb9: {  	[sflag:s24] =	ssyncset.done $0x0  }
0xba: {  	s2 =	sadd.s32 $0x2780, s2;
	[sflag:s24] =	ssyncadd.s32 $0xFFFFC180  }
0xbb: {  	[spmem:s1] =	stream.indirect.scatter.add.f32 [tilespmem:s21], [sflag:$0x3], $0x80, s2, s19, $0xb8;
	[tilespmem:$0x1E800] =	vst v63  }
0xbc: {  	_ =	swait.ge [sflag:s26], $0x3E80  }
0xbd: {  	[sflag:s26] =	ssyncset.done $0x0  }
0xbe: {  	[sflag:s26] =	ssyncadd.s32 $0xFFFFC180  }
0xbf: {  	[tilespmem:s21], [sflag:$0x2] =	stream.indirect.gather [hbm4b:s4+s19], $0x80, s28, s19, $0xb8;
	[tilespmem:$0x1E800] =	vst v63  }
0xc0: {  	_ =	swait.ge [sflag:s22], $0x3E80  }
0xc1: {  	[sflag:s22] =	ssyncset.done $0x0  }
0xc2: {  	[sflag:s22] =	ssyncadd.s32 $0xFFFFC180  }
0xc3: {  	[spmem:s1] =	stream.indirect.scatter.add.f32 [tilespmem:s16], [sflag:$0x4], $0x80, s29, s19, $0xb8;
	[tilespmem:$0x1E800] =	vst v63  }
0xc4: {  	_ =	swait.ge [sflag:s17], $0x3E80  }
0xc5: {  	[sflag:s17] =	ssyncset.done $0x0  }
0xc6: {  	[sflag:s17] =	ssyncadd.s32 $0xFFFFC180  }
0xc7: {  	_ =	swait.ge [sflag:s24], $0x3E80  }
0xc8: {  	[sflag:s24] =	ssyncset.done $0x0  }
0xc9: {  	[sflag:s24] =	ssyncadd.s32 $0xFFFFC180  }
0xca: {  	[spmem:s1] =	stream.indirect.scatter.add.f32 [tilespmem:s21], [sflag:$0x3], $0x80, s30, s19, $0xb8;
	[tilespmem:$0x1E800] =	vst v63  }
0xcb: {  	s0 =	stileid.u32;
	_ =	swait.ge [sflag:s26], $0x3E80  }
0xcc: {  	s6 =	sshrl.u32 s5, $0x3;
	s31 =	sadd.s32 $0x1, s31;
	[sflag:s26] =	ssyncset.done $0x0  }
0xcd: {  	s0 =	sshll.u32 s0, $0x6;
	p0 =	sne.s32 s31, s15;
	[sflag:s26] =	ssyncadd.s32 $0xFFFFC180  }
.Ltmp3:
0xce: {  	s0 =	sor.u32 $0x1C04, s0;
	[bflag:$0x0] =	sbarrier.arrive $0xFFFF;
	(pc) =	sbr.rel @p0 .LBB2_1-.Ltmp3, $4  }
0xcf: {  	[hbm:s14], [sflag:s0] =	dma.local [spmem:s6], $0x2800  }
0xd0: {  	_ =	swait.ge [sflag:s17], $0x2800  }
0xd1: {  	[sflag:s17] =	ssyncset.done $0x0  }
0xd2: {  	[sflag:s17] =	ssyncadd.s32 $0xFFFFD800  }
0xd3: {  	_ =	sfence.sel $0x180000  }
0xd4: {  	[bflag:$0x0] =	sbarrier.arrive $0xFFFF  }
0xd5: {  	_ =	strace $0x9000004D  }
0xd6: {  	s0 =	stileid.u32;
	[bflag:$0x2] =	sbarrier.arrive $0xFFFF  }
0xd7: {  	p0 =	sne.s32 s0, $0x0;
	s0 =	rddreg [dreg:$0x2]  }
0xd8: {  	s0 =	sadd.s32 @!p0 $0x100000, s0  }
0xd9: {  	[sflag:s0] =	ssyncadd.tile.s32 @!p0 $0x1;
	_ =	shalt  }
.Lfunc_end2:
_tile_overlayer_lowered:
.L_overlay_start_2:
0xda: {  	(tag) =	ssettag $0x2  }
0xdb: {  	s0 =	rddreg [dreg:$0x0];
	s2 =	stileid.u32  }
0xdc: {  	s1 =	rddreg [dreg:$0x1];
	p0 =	sne.s32 s2, $0x0  }
0xdd: {  	s3 =	rddreg [dreg:$0x2];
	[bflag:$0x3] =	sbarrier.arrive $0xFFFF;
	s2 =	simm.s32 @!p0 $0x1C04  }
0xde: {  	[timem:s3], [sflag:s2] =	dma.local @!p0 [hbm:s0], s1  }
0xdf: {  	s0 =	simm.s32 @!p0 $0x4  }
0xe0: {  	_ =	swait.ge @!p0 [sflag:s0], s1  }
0xe1: {  	s1 =	ssub.s32 @!p0 $0x0, s1;
	[sflag:s0] =	ssyncset.done @!p0 $0x0  }
0xe2: {  	[sflag:s0] =	ssyncadd.s32 @!p0 s1  }
0xe3: {  	[bflag:$0x3] =	sbarrier.arrive $0xFFFF  }
0xe4: {  	_ =	shalt  }

// kernel: kernel.19.cloned.1.call-start
scs
__scs_entry_jumppad:
0x0: {  	(pc) =	sbr.rel $0x88, $3  }
0x1: {  	(tag) =	ssettag $0x0;
	lr =	simm.s32 $0x1  }
0x2: {  	[smem:$0x3F97] =	sst lr;
	_ =	strace $0xD0000000  }
0x3: {  	_ = 	snop  }
0x4: {  	_ = 	snop  }
0x5: {  	_ = 	snop  }
0x6: {  	_ = 	snop  }
0x7: {  	_ = 	snop  }
__scs_overlays_trampoline_lowered:
0x8: {  	[smem:$0x3FA6] =	sst s0  }
0x9: {  	[smem:$0x3FA7] =	sst s1  }
0xa: {  	[smem:$0x3FA8] =	sst s2  }
0xb: {  	[smem:$0x3FA9] =	sst s3  }
0xc: {  	[smem:$0x3FAA] =	sst s4  }
0xd: {  	[smem:$0x3FAB] =	sst s5  }
0xe: {  	[smem:$0x3FAC] =	sst s6  }
0xf: {  	[smem:$0x3FAD] =	sst s7  }
0x10: {  	[smem:$0x3FAE] =	sst s8  }
0x11: {  	[smem:$0x3FAF] =	sst s9;
	s0 =	simm.s32 @!p0 $0x0  }
0x12: {  	s1 =	sld [smem:$0x3F95];
	s0 =	simm.s32 @p0 $0x1  }
0x13: {  	[smem:$0x3FB0] =	sst s0;
	s0 =	simm.s32 @!p1 $0x0  }
0x14: {  	s2 =	sld [smem:$0x3F94];
	s0 =	simm.s32 @p1 $0x1  }
0x15: {  	[smem:$0x3FB1] =	sst s0;
	s0 =	simm.s32 @!p2 $0x0  }
0x16: {  	s3 =	sld [smem:$0x3FDB];
	s0 =	simm.s32 @p2 $0x1  }
0x17: {  	s4 =	simm.s32 $0x1BF5;
	[smem:$0x3FB3] =	sst s0  }
0x18: {  	s0 =	sld [smem:$0x3F96];
	_ =	swait.ge [sflag:s4], $0x0  }
0x19: {  	s7 =	sld [smem:$0x3F97]  }
0x1a: {  	s8 =	sadd.s32 $0xFFFFE003, lr  }
0x1b: {  	s9 =	sadd.s32 $0xFFFFFEF7, lr;
	s5 =	simm.s32 $0xFFFFFFFF;
	p2 =	slt.u32 s8, $0xFFFFF086  }
0x1c: {  	p1 =	slt.u32 s9, $0xF7A;
	s5 =	simm.s32 @!p2 $0x0  }
0x1d: {  	s5 =	simm.s32 @p1 $0x1;
	p0 =	seq.s32 s7, s2  }
0x1e: {  	s7 =	smul.u32 @!p0 $0xF7A, s2;
	p2 =	seq.s32 @!p0 s5, $0x0  }
0x1f: {  	s9 =	smul.u32 $0xF7A, s1;
	s8 =	simm.s32 @!p0 $0x1BF5;
	p2 =	por !p2, p0  }
0x20: {  	[sflag:s8] =	ssyncset.s32 @!p0 $0xFFFFF086;
	s6 =	sadd.s32 @!p0 s3, s7;
	s7 =	simm.s32 @!p0 $0x108  }
0x21: {  	s3 =	sadd.s32 s3, s9;
	s6 =	sadd.s32 @!p0 $0x88, s6;
	s7 =	simm.s32 @p2 $0x1082  }
0x22: {  	[simem:s7], [sflag:s8] =	dma.local @!p0 [hbm:s6], $0xF7A  }
0x23: {  	s9 =	sor.u32 $0xD0000000, s2;
	s6 =	simm.s32 $0x108;
	_ =	swait.ge @!p0 [sflag:s8], $0x0  }
0x24: {  	s3 =	sadd.s32 $0x88, s3;
	s6 =	simm.s32 @!p1 $0x1082;
	[sflag:s4] =	ssyncset.s32 $0xFFFFF086  }
0x25: {  	[simem:s6], [sflag:s4] =	dma.local [hbm:s3], $0xF7A  }
0x26: {  	[smem:$0x3F97] =	sst s1;
	(tag) =	ssettag s2;
	_ =	strace s9  }
0x27: {  	s1 =	sld [smem:$0x3FA7]  }
0x28: {  	s2 =	sld [smem:$0x3FA8]  }
0x29: {  	s4 =	sld [smem:$0x3FAA]  }
0x2a: {  	p0 =	seq.s32 s5, $0x0;
	s5 =	sld [smem:$0x3FAB]  }
0x2b: {  	s6 =	sld [smem:$0x3FAC]  }
0x2c: {  	s7 =	sld [smem:$0x3FAD]  }
0x2d: {  	s3 =	simm.s32 $0x108;
	s8 =	sld [smem:$0x3FAE]  }
0x2e: {  	s3 =	simm.s32 @!p0 $0x1082;
	s9 =	sld [smem:$0x3FAF]  }
0x2f: {  	lr =	sadd.s32 s0, s3;
	s0 =	sld [smem:$0x3FA6]  }
0x30: {  	s3 =	sld [smem:$0x3FA9]  }
0x31: {  	[smem:$0x3FB2] =	sst s10  }
0x32: {  	s10 =	sld [smem:$0x3FB0];
	_ =	sdelay $0x3  }
0x33: {  	p0 =	seq.s32 s10, $0x1;
	s10 =	sld [smem:$0x3FB2];
	_ =	sdelay $0x3  }
0x34: {  	[smem:$0x3FB2] =	sst s10  }
0x35: {  	s10 =	sld [smem:$0x3FB1];
	_ =	sdelay $0x3  }
0x36: {  	p1 =	seq.s32 s10, $0x1;
	s10 =	sld [smem:$0x3FB2];
	_ =	sdelay $0x3  }
0x37: {  	[smem:$0x3FB2] =	sst s10  }
0x38: {  	s10 =	sld [smem:$0x3FB3]  }
0x39: {  	_ = 	snop;
	(pc) =	sbr.ind lr, $3  }
0x3a: {  	_ = 	snop  }
0x3b: {  	_ = 	snop  }
0x3c: {  	p2 =	seq.s32 s10, $0x1;
	s10 =	sld [smem:$0x3FB2]  }
0x3d: {  	_ =	shalt  }
0x3e: {  	_ =	shalt  }
0x3f: {  	_ =	shalt  }
0x40: {  	_ =	shalt  }
0x41: {  	_ =	shalt  }
0x42: {  	_ =	shalt  }
0x43: {  	_ =	shalt  }
0x44: {  	_ =	shalt  }
0x45: {  	_ =	shalt  }
0x46: {  	_ =	shalt  }
0x47: {  	_ =	shalt  }
0x48: {  	_ =	shalt  }
0x49: {  	_ =	shalt  }
0x4a: {  	_ =	shalt  }
0x4b: {  	_ =	shalt  }
0x4c: {  	_ =	shalt  }
0x4d: {  	_ =	shalt  }
0x4e: {  	_ =	shalt  }
0x4f: {  	_ =	shalt  }
0x50: {  	_ =	shalt  }
0x51: {  	_ =	shalt  }
0x52: {  	_ =	shalt  }
0x53: {  	_ =	shalt  }
0x54: {  	_ =	shalt  }
0x55: {  	_ =	shalt  }
0x56: {  	_ =	shalt  }
0x57: {  	_ =	shalt  }
0x58: {  	_ =	shalt  }
0x59: {  	_ =	shalt  }
0x5a: {  	_ =	shalt  }
0x5b: {  	_ =	shalt  }
0x5c: {  	_ =	shalt  }
0x5d: {  	_ =	shalt  }
0x5e: {  	_ =	shalt  }
0x5f: {  	_ =	shalt  }
0x60: {  	_ =	shalt  }
0x61: {  	_ =	shalt  }
0x62: {  	_ =	shalt  }
0x63: {  	_ =	shalt  }
0x64: {  	_ =	shalt  }
0x65: {  	_ =	shalt  }
0x66: {  	_ =	shalt  }
0x67: {  	_ =	shalt  }
0x68: {  	_ =	shalt  }
0x69: {  	_ =	shalt  }
0x6a: {  	_ =	shalt  }
0x6b: {  	_ =	shalt  }
0x6c: {  	_ =	shalt  }
0x6d: {  	_ =	shalt  }
0x6e: {  	_ =	shalt  }
0x6f: {  	_ =	shalt  }
0x70: {  	_ =	shalt  }
0x71: {  	_ =	shalt  }
0x72: {  	_ =	shalt  }
0x73: {  	_ =	shalt  }
0x74: {  	_ =	shalt  }
0x75: {  	_ =	shalt  }
0x76: {  	_ =	shalt  }
0x77: {  	_ =	shalt  }
0x78: {  	_ =	shalt  }
0x79: {  	_ =	shalt  }
0x7a: {  	_ =	shalt  }
0x7b: {  	_ =	shalt  }
0x7c: {  	_ =	shalt  }
0x7d: {  	_ =	shalt  }
0x7e: {  	_ =	shalt  }
0x7f: {  	_ =	shalt  }
0x80: {  	_ =	shalt  }
0x81: {  	_ =	shalt  }
0x82: {  	_ =	shalt  }
0x83: {  	_ =	shalt  }
0x84: {  	_ =	shalt  }
0x85: {  	_ =	shalt  }
0x86: {  	_ =	shalt  }
0x87: {  	_ =	shalt  }
.Lfunc_end0:
.L_simem_size_0:
called_computation.3_lowered:
.L_overlay_start_0:
0x88: {  	s2 =	sld [smem:$0x3FD9]  }
0x89: {  	s3 =	sld [smem:$0x3FFE];
	_ =	sdelay $0x1  }
0x8a: {  	s1 =	srdreg.scid  }
0x8b: {  	s0 =	sand.u32 $0x1, s1  }
0x8c: {  	s16 =	sshll.u32 s0, $0xA;
	s2 =	sadd.s32 s3, s2  }
0x8d: {  	s2 =	sadd.s32 s2, s16  }
0x8e: {  	[smem:$0x3FBE] =	sst s2  }
0x8f: {  	_ = 	snop  }
0x90: {  	(tm) =	ssettm $0x1  }
0x91: {  	s17 =	sld [smem:$0x3FFB];
	_ =	sdelay $0x3  }
0x92: {  	_ =	strace s17  }
0x93: {  	s2 =	sld [smem:$0x3FFC];
	_ =	sdelay $0x3  }
0x94: {  	_ =	strace s2  }
0x95: {  	s2 =	sld [smem:$0x3FFD];
	_ =	sdelay $0x3  }
0x96: {  	_ =	strace s2  }
0x97: {  	_ =	strace $0x8FFFFFFF  }
0x98: {  	s18 =	sld [smem:$0x3FDB];
	_ =	sdelay $0x1  }
0x99: {  	s19 =	simm.s32 $_scs_section_size  }
0x9a: {  	s4 =	simm.s32 $_size__tile_overlayer_lowered;
	s5 =	simm.s32 $_tile_overlayer_lowered  }
0x9b: {  	s22 =	simm.s32 $0x1BFF;
	s21 =	sshll.u32 s5, $0x1;
	s2 =	sadd.s32 s19, s18  }
0x9c: {  	s6 =	simm.s32 $0x0;
	s20 =	sshll.u32 s4, $0x1;
	s4 =	sadd.s32 s21, s2  }
0x9d: {  	[timem:s6], [sflag:s22] =	dma.local [hbm:s4], s20  }
0x9e: {  	_ =	swait.ge [sflag:s22], s20  }
0x9f: {  	s3 =	ssub.s32 $0x0, s20;
	[sflag:s22] =	ssyncset.done $0x0  }
0xa0: {  	[sflag:s22] =	ssyncadd.s32 s3;
	_ =	sdelay $0x1  }
0xa1: {  	s23 =	simm.s32 $0x1B8B  }
0xa2: {  	_ =	swait.ge [sflag:s23], $0x1  }
0xa3: {  	[sflag:s23] =	ssyncset.done $0x0  }
0xa4: {  	s25 =	simm.s32 $0x1B8E;
	s24 =	sld [smem:$0x3FFE];
	[sflag:s23] =	ssyncadd.s32 $0xFFFFFFFF  }
0xa5: {  	s26 =	simm.s32 $execute0_lowered;
	[smem:$0x3FD2] =	sst s25  }
0xa6: {  	s4 =	sshll.u32 s26, $0x1;
	_ =	strace $0x8000004F;
	[dreg:$0x1] =	wrdreg $0xFFFFFFFF  }
0xa7: {  	s28 =	simm.s32 $_size_execute0_lowered;
	s2 =	sadd.s32 s2, s4;
	[dreg:$0x0] =	wrdreg $0x0  }
0xa8: {  	s4 =	sshll.u32 s28, $0x1;
	[dreg:$0x2] =	wrdreg s2  }
0xa9: {  	[dreg:$0x3] =	wrdreg s4  }
0xaa: {  	[dreg:$0x4] =	wrdreg $0xC0  }
0xab: {  	_ =	task [dreg:s6], $0x5FFFF  }
0xac: {  	[dreg:$0x1] =	wrdreg $0xFFFFFFFF  }
0xad: {  	[dreg:$0x0] =	wrdreg $0x60  }
0xae: {  	[dreg:$0x2] =	wrdreg s24  }
0xaf: {  	[dreg:$0x3] =	wrdreg $0xA8000  }
0xb0: {  	[dreg:$0x4] =	wrdreg $0x9  }
0xb1: {  	_ =	task.clear_ibuf [dreg:s6], $0x5FFFF;
	_ =	strace $0x9000004F  }
0xb2: {  	s29 =	simm.s32 $0x9;
	_ =	strace $0x80000051  }
0xb3: {  	_ =	swait.ge [sflag:s29], $0x1  }
0xb4: {  	[sflag:s29] =	ssyncadd.s32 $0xFFFFFFFF  }
0xb5: {  	_ =	strace $0x90000051  }
0xb6: {  	_ =	sfence  }
0xb7: {  	s30 =	sld [smem:$0x0];
	_ =	sdelay $0x2  }
0xb8: {  	s31 =	sshll.u32 s1, $0xD;
	s1 =	sshrl.u32 s1, $0x2  }
0xb9: {  	s3 =	sand.u32 $0x4000, s31;
	s1 =	sadd.s32 s1, s30  }
0xba: {  	s0 =	sor.u32 s3, s0;
	s1 =	sshll.u32 s1, $0x11  }
0xbb: {  	s0 =	sor.u32 s1, s0  }
0xbc: {  	s0 =	sadd.s32 $0x8F2B, s0  }
0xbd: {  	[sflag:s0] =	ssyncadd.remote.s32 $0x1  }
0xbe: {  	_ =	sfence.sel $0xFFFF  }
0xbf: {  	[dreg:$0x0] =	wrdreg $0xFFFFFFFF;
	(pc) =	sbr.abs _section_cstart, $3  }
0xc0: {  	[dreg:$0x1] =	wrdreg $0xFFFFFFFF  }
0xc1: {  	_ =	task.clear_ibuf [dreg:s6], $0x2FFFF;
	_ =	strace $0x9FFFFFFF  }
0xc2: {  	(tm) =	ssettm $0x7FFFFFFF  }
0xc3: {  	_ =	shalt  }
tec
execute0_lowered:
.L_overlay_start_1:
0x0: {  	(tag) =	ssettag $0x1  }
0x1: {  	s0 =	rddreg [dreg:$0x0]  }
0x2: {  	s1 =	rddreg [dreg:$0x1]  }
0x3: {  	s3 =	simm.s32 $0x0;
	s2 =	srdreg.scid;
	s8 =	stileid.u32  }
0x4: {  	s16 =	simm.s32 $0x2800;
	s17 =	simm.s32 $0x4;
	s18 =	simm.s32 $0x1400  }
0x5: {  	s19 =	simm.s32 $0x7D;
	s20 =	simm.s32 $0x80;
	s21 =	simm.s32 $0x6800  }
0x6: {  	s22 =	simm.s32 $0x1;
	s23 =	simm.s32 $0x100;
	s28 =	simm.s32 $0x1380  }
0x7: {  	s29 =	simm.s32 $0x2700;
	s30 =	simm.s32 $0x2780;
	s31 =	simm.s32 $0x0  }
0x8: {  	[smem:$0x7FF] =	sst s3;
	s2 =	sand.u32 $0x1, s2;
	s6 =	smul.u32 $0x14000, s8  }
0x9: {  	s4 =	sadd.s32 $0x3F000, s0;
	s12 =	sadd.s32 $0x2B000, s0;
	s7 =	smul.u32 $0x50000, s8  }
0xa: {  	s5 =	smul.u32 $0x140000, s2;
	s24 =	sshll.u32 s2, $0x4;
	s2 =	ssub.s32 $0x2, s2  }
0xb: {  	s13 =	sadd.s32 $0x35000, s0;
	_ =	strace $0x80000050;
	s25 =	sshrl.u32 s2, $0x1  }
0xc: {  	s7 =	sshrl.u32 s7, $0x2;
	s5 =	sadd.s32 s6, s5;
	s6 =	sor.u32 s8, s24  }
0xd: {  	s2 =	ssub.s32 s2, s25;
	s24 =	simm.s32 $0x2;
	s5 =	sshrl.u32 s5, $0x3  }
0xe: {  	s9 =	smul.u32 $0x2800, s6;
	s0 =	sadd.s32 s5, s0;
	s5 =	sadd.s32 s7, s1  }
0xf: {  	s25 =	simm.s32 $0x1480;
	s15 =	smax.u32 s2, $0x1;
	s26 =	sadd.s32 $0x4000, s5  }
0x10: {  	s7 =	sadd.s32 $0x8000, s5;
	s11 =	sshrl.u32 s9, $0x3;
	s8 =	sadd.s32 $0xC000, s5  }
0x11: {  	s9 =	sadd.s32 $0x10000, s5;
	[dreg:$0x3] =	wrdreg s26;
	s14 =	sadd.s32 $0x280, s11  }
0x12: {  	s10 =	sadd.s32 s12, s11;
	s11 =	sadd.s32 s13, s11;
	s26 =	simm.s32 $0x3  }
0x13: {  	v0 =	vimm.f32 $0.0e+00;
	s12 =	sadd.s32 s12, s14;
	s13 =	sadd.s32 s13, s14;
	s14 =	sadd.s32 $0x67000, s0  }
.LBB2_1:
0x14: {  	s0 =	simm.s32 $0x0;
	s2 =	simm.s32 $0x200  }
.LBB2_2:
0x15: {  	p0 =	sne.s32 s2, $0xFE00;
	[tilespmem:s0+$0x2870] =	vst v0  }
0x16: {  	[tilespmem:s0+$0x2800] =	vst v0  }
0x17: {  	[tilespmem:s0+$0x2810] =	vst v0  }
.Ltmp0:
0x18: {  	[tilespmem:s0+$0x2820] =	vst v0;
	(pc) =	sbr.rel @p0 .LBB2_2-.Ltmp0, $4  }
0x19: {  	[tilespmem:s0+$0x2830] =	vst v0  }
0x1a: {  	[tilespmem:s0+$0x2840] =	vst v0  }
0x1b: {  	[tilespmem:s0+$0x2850] =	vst v0  }
0x1c: {  	[tilespmem:s0+$0x2860] =	vst v0;
	s0 =	sshra.s32 s2, $0x2;
	s2 =	sadd.s32 $0x200, s2  }
0x1d: {  	[tilespmem:s0+$0x2870] =	vst v0  }
0x1e: {  	[tilespmem:s0+$0x2800] =	vst v0  }
0x1f: {  	[tilespmem:s0+$0x2810] =	vst v0  }
0x20: {  	[tilespmem:s0+$0x2820] =	vst v0  }
0x21: {  	[tilespmem:s0+$0x2830] =	vst v0  }
0x22: {  	[tilespmem:s0+$0x2840] =	vst v0  }
0x23: {  	[tilespmem:s0+$0x2850] =	vst v0  }
0x24: {  	[tilespmem:s0+$0x2860] =	vst v0  }
0x25: {  	[spmem:s5] =	stream.linear.scatter [tilespmem:s16], [sflag:$0x4], $0x4000, $0x38;
	[tilespmem:$0x1E800] =	vst v63  }
0x26: {  	_ =	swait.ge [sflag:s17], $0x4000  }
0x27: {  	[sflag:s17] =	ssyncset.done $0x0  }
0x28: {  	s2 =	rddreg [dreg:$0x3];
	[sflag:s17] =	ssyncadd.s32 $0xFFFFC000  }
0x29: {  	[spmem:s2] =	stream.linear.scatter [tilespmem:s16], [sflag:$0x4], $0x4000, $0x38;
	[tilespmem:$0x1E800] =	vst v63  }
0x2a: {  	_ =	swait.ge [sflag:s17], $0x4000  }
0x2b: {  	[sflag:s17] =	ssyncset.done $0x0  }
0x2c: {  	[sflag:s17] =	ssyncadd.s32 $0xFFFFC000  }
0x2d: {  	[spmem:s7] =	stream.linear.scatter [tilespmem:s16], [sflag:$0x4], $0x4000, $0x38;
	[tilespmem:$0x1E800] =	vst v63  }
0x2e: {  	_ =	swait.ge [sflag:s17], $0x4000  }
0x2f: {  	[sflag:s17] =	ssyncset.done $0x0  }
0x30: {  	[sflag:s17] =	ssyncadd.s32 $0xFFFFC000  }
0x31: {  	[spmem:s8] =	stream.linear.scatter [tilespmem:s16], [sflag:$0x4], $0x4000, $0x38;
	[tilespmem:$0x1E800] =	vst v63  }
0x32: {  	_ =	swait.ge [sflag:s17], $0x4000  }
0x33: {  	[sflag:s17] =	ssyncset.done $0x0  }
0x34: {  	[sflag:s17] =	ssyncadd.s32 $0xFFFFC000  }
0x35: {  	[spmem:s9] =	stream.linear.scatter [tilespmem:s16], [sflag:$0x4], $0x4000, $0x38;
	[tilespmem:$0x1E800] =	vst v63  }
0x36: {  	_ =	swait.ge [sflag:s17], $0x4000  }
0x37: {  	[sflag:s17] =	ssyncset.done $0x0  }
0x38: {  	[sflag:s17] =	ssyncadd.s32 $0xFFFFC000  }
0x39: {  	[bflag:$0x0] =	sbarrier.arrive $0xFFFF  }
0x3a: {  	[tilespmem:s3], [sflag:$0x4] =	stream.linear.gather [hbm4b:s10+s3], $0x1400, $0x38;
	[tilespmem:$0x1E800] =	vst v63  }
0x3b: {  	_ =	swait.ge [sflag:s17], $0x1400  }
0x3c: {  	[sflag:s17] =	ssyncset.done $0x0  }
0x3d: {  	[sflag:s17] =	ssyncadd.s32 $0xFFFFEC00  }
0x3e: {  	[tilespmem:s18], [sflag:$0x4] =	stream.linear.gather [hbm4b:s11+s3], $0x1400, $0x38;
	[tilespmem:$0x1E800] =	vst v63  }
0x3f: {  	_ =	swait.ge [sflag:s17], $0x1400  }
0x40: {  	[sflag:s17] =	ssyncset.done $0x0  }
0x41: {  	[sflag:s17] =	ssyncadd.s32 $0xFFFFEC00  }
0x42: {  	[tilespmem:s16], [sflag:$0x1] =	stream.indirect.gather [hbm4b:s4+s19], $0x80, s3, s19, $0xb8;
	[tilespmem:$0x1E800] =	vst v63  }
0x43: {  	_ = 	snop  }
0x44: {  	[tilespmem:s21], [sflag:$0x2] =	stream.indirect.gather [hbm4b:s4+s19], $0x80, s20, s19, $0xb8;
	[tilespmem:$0x1E800] =	vst v63  }
0x45: {  	_ =	swait.ge [sflag:s22], $0x3E80  }
0x46: {  	[sflag:s22] =	ssyncset.done $0x0  }
0x47: {  	[sflag:s22] =	ssyncadd.s32 $0xFFFFC180  }
0x48: {  	[spmem:s1] =	stream.indirect.scatter.add.f32 [tilespmem:s16], [sflag:$0x4], $0x80, s18, s19, $0xb8;
	[tilespmem:$0x1E800] =	vst v63  }
0x49: {  	_ =	swait.ge [sflag:s17], $0x3E80  }
0x4a: {  	[sflag:s17] =	ssyncset.done $0x0  }
0x4b: {  	[sflag:s17] =	ssyncadd.s32 $0xFFFFC180  }
0x4c: {  	[tilespmem:s16], [sflag:$0x1] =	stream.indirect.gather [hbm4b:s4+s19], $0x80, s23, s19, $0xb8;
	[tilespmem:$0x1E800] =	vst v63  }
0x4d: {  	_ =	swait.ge [sflag:s24], $0x3E80  }
0x4e: {  	[sflag:s24] =	ssyncset.done $0x0  }
0x4f: {  	[sflag:s24] =	ssyncadd.s32 $0xFFFFC180  }
0x50: {  	[spmem:s1] =	stream.indirect.scatter.add.f32 [tilespmem:s21], [sflag:$0x3], $0x80, s25, s19, $0xb8;
	[tilespmem:$0x1E800] =	vst v63  }
0x51: {  	_ =	swait.ge [sflag:s26], $0x3E80  }
0x52: {  	[sflag:s26] =	ssyncset.done $0x0  }
0x53: {  	s6 =	simm.s32 $0x180;
	[sflag:s26] =	ssyncadd.s32 $0xFFFFC180  }
0x54: {  	[tilespmem:s21], [sflag:$0x2] =	stream.indirect.gather [hbm4b:s4+s19], $0x80, s6, s19, $0xb8;
	[tilespmem:$0x1E800] =	vst v63  }
0x55: {  	_ =	swait.ge [sflag:s22], $0x3E80  }
0x56: {  	[sflag:s22] =	ssyncset.done $0x0  }
0x57: {  	s2 =	simm.s32 $0x1500;
	[sflag:s22] =	ssyncadd.s32 $0xFFFFC180  }
0x58: {  	[spmem:s1] =	stream.indirect.scatter.add.f32 [tilespmem:s16], [sflag:$0x4], $0x80, s2, s19, $0xb8;
	[tilespmem:$0x1E800] =	vst v63  }
0x59: {  	_ =	swait.ge [sflag:s17], $0x3E80  }
0x5a: {  	[sflag:s17] =	ssyncset.done $0x0  }
0x5b: {  	s6 =	simm.s32 $0x200;
	[sflag:s17] =	ssyncadd.s32 $0xFFFFC180  }
0x5c: {  	[tilespmem:s16], [sflag:$0x1] =	stream.indirect.gather [hbm4b:s4+s19], $0x80, s6, s19, $0xb8;
	[tilespmem:$0x1E800] =	vst v63  }
0x5d: {  	_ =	swait.ge [sflag:s24], $0x3E80  }
0x5e: {  	[sflag:s24] =	ssyncset.done $0x0  }
0x5f: {  	s0 =	simm.s32 $0xFFFFBC00;
	s2 =	simm.s32 $0x1580;
	[sflag:s24] =	ssyncadd.s32 $0xFFFFC180  }
.LBB2_4:
0x60: {  	[spmem:s1] =	stream.indirect.scatter.add.f32 [tilespmem:s21], [sflag:$0x3], $0x80, s2, s19, $0xb8;
	[tilespmem:$0x1E800] =	vst v63  }
0x61: {  	s2 =	smov.u32 s0  }
0x62: {  	p0 =	sne.s32 s0, $0xFFFFFC00;
	s0 =	sadd.s32 $0x400, s0;
	_ =	swait.ge [sflag:s26], $0x3E80  }
0x63: {  	s2 =	sshra.s32 s2, $0x2;
	[sflag:s26] =	ssyncset.done $0x0  }
0x64: {  	s6 =	sadd.s32 $0x1380, s2;
	[sflag:s26] =	ssyncadd.s32 $0xFFFFC180  }
0x65: {  	[tilespmem:s21], [sflag:$0x2] =	stream.indirect.gather [hbm4b:s4+s19], $0x80, s6, s19, $0xb8;
	[tilespmem:$0x1E800] =	vst v63  }
0x66: {  	_ =	swait.ge [sflag:s22], $0x3E80  }
0x67: {  	[sflag:s22] =	ssyncset.done $0x0  }
0x68: {  	s6 =	sadd.s32 $0x2700, s2;
	[sflag:s22] =	ssyncadd.s32 $0xFFFFC180  }
0x69: {  	[spmem:s1] =	stream.indirect.scatter.add.f32 [tilespmem:s16], [sflag:$0x4], $0x80, s6, s19, $0xb8;
	[tilespmem:$0x1E800] =	vst v63  }
0x6a: {  	_ =	swait.ge [sflag:s17], $0x3E80  }
0x6b: {  	[sflag:s17] =	ssyncset.done $0x0  }
.Ltmp1:
0x6c: {  	s6 =	sadd.s32 $0x1400, s2;
	[sflag:s17] =	ssyncadd.s32 $0xFFFFC180;
	(pc) =	sbr.rel @p0 .LBB2_4-.Ltmp1, $4  }
0x6d: {  	[tilespmem:s16], [sflag:$0x1] =	stream.indirect.gather [hbm4b:s4+s19], $0x80, s6, s19, $0xb8;
	[tilespmem:$0x1E800] =	vst v63  }
0x6e: {  	_ =	swait.ge [sflag:s24], $0x3E80  }
0x6f: {  	[sflag:s24] =	ssyncset.done $0x0  }
0x70: {  	s2 =	sadd.s32 $0x2780, s2;
	[sflag:s24] =	ssyncadd.s32 $0xFFFFC180  }
0x71: {  	[spmem:s1] =	stream.indirect.scatter.add.f32 [tilespmem:s21], [sflag:$0x3], $0x80, s2, s19, $0xb8;
	[tilespmem:$0x1E800] =	vst v63  }
0x72: {  	_ =	swait.ge [sflag:s26], $0x3E80  }
0x73: {  	[sflag:s26] =	ssyncset.done $0x0  }
0x74: {  	[sflag:s26] =	ssyncadd.s32 $0xFFFFC180  }
0x75: {  	[tilespmem:s21], [sflag:$0x2] =	stream.indirect.gather [hbm4b:s4+s19], $0x80, s28, s19, $0xb8;
	[tilespmem:$0x1E800] =	vst v63  }
0x76: {  	_ =	swait.ge [sflag:s22], $0x3E80  }
0x77: {  	[sflag:s22] =	ssyncset.done $0x0  }
0x78: {  	[sflag:s22] =	ssyncadd.s32 $0xFFFFC180  }
0x79: {  	[spmem:s1] =	stream.indirect.scatter.add.f32 [tilespmem:s16], [sflag:$0x4], $0x80, s29, s19, $0xb8;
	[tilespmem:$0x1E800] =	vst v63  }
0x7a: {  	_ =	swait.ge [sflag:s17], $0x3E80  }
0x7b: {  	[sflag:s17] =	ssyncset.done $0x0  }
0x7c: {  	[sflag:s17] =	ssyncadd.s32 $0xFFFFC180  }
0x7d: {  	_ =	swait.ge [sflag:s24], $0x3E80  }
0x7e: {  	[sflag:s24] =	ssyncset.done $0x0  }
0x7f: {  	[sflag:s24] =	ssyncadd.s32 $0xFFFFC180  }
0x80: {  	[spmem:s1] =	stream.indirect.scatter.add.f32 [tilespmem:s21], [sflag:$0x3], $0x80, s30, s19, $0xb8;
	[tilespmem:$0x1E800] =	vst v63  }
0x81: {  	_ =	swait.ge [sflag:s26], $0x3E80  }
0x82: {  	[sflag:s26] =	ssyncset.done $0x0  }
0x83: {  	[sflag:s26] =	ssyncadd.s32 $0xFFFFC180  }
0x84: {  	[tilespmem:s3], [sflag:$0x4] =	stream.linear.gather [hbm4b:s12+s3], $0x1400, $0x38;
	[tilespmem:$0x1E800] =	vst v63  }
0x85: {  	_ =	swait.ge [sflag:s17], $0x1400  }
0x86: {  	[sflag:s17] =	ssyncset.done $0x0  }
0x87: {  	[sflag:s17] =	ssyncadd.s32 $0xFFFFEC00  }
0x88: {  	[tilespmem:s18], [sflag:$0x4] =	stream.linear.gather [hbm4b:s13+s3], $0x1400, $0x38;
	[tilespmem:$0x1E800] =	vst v63  }
0x89: {  	_ =	swait.ge [sflag:s17], $0x1400  }
0x8a: {  	[sflag:s17] =	ssyncset.done $0x0  }
0x8b: {  	[sflag:s17] =	ssyncadd.s32 $0xFFFFEC00  }
0x8c: {  	[tilespmem:s16], [sflag:$0x1] =	stream.indirect.gather [hbm4b:s4+s19], $0x80, s3, s19, $0xb8;
	[tilespmem:$0x1E800] =	vst v63  }
0x8d: {  	_ = 	snop  }
0x8e: {  	[tilespmem:s21], [sflag:$0x2] =	stream.indirect.gather [hbm4b:s4+s19], $0x80, s20, s19, $0xb8;
	[tilespmem:$0x1E800] =	vst v63  }
0x8f: {  	_ =	swait.ge [sflag:s22], $0x3E80  }
0x90: {  	[sflag:s22] =	ssyncset.done $0x0  }
0x91: {  	[sflag:s22] =	ssyncadd.s32 $0xFFFFC180  }
0x92: {  	[spmem:s1] =	stream.indirect.scatter.add.f32 [tilespmem:s16], [sflag:$0x4], $0x80, s18, s19, $0xb8;
	[tilespmem:$0x1E800] =	vst v63  }
0x93: {  	_ =	swait.ge [sflag:s17], $0x3E80  }
0x94: {  	[sflag:s17] =	ssyncset.done $0x0  }
0x95: {  	[sflag:s17] =	ssyncadd.s32 $0xFFFFC180  }
0x96: {  	[tilespmem:s16], [sflag:$0x1] =	stream.indirect.gather [hbm4b:s4+s19], $0x80, s23, s19, $0xb8;
	[tilespmem:$0x1E800] =	vst v63  }
0x97: {  	_ =	swait.ge [sflag:s24], $0x3E80  }
0x98: {  	[sflag:s24] =	ssyncset.done $0x0  }
0x99: {  	[sflag:s24] =	ssyncadd.s32 $0xFFFFC180  }
0x9a: {  	[spmem:s1] =	stream.indirect.scatter.add.f32 [tilespmem:s21], [sflag:$0x3], $0x80, s25, s19, $0xb8;
	[tilespmem:$0x1E800] =	vst v63  }
0x9b: {  	_ =	swait.ge [sflag:s26], $0x3E80  }
0x9c: {  	[sflag:s26] =	ssyncset.done $0x0  }
0x9d: {  	s0 =	simm.s32 $0x180;
	[sflag:s26] =	ssyncadd.s32 $0xFFFFC180  }
0x9e: {  	[tilespmem:s21], [sflag:$0x2] =	stream.indirect.gather [hbm4b:s4+s19], $0x80, s0, s19, $0xb8;
	[tilespmem:$0x1E800] =	vst v63  }
0x9f: {  	_ =	swait.ge [sflag:s22], $0x3E80  }
0xa0: {  	[sflag:s22] =	ssyncset.done $0x0  }
0xa1: {  	s2 =	simm.s32 $0x1500;
	[sflag:s22] =	ssyncadd.s32 $0xFFFFC180  }
0xa2: {  	[spmem:s1] =	stream.indirect.scatter.add.f32 [tilespmem:s16], [sflag:$0x4], $0x80, s2, s19, $0xb8;
	[tilespmem:$0x1E800] =	vst v63  }
0xa3: {  	_ =	swait.ge [sflag:s17], $0x3E80  }
0xa4: {  	[sflag:s17] =	ssyncset.done $0x0  }
0xa5: {  	s6 =	simm.s32 $0x200;
	[sflag:s17] =	ssyncadd.s32 $0xFFFFC180  }
0xa6: {  	[tilespmem:s16], [sflag:$0x1] =	stream.indirect.gather [hbm4b:s4+s19], $0x80, s6, s19, $0xb8;
	[tilespmem:$0x1E800] =	vst v63  }
0xa7: {  	_ =	swait.ge [sflag:s24], $0x3E80  }
0xa8: {  	[sflag:s24] =	ssyncset.done $0x0  }
0xa9: {  	s0 =	simm.s32 $0xFFFFBC00;
	s2 =	simm.s32 $0x1580;
	[sflag:s24] =	ssyncadd.s32 $0xFFFFC180  }
.LBB2_6:
0xaa: {  	[spmem:s1] =	stream.indirect.scatter.add.f32 [tilespmem:s21], [sflag:$0x3], $0x80, s2, s19, $0xb8;
	[tilespmem:$0x1E800] =	vst v63  }
0xab: {  	s2 =	smov.u32 s0  }
0xac: {  	p0 =	sne.s32 s0, $0xFFFFFC00;
	s0 =	sadd.s32 $0x400, s0;
	_ =	swait.ge [sflag:s26], $0x3E80  }
0xad: {  	s2 =	sshra.s32 s2, $0x2;
	[sflag:s26] =	ssyncset.done $0x0  }
0xae: {  	s6 =	sadd.s32 $0x1380, s2;
	[sflag:s26] =	ssyncadd.s32 $0xFFFFC180  }
0xaf: {  	[tilespmem:s21], [sflag:$0x2] =	stream.indirect.gather [hbm4b:s4+s19], $0x80, s6, s19, $0xb8;
	[tilespmem:$0x1E800] =	vst v63  }
0xb0: {  	_ =	swait.ge [sflag:s22], $0x3E80  }
0xb1: {  	[sflag:s22] =	ssyncset.done $0x0  }
0xb2: {  	s6 =	sadd.s32 $0x2700, s2;
	[sflag:s22] =	ssyncadd.s32 $0xFFFFC180  }
0xb3: {  	[spmem:s1] =	stream.indirect.scatter.add.f32 [tilespmem:s16], [sflag:$0x4], $0x80, s6, s19, $0xb8;
	[tilespmem:$0x1E800] =	vst v63  }
0xb4: {  	_ =	swait.ge [sflag:s17], $0x3E80  }
0xb5: {  	[sflag:s17] =	ssyncset.done $0x0  }
.Ltmp2:
0xb6: {  	s6 =	sadd.s32 $0x1400, s2;
	[sflag:s17] =	ssyncadd.s32 $0xFFFFC180;
	(pc) =	sbr.rel @p0 .LBB2_6-.Ltmp2, $4  }
0xb7: {  	[tilespmem:s16], [sflag:$0x1] =	stream.indirect.gather [hbm4b:s4+s19], $0x80, s6, s19, $0xb8;
	[tilespmem:$0x1E800] =	vst v63  }
0xb8: {  	_ =	swait.ge [sflag:s24], $0x3E80  }
0xb9: {  	[sflag:s24] =	ssyncset.done $0x0  }
0xba: {  	s2 =	sadd.s32 $0x2780, s2;
	[sflag:s24] =	ssyncadd.s32 $0xFFFFC180  }
0xbb: {  	[spmem:s1] =	stream.indirect.scatter.add.f32 [tilespmem:s21], [sflag:$0x3], $0x80, s2, s19, $0xb8;
	[tilespmem:$0x1E800] =	vst v63  }
0xbc: {  	_ =	swait.ge [sflag:s26], $0x3E80  }
0xbd: {  	[sflag:s26] =	ssyncset.done $0x0  }
0xbe: {  	[sflag:s26] =	ssyncadd.s32 $0xFFFFC180  }
0xbf: {  	[tilespmem:s21], [sflag:$0x2] =	stream.indirect.gather [hbm4b:s4+s19], $0x80, s28, s19, $0xb8;
	[tilespmem:$0x1E800] =	vst v63  }
0xc0: {  	_ =	swait.ge [sflag:s22], $0x3E80  }
0xc1: {  	[sflag:s22] =	ssyncset.done $0x0  }
0xc2: {  	[sflag:s22] =	ssyncadd.s32 $0xFFFFC180  }
0xc3: {  	[spmem:s1] =	stream.indirect.scatter.add.f32 [tilespmem:s16], [sflag:$0x4], $0x80, s29, s19, $0xb8;
	[tilespmem:$0x1E800] =	vst v63  }
0xc4: {  	_ =	swait.ge [sflag:s17], $0x3E80  }
0xc5: {  	[sflag:s17] =	ssyncset.done $0x0  }
0xc6: {  	[sflag:s17] =	ssyncadd.s32 $0xFFFFC180  }
0xc7: {  	_ =	swait.ge [sflag:s24], $0x3E80  }
0xc8: {  	[sflag:s24] =	ssyncset.done $0x0  }
0xc9: {  	[sflag:s24] =	ssyncadd.s32 $0xFFFFC180  }
0xca: {  	[spmem:s1] =	stream.indirect.scatter.add.f32 [tilespmem:s21], [sflag:$0x3], $0x80, s30, s19, $0xb8;
	[tilespmem:$0x1E800] =	vst v63  }
0xcb: {  	s0 =	stileid.u32;
	_ =	swait.ge [sflag:s26], $0x3E80  }
0xcc: {  	s6 =	sshrl.u32 s5, $0x3;
	s31 =	sadd.s32 $0x1, s31;
	[sflag:s26] =	ssyncset.done $0x0  }
0xcd: {  	s0 =	sshll.u32 s0, $0x6;
	p0 =	sne.s32 s31, s15;
	[sflag:s26] =	ssyncadd.s32 $0xFFFFC180  }
.Ltmp3:
0xce: {  	s0 =	sor.u32 $0x1C04, s0;
	[bflag:$0x0] =	sbarrier.arrive $0xFFFF;
	(pc) =	sbr.rel @p0 .LBB2_1-.Ltmp3, $4  }
0xcf: {  	[hbm:s14], [sflag:s0] =	dma.local [spmem:s6], $0x2800  }
0xd0: {  	_ =	swait.ge [sflag:s17], $0x2800  }
0xd1: {  	[sflag:s17] =	ssyncset.done $0x0  }
0xd2: {  	[sflag:s17] =	ssyncadd.s32 $0xFFFFD800  }
0xd3: {  	_ =	sfence.sel $0x180000  }
0xd4: {  	[bflag:$0x0] =	sbarrier.arrive $0xFFFF  }
0xd5: {  	_ =	strace $0x90000050  }
0xd6: {  	s0 =	stileid.u32;
	[bflag:$0x2] =	sbarrier.arrive $0xFFFF  }
0xd7: {  	p0 =	sne.s32 s0, $0x0;
	s0 =	rddreg [dreg:$0x2]  }
0xd8: {  	s0 =	sadd.s32 @!p0 $0x100000, s0  }
0xd9: {  	[sflag:s0] =	ssyncadd.tile.s32 @!p0 $0x1;
	_ =	shalt  }
.Lfunc_end2:
_tile_overlayer_lowered:
.L_overlay_start_2:
0xda: {  	(tag) =	ssettag $0x2  }
0xdb: {  	s0 =	rddreg [dreg:$0x0];
	s2 =	stileid.u32  }
0xdc: {  	s1 =	rddreg [dreg:$0x1];
	p0 =	sne.s32 s2, $0x0  }
0xdd: {  	s3 =	rddreg [dreg:$0x2];
	[bflag:$0x3] =	sbarrier.arrive $0xFFFF;
	s2 =	simm.s32 @!p0 $0x1C04  }
0xde: {  	[timem:s3], [sflag:s2] =	dma.local @!p0 [hbm:s0], s1  }
0xdf: {  	s0 =	simm.s32 @!p0 $0x4  }
0xe0: {  	_ =	swait.ge @!p0 [sflag:s0], s1  }
0xe1: {  	s1 =	ssub.s32 @!p0 $0x0, s1;
	[sflag:s0] =	ssyncset.done @!p0 $0x0  }
0xe2: {  	[sflag:s0] =	ssyncadd.s32 @!p0 s1  }
0xe3: {  	[bflag:$0x3] =	sbarrier.arrive $0xFFFF  }
0xe4: {  	_ =	shalt  }

</sc_bundles>
